<compile_context>
chip_gen: v7x
topology: tpu7x:2x2x1
jax: 0.10.2.dev20260603
libtpu: 0.0.44.dev20260713+nightly
codegen_flags: <defaults>
</compile_context>

<pallas_src>
import functools

import jax
import jax.numpy as jnp
from jax import lax
from jax.experimental import pallas as pl
from jax.experimental.pallas import tpu as pltpu
from jax.experimental.pallas import tpu_sc as plsc

_N = 10000
_NP = 10112
_F = 128
_E = 320000
_NW = 32
_EPT = 10240
_EPAD = _EPT * _NW
_RPS = _NP // 16

_mesh = plsc.VectorSubcoreMesh(core_axis_name="c", subcore_axis_name="s")


@functools.partial(
    pl.kernel,
    out_type=(jax.ShapeDtypeStruct((_NW, _NP), jnp.float32),
              jax.ShapeDtypeStruct((_NW, _NP), jnp.float32)),
    mesh=_mesh,
    scratch_types=(
        pltpu.VMEM((_EPT,), jnp.int32),
        pltpu.VMEM((_EPT,), jnp.int32),
        pltpu.VMEM((_NP,), jnp.float32),
        pltpu.VMEM((_NP,), jnp.float32),
    ),
    compiler_params=pltpu.CompilerParams(needs_layout_passes=False),
)
def _degrees(src_hbm, dst_hbm, out_o, out_i, src_v, dst_v, hist_o, hist_i):
    c = lax.axis_index("c")
    s = lax.axis_index("s")
    wid = s * 2 + c

    zero16 = jnp.zeros((16,), jnp.float32)

    def zbody(j, carry):
        hist_o[pl.ds(j * 16, 16)] = zero16
        hist_i[pl.ds(j * 16, 16)] = zero16
        return carry

    lax.fori_loop(0, _NP // 16, zbody, 0)

    pltpu.sync_copy(src_hbm.at[pl.ds(wid * _EPT, _EPT)], src_v)
    pltpu.sync_copy(dst_hbm.at[pl.ds(wid * _EPT, _EPT)], dst_v)

    one16 = jnp.ones((16,), jnp.float32)

    def body(j, carry):
        sl = pl.ds(j * 16, 16)
        plsc.addupdate_scatter(hist_o, [src_v[sl]], one16)
        plsc.addupdate_scatter(hist_i, [dst_v[sl]], one16)
        return carry

    lax.fori_loop(0, _EPT // 16, body, 0)

    pltpu.sync_copy(hist_o, out_o.at[wid])
    pltpu.sync_copy(hist_i, out_i.at[wid])


_KC = 128
_NCHP = 40
_EPP = _NCHP * _KC
_BIGC = 0
_PBIG = 3
_PSML = 1
_EPT_BIG = _PBIG * _EPP
_EPT_SML = _PSML * _EPP
_EBIG = 16 * _EPT_BIG
_NBUF = 2


@functools.partial(
    pl.kernel,
    out_type=jax.ShapeDtypeStruct((2, _NP, _F), jnp.float32),
    mesh=_mesh,
    scratch_types=(
        pltpu.VMEM((_EPP,), jnp.int32),
        pltpu.VMEM((_NCHP, _KC), jnp.int32),
        pltpu.VMEM((_NBUF, _KC, _F), jnp.float32),
        pltpu.VMEM_SHARED((_NP, _F), jnp.float32),
        pltpu.SemaphoreType.DMA((_NBUF,)),
        pltpu.SemaphoreType.DMA((_NBUF,)),
    ),
)
def _aggregate(hn_hbm, src_hbm, dst2_hbm, out_hbm,
               idx_s, idx_d, rows, acc, gsem, ssem):
    c = lax.axis_index("c")
    s = lax.axis_index("s")
    big = c == _BIGC
    base_e = jnp.where(big, s * _EPT_BIG, _EBIG + s * _EPT_SML)
    base_c = jnp.where(big, s * (_PBIG * _NCHP),
                       (_EBIG // _KC) + s * (_PSML * _NCHP))

    zero16 = jnp.zeros((16,), jnp.float32)

    def zrow(j, carry):
        r = j // (_F // 16)
        l = j % (_F // 16)
        rows[0, r, pl.ds(l * 16, 16)] = zero16
        return carry

    lax.fori_loop(0, _KC * (_F // 16), zrow, 0)
    _NZ = _RPS // _KC
    for t in range(_NZ):
        pltpu.sync_copy(rows.at[0], acc.at[pl.ds(s * _RPS + t * _KC, _KC)])
    pltpu.sync_copy(rows.at[0, :_RPS - _NZ * _KC],
                    acc.at[pl.ds(s * _RPS + _NZ * _KC, _RPS - _NZ * _KC)])
    plsc.subcore_barrier()

    def gather_start(i, b):
        pltpu.async_copy(hn_hbm.at[idx_s.at[pl.ds(i * _KC, _KC)]],
                         rows.at[b], gsem.at[b])

    def gather_wait(i, b):
        pltpu.make_async_copy(hn_hbm.at[idx_s.at[pl.ds(i * _KC, _KC)]],
                              rows.at[b], gsem.at[b]).wait()

    def scatter_start(i, b):
        pltpu.async_copy(rows.at[b], acc.at[idx_d.at[i]], ssem.at[b],
                         add=True)

    def scatter_wait(i, b):
        pltpu.make_async_copy(rows.at[b], acc.at[idx_d.at[i]],
                              ssem.at[b]).wait()

    def run_pass(p):
        pltpu.sync_copy(src_hbm.at[pl.ds(base_e + p * _EPP, _EPP)], idx_s)
        pltpu.sync_copy(dst2_hbm.at[pl.ds(base_c + p * _NCHP, _NCHP)], idx_d)

        gather_start(0, 0)

        def chunk(i, carry):
            b = lax.rem(i, _NBUF)
            gather_wait(i, b)
            scatter_start(i, b)

            @pl.when(i + 1 < _NCHP)
            def _():
                @pl.when(i >= 1)
                def _():
                    scatter_wait(i - 1, 1 - b)

                gather_start(i + 1, 1 - b)

            return carry

        lax.fori_loop(0, _NCHP, chunk, 0)

        scatter_wait(_NCHP - 2, _NCHP % 2)
        scatter_wait(_NCHP - 1, (_NCHP - 1) % 2)

    run_pass(0)
    for p in range(1, _PBIG):
        @pl.when(big)
        def _():
            run_pass(p)

    plsc.subcore_barrier()
    pltpu.sync_copy(acc.at[pl.ds(s * _RPS, _RPS)],
                    out_hbm.at[c, pl.ds(s * _RPS, _RPS)])


def _norms_body(ho_ref, hi_ref, ns_ref, nd_ref):
    dego = jnp.sum(ho_ref[...], axis=0, keepdims=True)
    degi = jnp.sum(hi_ref[...], axis=0, keepdims=True)
    ns_ref[...] = jnp.where(dego > 0, lax.rsqrt(jnp.maximum(dego, 1.0)), 0.0)
    nd_ref[...] = jnp.where(degi > 0, lax.rsqrt(jnp.maximum(degi, 1.0)), 0.0)


_norms = pl.pallas_call(
    _norms_body,
    out_shape=(jax.ShapeDtypeStruct((1, _NP), jnp.float32),
               jax.ShapeDtypeStruct((1, _NP), jnp.float32)),
)

_R = 2528


def _scale_body(x_ref, n_ref, o_ref):
    o_ref[...] = x_ref[...] * n_ref[...]


_scale = pl.pallas_call(
    _scale_body,
    grid=(_NP // _R,),
    in_specs=[pl.BlockSpec((_R, _F), lambda i: (i, 0)),
              pl.BlockSpec((_R, 1), lambda i: (i, 0))],
    out_specs=pl.BlockSpec((_R, _F), lambda i: (i, 0)),
    out_shape=jax.ShapeDtypeStruct((_NP, _F), jnp.float32),
)


def _mm_relu_body(agg_ref, w_ref, b_ref, nd_ref, ns_ref, o_ref):
    agg = agg_ref[0] + agg_ref[1]
    y = jnp.dot(agg, w_ref[...], preferred_element_type=jnp.float32)
    y = y * nd_ref[...] + b_ref[...]
    o_ref[...] = jnp.maximum(y, 0.0) * ns_ref[...]


_mm_relu = pl.pallas_call(
    _mm_relu_body,
    grid=(_NP // _R,),
    in_specs=[pl.BlockSpec((2, _R, _F), lambda i: (0, i, 0)),
              pl.BlockSpec((_F, _F), lambda i: (0, 0)),
              pl.BlockSpec((1, _F), lambda i: (0, 0)),
              pl.BlockSpec((_R, 1), lambda i: (i, 0)),
              pl.BlockSpec((_R, 1), lambda i: (i, 0))],
    out_specs=pl.BlockSpec((_R, _F), lambda i: (i, 0)),
    out_shape=jax.ShapeDtypeStruct((_NP, _F), jnp.float32),
)


def _mm_out_body(agg_ref, w_ref, b_ref, nd_ref, o_ref):
    agg = agg_ref[0] + agg_ref[1]
    y = jnp.dot(agg, w_ref[...], preferred_element_type=jnp.float32)
    o_ref[...] = y * nd_ref[...] + b_ref[...]


_mm_out = pl.pallas_call(
    _mm_out_body,
    grid=(_NP // _R,),
    in_specs=[pl.BlockSpec((2, _R, _F), lambda i: (0, i, 0)),
              pl.BlockSpec((_F, _F), lambda i: (0, 0)),
              pl.BlockSpec((1, _F), lambda i: (0, 0)),
              pl.BlockSpec((_R, 1), lambda i: (i, 0))],
    out_specs=pl.BlockSpec((_R, _F), lambda i: (i, 0)),
    out_shape=jax.ShapeDtypeStruct((_NP, _F), jnp.float32),
)


def kernel(features, edge_index, W1, b1, W2, b2):
    src = edge_index[0].astype(jnp.int32)
    dst = edge_index[1].astype(jnp.int32)
    pad = jnp.full((_EPAD - _E,), _N, jnp.int32)
    src_p = jnp.concatenate([src, pad])
    dst_p = jnp.concatenate([dst, pad])
    dst2 = dst_p.reshape(_EPAD // _KC, _KC)
    feat_p = jnp.concatenate(
        [features.astype(jnp.float32), jnp.zeros((_NP - _N, _F), jnp.float32)])

    hist_o, hist_i = _degrees(src_p, dst_p)
    ns_row, nd_row = _norms(hist_o, hist_i)
    ns = ns_row.reshape(_NP, 1)
    nd = nd_row.reshape(_NP, 1)

    hn1 = _scale(feat_p, ns)
    agg1 = _aggregate(hn1, src_p, dst2)
    h1n = _mm_relu(agg1, W1, b1.reshape(1, _F), nd, ns)
    agg2 = _aggregate(h1n, src_p, dst2)
    out = _mm_out(agg2, W2, b2.reshape(1, _F), nd)
    return out[:_N]

# --- scband reference (transcript-rebuilt; emitter-appended) ---
"""Pipeline reference for scband-gcn-4432406250065 (READ-ONLY COPY).

The authoritative reference and input builder live on the scoring server;
editing this copy changes nothing except your own understanding.
"""

import jax, jax.numpy as jnp
import numpy as np

N_NODES = 10000
N_EDGES = 320000
IN_FEATS = 128
HIDDEN = 128
OUT_FEATS = 128


def setup_inputs(seed: int = 0) -> dict:
    key = jax.random.key(seed)
    k1, k2, k3, k4, k5, k6 = jax.random.split(key, 6)
    features = jax.random.normal(k1, (N_NODES, IN_FEATS), dtype=jnp.float32)
    edge_index = jax.random.randint(k2, (2, N_EDGES), 0, N_NODES, dtype=jnp.int64)
    # Glorot-style init for GraphConv weights, zeros for biases (DGL default)
    W1 = jax.random.normal(k3, (IN_FEATS, HIDDEN), dtype=jnp.float32) * (1.0 / np.sqrt(IN_FEATS))
    b1 = jnp.zeros((HIDDEN,), dtype=jnp.float32)
    W2 = jax.random.normal(k4, (HIDDEN, OUT_FEATS), dtype=jnp.float32) * (1.0 / np.sqrt(HIDDEN))
    b2 = jnp.zeros((OUT_FEATS,), dtype=jnp.float32)
    return {"features": features, "edge_index": edge_index, "W1": W1, "b1": b1, "W2": W2, "b2": b2}


def _graph_conv(h, src, dst, W, b, n_nodes):
    # DGL GraphConv with norm='both':
    #   h' = D_in^{-1/2} A D_out^{-1/2} h W + b
    e = src.shape[0]
    ones = jnp.ones((e,), dtype=h.dtype)
    deg_out = jax.ops.segment_sum(ones, src, num_segments=n_nodes)
    deg_in = jax.ops.segment_sum(ones, dst, num_segments=n_nodes)
    norm_src = jnp.where(deg_out > 0, jax.lax.rsqrt(jnp.maximum(deg_out, 1.0)), 0.0)
    norm_dst = jnp.where(deg_in > 0, jax.lax.rsqrt(jnp.maximum(deg_in, 1.0)), 0.0)
    h = h * norm_src[:, None]
    h = h @ W
    msg = jnp.take(h, src, axis=0)
    agg = jax.ops.segment_sum(msg, dst, num_segments=n_nodes)
    out = agg * norm_dst[:, None] + b
    return out


def reference(features, edge_index, W1, b1, W2, b2):
    src = edge_index[0]
    dst = edge_index[1]
    h = features.astype(jnp.float32)
    h = _graph_conv(h, src, dst, W1, b1, N_NODES)
    h = jax.nn.relu(h)
    h = _graph_conv(h, src, dst, W2, b2, N_NODES)
    return h

if __name__ == "__main__":
    import jax
    _d = setup_inputs()
    print(jax.jit(kernel)(*tuple(_d.values())))

</pallas_src>

<mosaic_0001>
#map = affine_map<(d0, d1) -> (0)>
#map1 = affine_map<(d0, d1) -> (0, 0)>
module attributes {stable_mosaic.version = 14 : i64} {
  func.func @_degrees(%arg0: i32, %arg1: i32, %arg2: memref<327680xi32, #tpu.memory_space<hbm>>, %arg3: memref<327680xi32, #tpu.memory_space<hbm>>, %arg4: memref<32x10112xf32, #tpu.memory_space<hbm>>, %arg5: memref<32x10112xf32, #tpu.memory_space<hbm>>, %arg6: memref<10240xi32, #tpu.memory_space<vmem>>, %arg7: memref<10240xi32, #tpu.memory_space<vmem>>, %arg8: memref<10112xf32, #tpu.memory_space<vmem>>, %arg9: memref<10112xf32, #tpu.memory_space<vmem>>) attributes {dimension_semantics = [#tpu.dimension_semantics<core_parallel>, #tpu.dimension_semantics<subcore_parallel>], iteration_bounds = array<i64: 2, 16>, scalar_prefetch = 0 : i64, scratch_operands = 4 : i64, tpu.core_type = #tpu.core_type<sc_vector_subcore>, window_params = [{transform_indices = #map}, {transform_indices = #map}, {transform_indices = #map1}, {transform_indices = #map1}]} {
    %mul3A = arith.constant 2 : i32
    %mul3A_0 = arith.muli %arg1, %mul3A : i32
    %add3A = arith.addi %mul3A_0, %arg0 : i32
    %broadcast_in_dim3A = arith.constant 0.000000e+00 : f32
    %broadcast_in_dim3A_1 = vector.broadcast %broadcast_in_dim3A : f32 to vector<16xf32>
    %scan3A = arith.constant 0 : i32
    %scan3A_2 = arith.constant 0 : i32
    %scan3A_3 = arith.constant 632 : i32
    %scan3A_4 = arith.addi %scan3A_2, %scan3A_3 : i32
    %scan3A_5 = arith.constant 1 : i32
    scf.for %scan3A_19 = %scan3A_2 to %scan3A_4 step %scan3A_5  : i32 {
      %mul3A_20 = arith.constant 16 : i32
      %mul3A_21 = arith.muli %scan3A_19, %mul3A_20 : i32
      %swap3A = arith.index_cast %mul3A_21 : i32 to index
      %swap3A_22 = tpu.vector_load %arg8[%swap3A] {strides = array<i32>} : memref<10112xf32, #tpu.memory_space<vmem>>, vector<16xf32>,
      tpu.vector_store %arg8[%swap3A], %broadcast_in_dim3A_1 {strides = array<i32>} : memref<10112xf32, #tpu.memory_space<vmem>>, vector<16xf32>,
      %mul3A_23 = arith.constant 16 : i32
      %mul3A_24 = arith.muli %scan3A_19, %mul3A_23 : i32
      %swap3A_25 = arith.index_cast %mul3A_24 : i32 to index
      %swap3A_26 = tpu.vector_load %arg9[%swap3A_25] {strides = array<i32>} : memref<10112xf32, #tpu.memory_space<vmem>>, vector<16xf32>,
      tpu.vector_store %arg9[%swap3A_25], %broadcast_in_dim3A_1 {strides = array<i32>} : memref<10112xf32, #tpu.memory_space<vmem>>, vector<16xf32>,
    }
    %scan3A_6 = arith.constant 632 : i32
    %mul3A_7 = arith.constant 10240 : i32
    %mul3A_8 = arith.muli %add3A, %mul3A_7 : i32
    "tpu.region"() ({
      %run_scoped3A = tpu.sem_alloc : memref<!tpu.dma_semaphore, #tpu.memory_space<semaphore_mem>>
      %dma_start3A = tpu.memref_slice %arg2[%mul3A_8] : memref<327680xi32, #tpu.memory_space<hbm>> -> memref<10240xi32, #tpu.memory_space<hbm>>
      %dma_start3A_19 = tpu.memref_slice %arg2[%mul3A_8] : memref<327680xi32, #tpu.memory_space<hbm>> -> memref<10240xi32, #tpu.memory_space<hbm>>
      tpu.enqueue_dma source(%dma_start3A_19 : memref<10240xi32, #tpu.memory_space<hbm>>) target(%arg6 : memref<10240xi32, #tpu.memory_space<vmem>>) target_semaphore(%run_scoped3A : memref<!tpu.dma_semaphore, #tpu.memory_space<semaphore_mem>>)
      %dma_wait3A = tpu.memref_slice %arg2[%mul3A_8] : memref<327680xi32, #tpu.memory_space<hbm>> -> memref<10240xi32, #tpu.memory_space<hbm>>
      %dma_wait3A_20 = tpu.memref_slice %arg2[%mul3A_8] : memref<327680xi32, #tpu.memory_space<hbm>> -> memref<10240xi32, #tpu.memory_space<hbm>>
      tpu.wait_dma2 semaphore(%run_scoped3A : memref<!tpu.dma_semaphore, #tpu.memory_space<semaphore_mem>>) src(%dma_wait3A_20 : memref<10240xi32, #tpu.memory_space<hbm>>) dst(%arg6 : memref<10240xi32, #tpu.memory_space<vmem>>)
      tpu.yield
    }) : () -> ()
    %mul3A_9 = arith.constant 10240 : i32
    %mul3A_10 = arith.muli %add3A, %mul3A_9 : i32
    "tpu.region"() ({
      %run_scoped3A = tpu.sem_alloc : memref<!tpu.dma_semaphore, #tpu.memory_space<semaphore_mem>>
      %dma_start3A = tpu.memref_slice %arg3[%mul3A_10] : memref<327680xi32, #tpu.memory_space<hbm>> -> memref<10240xi32, #tpu.memory_space<hbm>>
      %dma_start3A_19 = tpu.memref_slice %arg3[%mul3A_10] : memref<327680xi32, #tpu.memory_space<hbm>> -> memref<10240xi32, #tpu.memory_space<hbm>>
      tpu.enqueue_dma source(%dma_start3A_19 : memref<10240xi32, #tpu.memory_space<hbm>>) target(%arg7 : memref<10240xi32, #tpu.memory_space<vmem>>) target_semaphore(%run_scoped3A : memref<!tpu.dma_semaphore, #tpu.memory_space<semaphore_mem>>)
      %dma_wait3A = tpu.memref_slice %arg3[%mul3A_10] : memref<327680xi32, #tpu.memory_space<hbm>> -> memref<10240xi32, #tpu.memory_space<hbm>>
      %dma_wait3A_20 = tpu.memref_slice %arg3[%mul3A_10] : memref<327680xi32, #tpu.memory_space<hbm>> -> memref<10240xi32, #tpu.memory_space<hbm>>
      tpu.wait_dma2 semaphore(%run_scoped3A : memref<!tpu.dma_semaphore, #tpu.memory_space<semaphore_mem>>) src(%dma_wait3A_20 : memref<10240xi32, #tpu.memory_space<hbm>>) dst(%arg7 : memref<10240xi32, #tpu.memory_space<vmem>>)
      tpu.yield
    }) : () -> ()
    %broadcast_in_dim3A_11 = arith.constant 1.000000e+00 : f32
    %broadcast_in_dim3A_12 = vector.broadcast %broadcast_in_dim3A_11 : f32 to vector<16xf32>
    %scan3A_13 = arith.constant 0 : i32
    %scan3A_14 = arith.constant 0 : i32
    %scan3A_15 = arith.constant 640 : i32
    %scan3A_16 = arith.addi %scan3A_14, %scan3A_15 : i32
    %scan3A_17 = arith.constant 1 : i32
    scf.for %scan3A_19 = %scan3A_14 to %scan3A_16 step %scan3A_17  : i32 {
      %mul3A_20 = arith.constant 16 : i32
      %mul3A_21 = arith.muli %scan3A_19, %mul3A_20 : i32
      %get3A = arith.index_cast %mul3A_21 : i32 to index
      %get3A_22 = tpu.vector_load %arg6[%get3A] {strides = array<i32>} : memref<10240xi32, #tpu.memory_space<vmem>>, vector<16xi32>,
      tpu.vector_store_idx %arg8[%get3A_22], %broadcast_in_dim3A_12 {add = true} : memref<10112xf32, #tpu.memory_space<vmem>>[vector<16xi32>], vector<16xf32>,
      %get3A_23 = arith.index_cast %mul3A_21 : i32 to index
      %get3A_24 = tpu.vector_load %arg7[%get3A_23] {strides = array<i32>} : memref<10240xi32, #tpu.memory_space<vmem>>, vector<16xi32>,
      tpu.vector_store_idx %arg9[%get3A_24], %broadcast_in_dim3A_12 {add = true} : memref<10112xf32, #tpu.memory_space<vmem>>[vector<16xi32>], vector<16xf32>,
    }
    %scan3A_18 = arith.constant 640 : i32
    "tpu.region"() ({
      %run_scoped3A = tpu.sem_alloc : memref<!tpu.dma_semaphore, #tpu.memory_space<semaphore_mem>>
      %dma_start3A = arith.constant 0 : i32
      %dma_start3A_19 = tpu.memref_slice %arg4[%add3A, %dma_start3A] : memref<32x10112xf32, #tpu.memory_space<hbm>> -> memref<1x10112xf32, #tpu.memory_space<hbm>>
      %dma_start3A_20 = tpu.memref_squeeze %dma_start3A_19 : memref<1x10112xf32, #tpu.memory_space<hbm>> -> memref<10112xf32, #tpu.memory_space<hbm>>
      %dma_start3A_21 = arith.constant 0 : i32
      %dma_start3A_22 = tpu.memref_slice %arg4[%add3A, %dma_start3A_21] : memref<32x10112xf32, #tpu.memory_space<hbm>> -> memref<1x10112xf32, #tpu.memory_space<hbm>>
      %dma_start3A_23 = tpu.memref_squeeze %dma_start3A_22 : memref<1x10112xf32, #tpu.memory_space<hbm>> -> memref<10112xf32, #tpu.memory_space<hbm>>
      tpu.enqueue_dma source(%arg8 : memref<10112xf32, #tpu.memory_space<vmem>>) target(%dma_start3A_23 : memref<10112xf32, #tpu.memory_space<hbm>>) target_semaphore(%run_scoped3A : memref<!tpu.dma_semaphore, #tpu.memory_space<semaphore_mem>>)
      %dma_wait3A = arith.constant 0 : i32
      %dma_wait3A_24 = tpu.memref_slice %arg4[%add3A, %dma_wait3A] : memref<32x10112xf32, #tpu.memory_space<hbm>> -> memref<1x10112xf32, #tpu.memory_space<hbm>>
      %dma_wait3A_25 = tpu.memref_squeeze %dma_wait3A_24 : memref<1x10112xf32, #tpu.memory_space<hbm>> -> memref<10112xf32, #tpu.memory_space<hbm>>
      %dma_wait3A_26 = arith.constant 0 : i32
      %dma_wait3A_27 = tpu.memref_slice %arg4[%add3A, %dma_wait3A_26] : memref<32x10112xf32, #tpu.memory_space<hbm>> -> memref<1x10112xf32, #tpu.memory_space<hbm>>
      %dma_wait3A_28 = tpu.memref_squeeze %dma_wait3A_27 : memref<1x10112xf32, #tpu.memory_space<hbm>> -> memref<10112xf32, #tpu.memory_space<hbm>>
      tpu.wait_dma2 semaphore(%run_scoped3A : memref<!tpu.dma_semaphore, #tpu.memory_space<semaphore_mem>>) src(%arg8 : memref<10112xf32, #tpu.memory_space<vmem>>) dst(%dma_wait3A_28 : memref<10112xf32, #tpu.memory_space<hbm>>)
      tpu.yield
    }) : () -> ()
    "tpu.region"() ({
      %run_scoped3A = tpu.sem_alloc : memref<!tpu.dma_semaphore, #tpu.memory_space<semaphore_mem>>
      %dma_start3A = arith.constant 0 : i32
      %dma_start3A_19 = tpu.memref_slice %arg5[%add3A, %dma_start3A] : memref<32x10112xf32, #tpu.memory_space<hbm>> -> memref<1x10112xf32, #tpu.memory_space<hbm>>
      %dma_start3A_20 = tpu.memref_squeeze %dma_start3A_19 : memref<1x10112xf32, #tpu.memory_space<hbm>> -> memref<10112xf32, #tpu.memory_space<hbm>>
      %dma_start3A_21 = arith.constant 0 : i32
      %dma_start3A_22 = tpu.memref_slice %arg5[%add3A, %dma_start3A_21] : memref<32x10112xf32, #tpu.memory_space<hbm>> -> memref<1x10112xf32, #tpu.memory_space<hbm>>
      %dma_start3A_23 = tpu.memref_squeeze %dma_start3A_22 : memref<1x10112xf32, #tpu.memory_space<hbm>> -> memref<10112xf32, #tpu.memory_space<hbm>>
      tpu.enqueue_dma source(%arg9 : memref<10112xf32, #tpu.memory_space<vmem>>) target(%dma_start3A_23 : memref<10112xf32, #tpu.memory_space<hbm>>) target_semaphore(%run_scoped3A : memref<!tpu.dma_semaphore, #tpu.memory_space<semaphore_mem>>)
      %dma_wait3A = arith.constant 0 : i32
      %dma_wait3A_24 = tpu.memref_slice %arg5[%add3A, %dma_wait3A] : memref<32x10112xf32, #tpu.memory_space<hbm>> -> memref<1x10112xf32, #tpu.memory_space<hbm>>
      %dma_wait3A_25 = tpu.memref_squeeze %dma_wait3A_24 : memref<1x10112xf32, #tpu.memory_space<hbm>> -> memref<10112xf32, #tpu.memory_space<hbm>>
      %dma_wait3A_26 = arith.constant 0 : i32
      %dma_wait3A_27 = tpu.memref_slice %arg5[%add3A, %dma_wait3A_26] : memref<32x10112xf32, #tpu.memory_space<hbm>> -> memref<1x10112xf32, #tpu.memory_space<hbm>>
      %dma_wait3A_28 = tpu.memref_squeeze %dma_wait3A_27 : memref<1x10112xf32, #tpu.memory_space<hbm>> -> memref<10112xf32, #tpu.memory_space<hbm>>
      tpu.wait_dma2 semaphore(%run_scoped3A : memref<!tpu.dma_semaphore, #tpu.memory_space<semaphore_mem>>) src(%arg9 : memref<10112xf32, #tpu.memory_space<vmem>>) dst(%dma_wait3A_28 : memref<10112xf32, #tpu.memory_space<hbm>>)
      tpu.yield
    }) : () -> ()
    return
  }
}

#map = affine_map<(d0, d1) -> (0, 0)>
#map1 = affine_map<(d0, d1) -> (0)>
#map2 = affine_map<(d0, d1) -> (0, 0, 0)>
module attributes {stable_mosaic.version = 14 : i64} {
  func.func @_aggregate(%arg0: i32, %arg1: i32, %arg2: memref<10112x128xf32, #tpu.memory_space<hbm>>, %arg3: memref<327680xi32, #tpu.memory_space<hbm>>, %arg4: memref<2560x128xi32, #tpu.memory_space<hbm>>, %arg5: memref<2x10112x128xf32, #tpu.memory_space<hbm>>, %arg6: memref<5120xi32, #tpu.memory_space<vmem>>, %arg7: memref<40x128xi32, #tpu.memory_space<vmem>>, %arg8: memref<2x128x128xf32, #tpu.memory_space<vmem>>, %arg9: memref<10112x128xf32, #tpu.memory_space<vmem_shared>>, %arg10: memref<2x!tpu.dma_semaphore, #tpu.memory_space<semaphore_mem>>, %arg11: memref<2x!tpu.dma_semaphore, #tpu.memory_space<semaphore_mem>>) attributes {dimension_semantics = [#tpu.dimension_semantics<core_parallel>, #tpu.dimension_semantics<subcore_parallel>], iteration_bounds = array<i64: 2, 16>, scalar_prefetch = 0 : i64, scratch_operands = 6 : i64, tpu.core_type = #tpu.core_type<sc_vector_subcore>, window_params = [{transform_indices = #map}, {transform_indices = #map1}, {transform_indices = #map}, {transform_indices = #map2}]} {
    %eq3A = arith.constant 0 : i32
    %eq3A_0 = arith.cmpi eq, %arg0, %eq3A : i32
    %mul3A = arith.constant 15360 : i32
    %mul3A_1 = arith.muli %arg1, %mul3A : i32
    %mul3A_2 = arith.constant 5120 : i32
    %mul3A_3 = arith.muli %arg1, %mul3A_2 : i32
    %add3A = arith.constant 245760 : i32
    %add3A_4 = arith.addi %add3A, %mul3A_3 : i32
    %select_n3A = arith.select %eq3A_0, %mul3A_1, %add3A_4 : i32
    %mul3A_5 = arith.constant 120 : i32
    %mul3A_6 = arith.muli %arg1, %mul3A_5 : i32
    %mul3A_7 = arith.constant 40 : i32
    %mul3A_8 = arith.muli %arg1, %mul3A_7 : i32
    %add3A_9 = arith.constant 1920 : i32
    %add3A_10 = arith.addi %add3A_9, %mul3A_8 : i32
    %select_n3A_11 = arith.select %eq3A_0, %mul3A_6, %add3A_10 : i32
    %broadcast_in_dim3A = arith.constant 0.000000e+00 : f32
    %broadcast_in_dim3A_12 = vector.broadcast %broadcast_in_dim3A : f32 to vector<16xf32>
    %scan3A = arith.constant 0 : i32
    %scan3A_13 = arith.constant 0 : i32
    %scan3A_14 = arith.constant 1024 : i32
    %scan3A_15 = arith.addi %scan3A_13, %scan3A_14 : i32
    %scan3A_16 = arith.constant 1 : i32
    scf.for %scan3A_102 = %scan3A_13 to %scan3A_15 step %scan3A_16  : i32 {
      %jit3A = arith.constant 8 : i32
      %div3A = arith.divsi %scan3A_102, %jit3A : i32
      %sign3A = arith.constant 0 : i32
      %sign3A_103 = arith.cmpi sgt, %scan3A_102, %sign3A : i32
      %sign3A_104 = arith.extui %sign3A_103 : i1 to i32
      %sign3A_105 = arith.constant 0 : i32
      %sign3A_106 = arith.cmpi slt, %scan3A_102, %sign3A_105 : i32
      %sign3A_107 = arith.extui %sign3A_106 : i1 to i32
      %sign3A_108 = arith.subi %sign3A_104, %sign3A_107 : i32
      %sign3A_109 = arith.constant 0 : i32
      %sign3A_110 = arith.cmpi sgt, %jit3A, %sign3A_109 : i32
      %sign3A_111 = arith.extui %sign3A_110 : i1 to i32
      %sign3A_112 = arith.constant 0 : i32
      %sign3A_113 = arith.cmpi slt, %jit3A, %sign3A_112 : i32
      %sign3A_114 = arith.extui %sign3A_113 : i1 to i32
      %sign3A_115 = arith.subi %sign3A_111, %sign3A_114 : i32
      %ne3A = arith.cmpi ne, %sign3A_108, %sign3A_115 : i32
      %rem3A = arith.remsi %scan3A_102, %jit3A : i32
      %ne3A_116 = arith.constant 0 : i32
      %ne3A_117 = arith.cmpi ne, %rem3A, %ne3A_116 : i32
      %and3A = arith.andi %ne3A, %ne3A_117 : i1
      %sub3A = arith.constant 1 : i32
      %sub3A_118 = arith.subi %div3A, %sub3A : i32
      %select_n3A_119 = arith.select %and3A, %sub3A_118, %div3A : i32
      %jit3A_120 = arith.constant 8 : i32
      %eq3A_121 = arith.constant 0 : i32
      %eq3A_122 = arith.cmpi eq, %jit3A_120, %eq3A_121 : i32
      %jit3A_123 = arith.constant 1 : i32
      %select_n3A_124 = arith.select %eq3A_122, %jit3A_123, %jit3A_120 : i32
      %rem3A_125 = arith.remsi %scan3A_102, %select_n3A_124 : i32
      %ne3A_126 = arith.constant 0 : i32
      %ne3A_127 = arith.cmpi ne, %rem3A_125, %ne3A_126 : i32
      %lt3A = arith.constant 0 : i32
      %lt3A_128 = arith.cmpi slt, %rem3A_125, %lt3A : i32
      %lt3A_129 = arith.constant 0 : i32
      %lt3A_130 = arith.cmpi slt, %select_n3A_124, %lt3A_129 : i32
      %ne3A_131 = arith.xori %lt3A_128, %lt3A_130 : i1
      %and3A_132 = arith.andi %ne3A_131, %ne3A_127 : i1
      %add3A_133 = arith.addi %rem3A_125, %select_n3A_124 : i32
      %select_n3A_134 = arith.select %and3A_132, %add3A_133, %rem3A_125 : i32
      %mul3A_135 = arith.constant 16 : i32
      %mul3A_136 = arith.muli %select_n3A_134, %mul3A_135 : i32
      %swap3A = arith.constant 0 : i32
      %swap3A_137 = arith.index_cast %swap3A : i32 to index
      %swap3A_138 = arith.index_cast %select_n3A_119 : i32 to index
      %swap3A_139 = arith.index_cast %mul3A_136 : i32 to index
      %swap3A_140 = tpu.vector_load %arg8[%swap3A_137, %swap3A_138, %swap3A_139] {strides = array<i32>} : memref<2x128x128xf32, #tpu.memory_space<vmem>>, vector<1x1x16xf32>,
      %swap3A_141 = vector.shape_cast %swap3A_140 : vector<1x1x16xf32> to vector<16xf32>
      %swap3A_142 = vector.shape_cast %broadcast_in_dim3A_12 : vector<16xf32> to vector<1x1x16xf32>
      tpu.vector_store %arg8[%swap3A_137, %swap3A_138, %swap3A_139], %swap3A_142 {strides = array<i32>} : memref<2x128x128xf32, #tpu.memory_space<vmem>>, vector<1x1x16xf32>,
    }
    %scan3A_17 = arith.constant 1024 : i32
    %mul3A_18 = arith.constant 632 : i32
    %mul3A_19 = arith.muli %arg1, %mul3A_18 : i32
    %add3A_20 = arith.constant 0 : i32
    %add3A_21 = arith.addi %mul3A_19, %add3A_20 : i32
    %run_scoped3A = arith.constant 0 : i32
    "tpu.region"() ({
      %run_scoped3A_102 = tpu.sem_alloc : memref<!tpu.dma_semaphore, #tpu.memory_space<semaphore_mem>>
      %dma_start3A_103 = arith.constant 0 : i32
      %dma_start3A_104 = arith.constant 0 : i32
      %dma_start3A_105 = tpu.memref_slice %arg8[%run_scoped3A, %dma_start3A_103, %dma_start3A_104] : memref<2x128x128xf32, #tpu.memory_space<vmem>> -> memref<1x128x128xf32, #tpu.memory_space<vmem>>
      %dma_start3A_106 = tpu.memref_squeeze %dma_start3A_105 : memref<1x128x128xf32, #tpu.memory_space<vmem>> -> memref<128x128xf32, #tpu.memory_space<vmem>>
      %dma_start3A_107 = arith.constant 0 : i32
      %dma_start3A_108 = tpu.memref_slice %arg9[%add3A_21, %dma_start3A_107] : memref<10112x128xf32, #tpu.memory_space<vmem_shared>> -> memref<128x128xf32, #tpu.memory_space<vmem_shared>>
      %dma_start3A_109 = arith.constant 0 : i32
      %dma_start3A_110 = tpu.memref_slice %arg9[%add3A_21, %dma_start3A_109] : memref<10112x128xf32, #tpu.memory_space<vmem_shared>> -> memref<128x128xf32, #tpu.memory_space<vmem_shared>>
      %dma_start3A_111 = arith.constant 0 : i32
      %dma_start3A_112 = arith.constant 0 : i32
      %dma_start3A_113 = tpu.memref_slice %arg8[%run_scoped3A, %dma_start3A_111, %dma_start3A_112] : memref<2x128x128xf32, #tpu.memory_space<vmem>> -> memref<1x128x128xf32, #tpu.memory_space<vmem>>
      %dma_start3A_114 = tpu.memref_squeeze %dma_start3A_113 : memref<1x128x128xf32, #tpu.memory_space<vmem>> -> memref<128x128xf32, #tpu.memory_space<vmem>>
      tpu.enqueue_dma source(%dma_start3A_114 : memref<128x128xf32, #tpu.memory_space<vmem>>) target(%dma_start3A_110 : memref<128x128xf32, #tpu.memory_space<vmem_shared>>) target_semaphore(%run_scoped3A_102 : memref<!tpu.dma_semaphore, #tpu.memory_space<semaphore_mem>>)
      %dma_wait3A_115 = arith.constant 0 : i32
      %dma_wait3A_116 = arith.constant 0 : i32
      %dma_wait3A_117 = tpu.memref_slice %arg8[%run_scoped3A, %dma_wait3A_115, %dma_wait3A_116] : memref<2x128x128xf32, #tpu.memory_space<vmem>> -> memref<1x128x128xf32, #tpu.memory_space<vmem>>
      %dma_wait3A_118 = tpu.memref_squeeze %dma_wait3A_117 : memref<1x128x128xf32, #tpu.memory_space<vmem>> -> memref<128x128xf32, #tpu.memory_space<vmem>>
      %dma_wait3A_119 = arith.constant 0 : i32
      %dma_wait3A_120 = tpu.memref_slice %arg9[%add3A_21, %dma_wait3A_119] : memref<10112x128xf32, #tpu.memory_space<vmem_shared>> -> memref<128x128xf32, #tpu.memory_space<vmem_shared>>
      %dma_wait3A_121 = arith.constant 0 : i32
      %dma_wait3A_122 = tpu.memref_slice %arg9[%add3A_21, %dma_wait3A_121] : memref<10112x128xf32, #tpu.memory_space<vmem_shared>> -> memref<128x128xf32, #tpu.memory_space<vmem_shared>>
      %dma_wait3A_123 = arith.constant 0 : i32
      %dma_wait3A_124 = arith.constant 0 : i32
      %dma_wait3A_125 = tpu.memref_slice %arg8[%run_scoped3A, %dma_wait3A_123, %dma_wait3A_124] : memref<2x128x128xf32, #tpu.memory_space<vmem>> -> memref<1x128x128xf32, #tpu.memory_space<vmem>>
      %dma_wait3A_126 = tpu.memref_squeeze %dma_wait3A_125 : memref<1x128x128xf32, #tpu.memory_space<vmem>> -> memref<128x128xf32, #tpu.memory_space<vmem>>
      tpu.wait_dma2 semaphore(%run_scoped3A_102 : memref<!tpu.dma_semaphore, #tpu.memory_space<semaphore_mem>>) src(%dma_wait3A_126 : memref<128x128xf32, #tpu.memory_space<vmem>>) dst(%dma_wait3A_122 : memref<128x128xf32, #tpu.memory_space<vmem_shared>>)
      tpu.yield
    }) : () -> ()
    %mul3A_22 = arith.constant 632 : i32
    %mul3A_23 = arith.muli %arg1, %mul3A_22 : i32
    %add3A_24 = arith.constant 128 : i32
    %add3A_25 = arith.addi %mul3A_23, %add3A_24 : i32
    %run_scoped3A_26 = arith.constant 0 : i32
    "tpu.region"() ({
      %run_scoped3A_102 = tpu.sem_alloc : memref<!tpu.dma_semaphore, #tpu.memory_space<semaphore_mem>>
      %dma_start3A_103 = arith.constant 0 : i32
      %dma_start3A_104 = arith.constant 0 : i32
      %dma_start3A_105 = tpu.memref_slice %arg8[%run_scoped3A_26, %dma_start3A_103, %dma_start3A_104] : memref<2x128x128xf32, #tpu.memory_space<vmem>> -> memref<1x128x128xf32, #tpu.memory_space<vmem>>
      %dma_start3A_106 = tpu.memref_squeeze %dma_start3A_105 : memref<1x128x128xf32, #tpu.memory_space<vmem>> -> memref<128x128xf32, #tpu.memory_space<vmem>>
      %dma_start3A_107 = arith.constant 0 : i32
      %dma_start3A_108 = tpu.memref_slice %arg9[%add3A_25, %dma_start3A_107] : memref<10112x128xf32, #tpu.memory_space<vmem_shared>> -> memref<128x128xf32, #tpu.memory_space<vmem_shared>>
      %dma_start3A_109 = arith.constant 0 : i32
      %dma_start3A_110 = tpu.memref_slice %arg9[%add3A_25, %dma_start3A_109] : memref<10112x128xf32, #tpu.memory_space<vmem_shared>> -> memref<128x128xf32, #tpu.memory_space<vmem_shared>>
      %dma_start3A_111 = arith.constant 0 : i32
      %dma_start3A_112 = arith.constant 0 : i32
      %dma_start3A_113 = tpu.memref_slice %arg8[%run_scoped3A_26, %dma_start3A_111, %dma_start3A_112] : memref<2x128x128xf32, #tpu.memory_space<vmem>> -> memref<1x128x128xf32, #tpu.memory_space<vmem>>
      %dma_start3A_114 = tpu.memref_squeeze %dma_start3A_113 : memref<1x128x128xf32, #tpu.memory_space<vmem>> -> memref<128x128xf32, #tpu.memory_space<vmem>>
      tpu.enqueue_dma source(%dma_start3A_114 : memref<128x128xf32, #tpu.memory_space<vmem>>) target(%dma_start3A_110 : memref<128x128xf32, #tpu.memory_space<vmem_shared>>) target_semaphore(%run_scoped3A_102 : memref<!tpu.dma_semaphore, #tpu.memory_space<semaphore_mem>>)
      %dma_wait3A_115 = arith.constant 0 : i32
      %dma_wait3A_116 = arith.constant 0 : i32
      %dma_wait3A_117 = tpu.memref_slice %arg8[%run_scoped3A_26, %dma_wait3A_115, %dma_wait3A_116] : memref<2x128x128xf32, #tpu.memory_space<vmem>> -> memref<1x128x128xf32, #tpu.memory_space<vmem>>
      %dma_wait3A_118 = tpu.memref_squeeze %dma_wait3A_117 : memref<1x128x128xf32, #tpu.memory_space<vmem>> -> memref<128x128xf32, #tpu.memory_space<vmem>>
      %dma_wait3A_119 = arith.constant 0 : i32
      %dma_wait3A_120 = tpu.memref_slice %arg9[%add3A_25, %dma_wait3A_119] : memref<10112x128xf32, #tpu.memory_space<vmem_shared>> -> memref<128x128xf32, #tpu.memory_space<vmem_shared>>
      %dma_wait3A_121 = arith.constant 0 : i32
      %dma_wait3A_122 = tpu.memref_slice %arg9[%add3A_25, %dma_wait3A_121] : memref<10112x128xf32, #tpu.memory_space<vmem_shared>> -> memref<128x128xf32, #tpu.memory_space<vmem_shared>>
      %dma_wait3A_123 = arith.constant 0 : i32
      %dma_wait3A_124 = arith.constant 0 : i32
      %dma_wait3A_125 = tpu.memref_slice %arg8[%run_scoped3A_26, %dma_wait3A_123, %dma_wait3A_124] : memref<2x128x128xf32, #tpu.memory_space<vmem>> -> memref<1x128x128xf32, #tpu.memory_space<vmem>>
      %dma_wait3A_126 = tpu.memref_squeeze %dma_wait3A_125 : memref<1x128x128xf32, #tpu.memory_space<vmem>> -> memref<128x128xf32, #tpu.memory_space<vmem>>
      tpu.wait_dma2 semaphore(%run_scoped3A_102 : memref<!tpu.dma_semaphore, #tpu.memory_space<semaphore_mem>>) src(%dma_wait3A_126 : memref<128x128xf32, #tpu.memory_space<vmem>>) dst(%dma_wait3A_122 : memref<128x128xf32, #tpu.memory_space<vmem_shared>>)
      tpu.yield
    }) : () -> ()
    %mul3A_27 = arith.constant 632 : i32
    %mul3A_28 = arith.muli %arg1, %mul3A_27 : i32
    %add3A_29 = arith.constant 256 : i32
    %add3A_30 = arith.addi %mul3A_28, %add3A_29 : i32
    %run_scoped3A_31 = arith.constant 0 : i32
    "tpu.region"() ({
      %run_scoped3A_102 = tpu.sem_alloc : memref<!tpu.dma_semaphore, #tpu.memory_space<semaphore_mem>>
      %dma_start3A_103 = arith.constant 0 : i32
      %dma_start3A_104 = arith.constant 0 : i32
      %dma_start3A_105 = tpu.memref_slice %arg8[%run_scoped3A_31, %dma_start3A_103, %dma_start3A_104] : memref<2x128x128xf32, #tpu.memory_space<vmem>> -> memref<1x128x128xf32, #tpu.memory_space<vmem>>
      %dma_start3A_106 = tpu.memref_squeeze %dma_start3A_105 : memref<1x128x128xf32, #tpu.memory_space<vmem>> -> memref<128x128xf32, #tpu.memory_space<vmem>>
      %dma_start3A_107 = arith.constant 0 : i32
      %dma_start3A_108 = tpu.memref_slice %arg9[%add3A_30, %dma_start3A_107] : memref<10112x128xf32, #tpu.memory_space<vmem_shared>> -> memref<128x128xf32, #tpu.memory_space<vmem_shared>>
      %dma_start3A_109 = arith.constant 0 : i32
      %dma_start3A_110 = tpu.memref_slice %arg9[%add3A_30, %dma_start3A_109] : memref<10112x128xf32, #tpu.memory_space<vmem_shared>> -> memref<128x128xf32, #tpu.memory_space<vmem_shared>>
      %dma_start3A_111 = arith.constant 0 : i32
      %dma_start3A_112 = arith.constant 0 : i32
      %dma_start3A_113 = tpu.memref_slice %arg8[%run_scoped3A_31, %dma_start3A_111, %dma_start3A_112] : memref<2x128x128xf32, #tpu.memory_space<vmem>> -> memref<1x128x128xf32, #tpu.memory_space<vmem>>
      %dma_start3A_114 = tpu.memref_squeeze %dma_start3A_113 : memref<1x128x128xf32, #tpu.memory_space<vmem>> -> memref<128x128xf32, #tpu.memory_space<vmem>>
      tpu.enqueue_dma source(%dma_start3A_114 : memref<128x128xf32, #tpu.memory_space<vmem>>) target(%dma_start3A_110 : memref<128x128xf32, #tpu.memory_space<vmem_shared>>) target_semaphore(%run_scoped3A_102 : memref<!tpu.dma_semaphore, #tpu.memory_space<semaphore_mem>>)
      %dma_wait3A_115 = arith.constant 0 : i32
      %dma_wait3A_116 = arith.constant 0 : i32
      %dma_wait3A_117 = tpu.memref_slice %arg8[%run_scoped3A_31, %dma_wait3A_115, %dma_wait3A_116] : memref<2x128x128xf32, #tpu.memory_space<vmem>> -> memref<1x128x128xf32, #tpu.memory_space<vmem>>
      %dma_wait3A_118 = tpu.memref_squeeze %dma_wait3A_117 : memref<1x128x128xf32, #tpu.memory_space<vmem>> -> memref<128x128xf32, #tpu.memory_space<vmem>>
      %dma_wait3A_119 = arith.constant 0 : i32
      %dma_wait3A_120 = tpu.memref_slice %arg9[%add3A_30, %dma_wait3A_119] : memref<10112x128xf32, #tpu.memory_space<vmem_shared>> -> memref<128x128xf32, #tpu.memory_space<vmem_shared>>
      %dma_wait3A_121 = arith.constant 0 : i32
      %dma_wait3A_122 = tpu.memref_slice %arg9[%add3A_30, %dma_wait3A_121] : memref<10112x128xf32, #tpu.memory_space<vmem_shared>> -> memref<128x128xf32, #tpu.memory_space<vmem_shared>>
      %dma_wait3A_123 = arith.constant 0 : i32
      %dma_wait3A_124 = arith.constant 0 : i32
      %dma_wait3A_125 = tpu.memref_slice %arg8[%run_scoped3A_31, %dma_wait3A_123, %dma_wait3A_124] : memref<2x128x128xf32, #tpu.memory_space<vmem>> -> memref<1x128x128xf32, #tpu.memory_space<vmem>>
      %dma_wait3A_126 = tpu.memref_squeeze %dma_wait3A_125 : memref<1x128x128xf32, #tpu.memory_space<vmem>> -> memref<128x128xf32, #tpu.memory_space<vmem>>
      tpu.wait_dma2 semaphore(%run_scoped3A_102 : memref<!tpu.dma_semaphore, #tpu.memory_space<semaphore_mem>>) src(%dma_wait3A_126 : memref<128x128xf32, #tpu.memory_space<vmem>>) dst(%dma_wait3A_122 : memref<128x128xf32, #tpu.memory_space<vmem_shared>>)
      tpu.yield
    }) : () -> ()
    %mul3A_32 = arith.constant 632 : i32
    %mul3A_33 = arith.muli %arg1, %mul3A_32 : i32
    %add3A_34 = arith.constant 384 : i32
    %add3A_35 = arith.addi %mul3A_33, %add3A_34 : i32
    %run_scoped3A_36 = arith.constant 0 : i32
    "tpu.region"() ({
      %run_scoped3A_102 = tpu.sem_alloc : memref<!tpu.dma_semaphore, #tpu.memory_space<semaphore_mem>>
      %dma_start3A_103 = arith.constant 0 : i32
      %dma_start3A_104 = arith.constant 0 : i32
      %dma_start3A_105 = tpu.memref_slice %arg8[%run_scoped3A_36, %dma_start3A_103, %dma_start3A_104] : memref<2x128x128xf32, #tpu.memory_space<vmem>> -> memref<1x128x128xf32, #tpu.memory_space<vmem>>
      %dma_start3A_106 = tpu.memref_squeeze %dma_start3A_105 : memref<1x128x128xf32, #tpu.memory_space<vmem>> -> memref<128x128xf32, #tpu.memory_space<vmem>>
      %dma_start3A_107 = arith.constant 0 : i32
      %dma_start3A_108 = tpu.memref_slice %arg9[%add3A_35, %dma_start3A_107] : memref<10112x128xf32, #tpu.memory_space<vmem_shared>> -> memref<128x128xf32, #tpu.memory_space<vmem_shared>>
      %dma_start3A_109 = arith.constant 0 : i32
      %dma_start3A_110 = tpu.memref_slice %arg9[%add3A_35, %dma_start3A_109] : memref<10112x128xf32, #tpu.memory_space<vmem_shared>> -> memref<128x128xf32, #tpu.memory_space<vmem_shared>>
      %dma_start3A_111 = arith.constant 0 : i32
      %dma_start3A_112 = arith.constant 0 : i32
      %dma_start3A_113 = tpu.memref_slice %arg8[%run_scoped3A_36, %dma_start3A_111, %dma_start3A_112] : memref<2x128x128xf32, #tpu.memory_space<vmem>> -> memref<1x128x128xf32, #tpu.memory_space<vmem>>
      %dma_start3A_114 = tpu.memref_squeeze %dma_start3A_113 : memref<1x128x128xf32, #tpu.memory_space<vmem>> -> memref<128x128xf32, #tpu.memory_space<vmem>>
      tpu.enqueue_dma source(%dma_start3A_114 : memref<128x128xf32, #tpu.memory_space<vmem>>) target(%dma_start3A_110 : memref<128x128xf32, #tpu.memory_space<vmem_shared>>) target_semaphore(%run_scoped3A_102 : memref<!tpu.dma_semaphore, #tpu.memory_space<semaphore_mem>>)
      %dma_wait3A_115 = arith.constant 0 : i32
      %dma_wait3A_116 = arith.constant 0 : i32
      %dma_wait3A_117 = tpu.memref_slice %arg8[%run_scoped3A_36, %dma_wait3A_115, %dma_wait3A_116] : memref<2x128x128xf32, #tpu.memory_space<vmem>> -> memref<1x128x128xf32, #tpu.memory_space<vmem>>
      %dma_wait3A_118 = tpu.memref_squeeze %dma_wait3A_117 : memref<1x128x128xf32, #tpu.memory_space<vmem>> -> memref<128x128xf32, #tpu.memory_space<vmem>>
      %dma_wait3A_119 = arith.constant 0 : i32
      %dma_wait3A_120 = tpu.memref_slice %arg9[%add3A_35, %dma_wait3A_119] : memref<10112x128xf32, #tpu.memory_space<vmem_shared>> -> memref<128x128xf32, #tpu.memory_space<vmem_shared>>
      %dma_wait3A_121 = arith.constant 0 : i32
      %dma_wait3A_122 = tpu.memref_slice %arg9[%add3A_35, %dma_wait3A_121] : memref<10112x128xf32, #tpu.memory_space<vmem_shared>> -> memref<128x128xf32, #tpu.memory_space<vmem_shared>>
      %dma_wait3A_123 = arith.constant 0 : i32
      %dma_wait3A_124 = arith.constant 0 : i32
      %dma_wait3A_125 = tpu.memref_slice %arg8[%run_scoped3A_36, %dma_wait3A_123, %dma_wait3A_124] : memref<2x128x128xf32, #tpu.memory_space<vmem>> -> memref<1x128x128xf32, #tpu.memory_space<vmem>>
      %dma_wait3A_126 = tpu.memref_squeeze %dma_wait3A_125 : memref<1x128x128xf32, #tpu.memory_space<vmem>> -> memref<128x128xf32, #tpu.memory_space<vmem>>
      tpu.wait_dma2 semaphore(%run_scoped3A_102 : memref<!tpu.dma_semaphore, #tpu.memory_space<semaphore_mem>>) src(%dma_wait3A_126 : memref<128x128xf32, #tpu.memory_space<vmem>>) dst(%dma_wait3A_122 : memref<128x128xf32, #tpu.memory_space<vmem_shared>>)
      tpu.yield
    }) : () -> ()
    %mul3A_37 = arith.constant 632 : i32
    %mul3A_38 = arith.muli %arg1, %mul3A_37 : i32
    %add3A_39 = arith.constant 512 : i32
    %add3A_40 = arith.addi %mul3A_38, %add3A_39 : i32
    %run_scoped3A_41 = arith.constant 0 : i32
    "tpu.region"() ({
      %run_scoped3A_102 = tpu.sem_alloc : memref<!tpu.dma_semaphore, #tpu.memory_space<semaphore_mem>>
      %dma_start3A_103 = arith.constant 0 : i32
      %dma_start3A_104 = arith.constant 0 : i32
      %dma_start3A_105 = tpu.memref_slice %arg8[%run_scoped3A_41, %dma_start3A_103, %dma_start3A_104] : memref<2x128x128xf32, #tpu.memory_space<vmem>> -> memref<1x120x128xf32, #tpu.memory_space<vmem>>
      %dma_start3A_106 = tpu.memref_squeeze %dma_start3A_105 : memref<1x120x128xf32, #tpu.memory_space<vmem>> -> memref<120x128xf32, #tpu.memory_space<vmem>>
      %dma_start3A_107 = arith.constant 0 : i32
      %dma_start3A_108 = tpu.memref_slice %arg9[%add3A_40, %dma_start3A_107] : memref<10112x128xf32, #tpu.memory_space<vmem_shared>> -> memref<120x128xf32, #tpu.memory_space<vmem_shared>>
      %dma_start3A_109 = arith.constant 0 : i32
      %dma_start3A_110 = tpu.memref_slice %arg9[%add3A_40, %dma_start3A_109] : memref<10112x128xf32, #tpu.memory_space<vmem_shared>> -> memref<120x128xf32, #tpu.memory_space<vmem_shared>>
      %dma_start3A_111 = arith.constant 0 : i32
      %dma_start3A_112 = arith.constant 0 : i32
      %dma_start3A_113 = tpu.memref_slice %arg8[%run_scoped3A_41, %dma_start3A_111, %dma_start3A_112] : memref<2x128x128xf32, #tpu.memory_space<vmem>> -> memref<1x120x128xf32, #tpu.memory_space<vmem>>
      %dma_start3A_114 = tpu.memref_squeeze %dma_start3A_113 : memref<1x120x128xf32, #tpu.memory_space<vmem>> -> memref<120x128xf32, #tpu.memory_space<vmem>>
      tpu.enqueue_dma source(%dma_start3A_114 : memref<120x128xf32, #tpu.memory_space<vmem>>) target(%dma_start3A_110 : memref<120x128xf32, #tpu.memory_space<vmem_shared>>) target_semaphore(%run_scoped3A_102 : memref<!tpu.dma_semaphore, #tpu.memory_space<semaphore_mem>>)
      %dma_wait3A_115 = arith.constant 0 : i32
      %dma_wait3A_116 = arith.constant 0 : i32
      %dma_wait3A_117 = tpu.memref_slice %arg8[%run_scoped3A_41, %dma_wait3A_115, %dma_wait3A_116] : memref<2x128x128xf32, #tpu.memory_space<vmem>> -> memref<1x120x128xf32, #tpu.memory_space<vmem>>
      %dma_wait3A_118 = tpu.memref_squeeze %dma_wait3A_117 : memref<1x120x128xf32, #tpu.memory_space<vmem>> -> memref<120x128xf32, #tpu.memory_space<vmem>>
      %dma_wait3A_119 = arith.constant 0 : i32
      %dma_wait3A_120 = tpu.memref_slice %arg9[%add3A_40, %dma_wait3A_119] : memref<10112x128xf32, #tpu.memory_space<vmem_shared>> -> memref<120x128xf32, #tpu.memory_space<vmem_shared>>
      %dma_wait3A_121 = arith.constant 0 : i32
      %dma_wait3A_122 = tpu.memref_slice %arg9[%add3A_40, %dma_wait3A_121] : memref<10112x128xf32, #tpu.memory_space<vmem_shared>> -> memref<120x128xf32, #tpu.memory_space<vmem_shared>>
      %dma_wait3A_123 = arith.constant 0 : i32
      %dma_wait3A_124 = arith.constant 0 : i32
      %dma_wait3A_125 = tpu.memref_slice %arg8[%run_scoped3A_41, %dma_wait3A_123, %dma_wait3A_124] : memref<2x128x128xf32, #tpu.memory_space<vmem>> -> memref<1x120x128xf32, #tpu.memory_space<vmem>>
      %dma_wait3A_126 = tpu.memref_squeeze %dma_wait3A_125 : memref<1x120x128xf32, #tpu.memory_space<vmem>> -> memref<120x128xf32, #tpu.memory_space<vmem>>
      tpu.wait_dma2 semaphore(%run_scoped3A_102 : memref<!tpu.dma_semaphore, #tpu.memory_space<semaphore_mem>>) src(%dma_wait3A_126 : memref<120x128xf32, #tpu.memory_space<vmem>>) dst(%dma_wait3A_122 : memref<120x128xf32, #tpu.memory_space<vmem_shared>>)
      tpu.yield
    }) : () -> ()
    %barrier3A = arith.constant 0 : index
    tpu.barrier barrier_id(%barrier3A)
    %add3A_42 = arith.constant 0 : i32
    %add3A_43 = arith.addi %select_n3A, %add3A_42 : i32
    "tpu.region"() ({
      %run_scoped3A_102 = tpu.sem_alloc : memref<!tpu.dma_semaphore, #tpu.memory_space<semaphore_mem>>
      %dma_start3A_103 = tpu.memref_slice %arg3[%add3A_43] : memref<327680xi32, #tpu.memory_space<hbm>> -> memref<5120xi32, #tpu.memory_space<hbm>>
      %dma_start3A_104 = tpu.memref_slice %arg3[%add3A_43] : memref<327680xi32, #tpu.memory_space<hbm>> -> memref<5120xi32, #tpu.memory_space<hbm>>
      tpu.enqueue_dma source(%dma_start3A_104 : memref<5120xi32, #tpu.memory_space<hbm>>) target(%arg6 : memref<5120xi32, #tpu.memory_space<vmem>>) target_semaphore(%run_scoped3A_102 : memref<!tpu.dma_semaphore, #tpu.memory_space<semaphore_mem>>)
      %dma_wait3A_105 = tpu.memref_slice %arg3[%add3A_43] : memref<327680xi32, #tpu.memory_space<hbm>> -> memref<5120xi32, #tpu.memory_space<hbm>>
      %dma_wait3A_106 = tpu.memref_slice %arg3[%add3A_43] : memref<327680xi32, #tpu.memory_space<hbm>> -> memref<5120xi32, #tpu.memory_space<hbm>>
      tpu.wait_dma2 semaphore(%run_scoped3A_102 : memref<!tpu.dma_semaphore, #tpu.memory_space<semaphore_mem>>) src(%dma_wait3A_106 : memref<5120xi32, #tpu.memory_space<hbm>>) dst(%arg6 : memref<5120xi32, #tpu.memory_space<vmem>>)
      tpu.yield
    }) : () -> ()
    %add3A_44 = arith.constant 0 : i32
    %add3A_45 = arith.addi %select_n3A_11, %add3A_44 : i32
    "tpu.region"() ({
      %run_scoped3A_102 = tpu.sem_alloc : memref<!tpu.dma_semaphore, #tpu.memory_space<semaphore_mem>>
      %dma_start3A_103 = arith.constant 0 : i32
      %dma_start3A_104 = tpu.memref_slice %arg4[%add3A_45, %dma_start3A_103] : memref<2560x128xi32, #tpu.memory_space<hbm>> -> memref<40x128xi32, #tpu.memory_space<hbm>>
      %dma_start3A_105 = arith.constant 0 : i32
      %dma_start3A_106 = tpu.memref_slice %arg4[%add3A_45, %dma_start3A_105] : memref<2560x128xi32, #tpu.memory_space<hbm>> -> memref<40x128xi32, #tpu.memory_space<hbm>>
      tpu.enqueue_dma source(%dma_start3A_106 : memref<40x128xi32, #tpu.memory_space<hbm>>) target(%arg7 : memref<40x128xi32, #tpu.memory_space<vmem>>) target_semaphore(%run_scoped3A_102 : memref<!tpu.dma_semaphore, #tpu.memory_space<semaphore_mem>>)
      %dma_wait3A_107 = arith.constant 0 : i32
      %dma_wait3A_108 = tpu.memref_slice %arg4[%add3A_45, %dma_wait3A_107] : memref<2560x128xi32, #tpu.memory_space<hbm>> -> memref<40x128xi32, #tpu.memory_space<hbm>>
      %dma_wait3A_109 = arith.constant 0 : i32
      %dma_wait3A_110 = tpu.memref_slice %arg4[%add3A_45, %dma_wait3A_109] : memref<2560x128xi32, #tpu.memory_space<hbm>> -> memref<40x128xi32, #tpu.memory_space<hbm>>
      tpu.wait_dma2 semaphore(%run_scoped3A_102 : memref<!tpu.dma_semaphore, #tpu.memory_space<semaphore_mem>>) src(%dma_wait3A_110 : memref<40x128xi32, #tpu.memory_space<hbm>>) dst(%arg7 : memref<40x128xi32, #tpu.memory_space<vmem>>)
      tpu.yield
    }) : () -> ()
    %dma_start3A = arith.constant 0 : i32
    %dma_start3A_46 = arith.constant 0 : i32
    %dma_start3A_47 = arith.constant 0 : i32
    %dma_start3A_48 = arith.constant 0 : i32
    %dma_start3A_49 = tpu.memref_slice %arg8[%dma_start3A, %dma_start3A_47, %dma_start3A_48] : memref<2x128x128xf32, #tpu.memory_space<vmem>> -> memref<1x128x128xf32, #tpu.memory_space<vmem>>
    %dma_start3A_50 = tpu.memref_squeeze %dma_start3A_49 : memref<1x128x128xf32, #tpu.memory_space<vmem>> -> memref<128x128xf32, #tpu.memory_space<vmem>>
    %dma_start3A_51 = arith.constant 0 : i32
    %dma_start3A_52 = tpu.memref_slice %arg6[%dma_start3A_51] : memref<5120xi32, #tpu.memory_space<vmem>> -> memref<128xi32, #tpu.memory_space<vmem>>
    %dma_start3A_53 = arith.constant 0 : i32
    %dma_start3A_54 = arith.constant 0 : i32
    %dma_start3A_55 = tpu.memref_slice %arg2[%dma_start3A_53, %dma_start3A_54] : memref<10112x128xf32, #tpu.memory_space<hbm>> -> memref<10112x128xf32, #tpu.memory_space<hbm>>
    %dma_start3A_56 = tpu.memref_slice %arg10[%dma_start3A_46] : memref<2x!tpu.dma_semaphore, #tpu.memory_space<semaphore_mem>> -> memref<1x!tpu.dma_semaphore, #tpu.memory_space<semaphore_mem>>
    %dma_start3A_57 = tpu.memref_squeeze %dma_start3A_56 : memref<1x!tpu.dma_semaphore, #tpu.memory_space<semaphore_mem>> -> memref<!tpu.dma_semaphore, #tpu.memory_space<semaphore_mem>>
    tpu.enqueue_indirect_dma source(%dma_start3A_55 : memref<10112x128xf32, #tpu.memory_space<hbm>>) target(%dma_start3A_50 : memref<128x128xf32, #tpu.memory_space<vmem>>) offsets(%dma_start3A_52 : memref<128xi32, #tpu.memory_space<vmem>>) semaphore(%dma_start3A_57 : memref<!tpu.dma_semaphore, #tpu.memory_space<semaphore_mem>>)
    %scan3A_58 = arith.constant 0 : i32
    %scan3A_59 = arith.constant 0 : i32
    %scan3A_60 = arith.constant 40 : i32
    %scan3A_61 = arith.addi %scan3A_59, %scan3A_60 : i32
    %scan3A_62 = arith.constant 1 : i32
    scf.for %scan3A_102 = %scan3A_59 to %scan3A_61 step %scan3A_62  : i32 {
      %rem3A = arith.constant 2 : i32
      %rem3A_103 = arith.remsi %scan3A_102, %rem3A : i32
      %mul3A_104 = arith.constant 128 : i32
      %mul3A_105 = arith.muli %scan3A_102, %mul3A_104 : i32
      %dma_wait3A_106 = arith.constant 0 : i32
      %dma_wait3A_107 = arith.constant 0 : i32
      %dma_wait3A_108 = tpu.memref_slice %arg8[%rem3A_103, %dma_wait3A_106, %dma_wait3A_107] : memref<2x128x128xf32, #tpu.memory_space<vmem>> -> memref<1x128x128xf32, #tpu.memory_space<vmem>>
      %dma_wait3A_109 = tpu.memref_squeeze %dma_wait3A_108 : memref<1x128x128xf32, #tpu.memory_space<vmem>> -> memref<128x128xf32, #tpu.memory_space<vmem>>
      %dma_wait3A_110 = tpu.memref_slice %arg6[%mul3A_105] : memref<5120xi32, #tpu.memory_space<vmem>> -> memref<128xi32, #tpu.memory_space<vmem>>
      %dma_wait3A_111 = arith.constant 0 : i32
      %dma_wait3A_112 = arith.constant 0 : i32
      %dma_wait3A_113 = tpu.memref_slice %arg2[%dma_wait3A_111, %dma_wait3A_112] : memref<10112x128xf32, #tpu.memory_space<hbm>> -> memref<10112x128xf32, #tpu.memory_space<hbm>>
      %dma_wait3A_114 = tpu.memref_slice %arg10[%rem3A_103] : memref<2x!tpu.dma_semaphore, #tpu.memory_space<semaphore_mem>> -> memref<1x!tpu.dma_semaphore, #tpu.memory_space<semaphore_mem>>
      %dma_wait3A_115 = tpu.memref_squeeze %dma_wait3A_114 : memref<1x!tpu.dma_semaphore, #tpu.memory_space<semaphore_mem>> -> memref<!tpu.dma_semaphore, #tpu.memory_space<semaphore_mem>>
      tpu.wait_indirect_dma semaphore(%dma_wait3A_115 : memref<!tpu.dma_semaphore, #tpu.memory_space<semaphore_mem>>) src(%dma_wait3A_113 : memref<10112x128xf32, #tpu.memory_space<hbm>>) dst(%dma_wait3A_109 : memref<128x128xf32, #tpu.memory_space<vmem>>)
      %dma_start3A_116 = arith.constant 0 : i32
      %dma_start3A_117 = arith.constant 0 : i32
      %dma_start3A_118 = tpu.memref_slice %arg8[%rem3A_103, %dma_start3A_116, %dma_start3A_117] : memref<2x128x128xf32, #tpu.memory_space<vmem>> -> memref<1x128x128xf32, #tpu.memory_space<vmem>>
      %dma_start3A_119 = tpu.memref_squeeze %dma_start3A_118 : memref<1x128x128xf32, #tpu.memory_space<vmem>> -> memref<128x128xf32, #tpu.memory_space<vmem>>
      %dma_start3A_120 = arith.constant 0 : i32
      %dma_start3A_121 = tpu.memref_slice %arg7[%scan3A_102, %dma_start3A_120] : memref<40x128xi32, #tpu.memory_space<vmem>> -> memref<1x128xi32, #tpu.memory_space<vmem>>
      %dma_start3A_122 = tpu.memref_squeeze %dma_start3A_121 : memref<1x128xi32, #tpu.memory_space<vmem>> -> memref<128xi32, #tpu.memory_space<vmem>>
      %dma_start3A_123 = arith.constant 0 : i32
      %dma_start3A_124 = arith.constant 0 : i32
      %dma_start3A_125 = tpu.memref_slice %arg9[%dma_start3A_123, %dma_start3A_124] : memref<10112x128xf32, #tpu.memory_space<vmem_shared>> -> memref<10112x128xf32, #tpu.memory_space<vmem_shared>>
      %dma_start3A_126 = tpu.memref_slice %arg11[%rem3A_103] : memref<2x!tpu.dma_semaphore, #tpu.memory_space<semaphore_mem>> -> memref<1x!tpu.dma_semaphore, #tpu.memory_space<semaphore_mem>>
      %dma_start3A_127 = tpu.memref_squeeze %dma_start3A_126 : memref<1x!tpu.dma_semaphore, #tpu.memory_space<semaphore_mem>> -> memref<!tpu.dma_semaphore, #tpu.memory_space<semaphore_mem>>
      tpu.enqueue_indirect_dma source(%dma_start3A_119 : memref<128x128xf32, #tpu.memory_space<vmem>>) target(%dma_start3A_125 : memref<10112x128xf32, #tpu.memory_space<vmem_shared>>) offsets(%dma_start3A_122 : memref<128xi32, #tpu.memory_space<vmem>>) semaphore(%dma_start3A_127 : memref<!tpu.dma_semaphore, #tpu.memory_space<semaphore_mem>>) {add = true}
      %add3A_128 = arith.constant 1 : i32
      %add3A_129 = arith.addi %scan3A_102, %add3A_128 : i32
      %lt3A = arith.constant 40 : i32
      %lt3A_130 = arith.cmpi slt, %add3A_129, %lt3A : i32
      %convert_element_type3A_131 = arith.extui %lt3A_130 : i1 to i32
      %cond3A_132 = arith.constant 0 : i32
      %cond3A_133 = arith.cmpi ne, %convert_element_type3A_131, %cond3A_132 : i32
      scf.if %cond3A_133 {
        %ge3A = arith.constant 1 : i32
        %ge3A_134 = arith.cmpi sge, %scan3A_102, %ge3A : i32
        %convert_element_type3A_135 = arith.extui %ge3A_134 : i1 to i32
        %cond3A_136 = arith.constant 0 : i32
        %cond3A_137 = arith.cmpi ne, %convert_element_type3A_135, %cond3A_136 : i32
        scf.if %cond3A_137 {
          %sub3A_153 = arith.constant 1 : i32
          %sub3A_154 = arith.subi %scan3A_102, %sub3A_153 : i32
          %sub3A_155 = arith.constant 1 : i32
          %sub3A_156 = arith.subi %sub3A_155, %rem3A_103 : i32
          %dma_wait3A_157 = arith.constant 0 : i32
          %dma_wait3A_158 = arith.constant 0 : i32
          %dma_wait3A_159 = tpu.memref_slice %arg8[%sub3A_156, %dma_wait3A_157, %dma_wait3A_158] : memref<2x128x128xf32, #tpu.memory_space<vmem>> -> memref<1x128x128xf32, #tpu.memory_space<vmem>>
          %dma_wait3A_160 = tpu.memref_squeeze %dma_wait3A_159 : memref<1x128x128xf32, #tpu.memory_space<vmem>> -> memref<128x128xf32, #tpu.memory_space<vmem>>
          %dma_wait3A_161 = arith.constant 0 : i32
          %dma_wait3A_162 = tpu.memref_slice %arg7[%sub3A_154, %dma_wait3A_161] : memref<40x128xi32, #tpu.memory_space<vmem>> -> memref<1x128xi32, #tpu.memory_space<vmem>>
          %dma_wait3A_163 = tpu.memref_squeeze %dma_wait3A_162 : memref<1x128xi32, #tpu.memory_space<vmem>> -> memref<128xi32, #tpu.memory_space<vmem>>
          %dma_wait3A_164 = arith.constant 0 : i32
          %dma_wait3A_165 = arith.constant 0 : i32
          %dma_wait3A_166 = tpu.memref_slice %arg9[%dma_wait3A_164, %dma_wait3A_165] : memref<10112x128xf32, #tpu.memory_space<vmem_shared>> -> memref<10112x128xf32, #tpu.memory_space<vmem_shared>>
          %dma_wait3A_167 = tpu.memref_slice %arg11[%sub3A_156] : memref<2x!tpu.dma_semaphore, #tpu.memory_space<semaphore_mem>> -> memref<1x!tpu.dma_semaphore, #tpu.memory_space<semaphore_mem>>
          %dma_wait3A_168 = tpu.memref_squeeze %dma_wait3A_167 : memref<1x!tpu.dma_semaphore, #tpu.memory_space<semaphore_mem>> -> memref<!tpu.dma_semaphore, #tpu.memory_space<semaphore_mem>>
          tpu.wait_indirect_dma semaphore(%dma_wait3A_168 : memref<!tpu.dma_semaphore, #tpu.memory_space<semaphore_mem>>) src(%dma_wait3A_160 : memref<128x128xf32, #tpu.memory_space<vmem>>) dst(%dma_wait3A_166 : memref<10112x128xf32, #tpu.memory_space<vmem_shared>>)
        } else {
        }
        %add3A_138 = arith.constant 1 : i32
        %add3A_139 = arith.addi %scan3A_102, %add3A_138 : i32
        %sub3A = arith.constant 1 : i32
        %sub3A_140 = arith.subi %sub3A, %rem3A_103 : i32
        %mul3A_141 = arith.constant 128 : i32
        %mul3A_142 = arith.muli %add3A_139, %mul3A_141 : i32
        %dma_start3A_143 = arith.constant 0 : i32
        %dma_start3A_144 = arith.constant 0 : i32
        %dma_start3A_145 = tpu.memref_slice %arg8[%sub3A_140, %dma_start3A_143, %dma_start3A_144] : memref<2x128x128xf32, #tpu.memory_space<vmem>> -> memref<1x128x128xf32, #tpu.memory_space<vmem>>
        %dma_start3A_146 = tpu.memref_squeeze %dma_start3A_145 : memref<1x128x128xf32, #tpu.memory_space<vmem>> -> memref<128x128xf32, #tpu.memory_space<vmem>>
        %dma_start3A_147 = tpu.memref_slice %arg6[%mul3A_142] : memref<5120xi32, #tpu.memory_space<vmem>> -> memref<128xi32, #tpu.memory_space<vmem>>
        %dma_start3A_148 = arith.constant 0 : i32
        %dma_start3A_149 = arith.constant 0 : i32
        %dma_start3A_150 = tpu.memref_slice %arg2[%dma_start3A_148, %dma_start3A_149] : memref<10112x128xf32, #tpu.memory_space<hbm>> -> memref<10112x128xf32, #tpu.memory_space<hbm>>
        %dma_start3A_151 = tpu.memref_slice %arg10[%sub3A_140] : memref<2x!tpu.dma_semaphore, #tpu.memory_space<semaphore_mem>> -> memref<1x!tpu.dma_semaphore, #tpu.memory_space<semaphore_mem>>
        %dma_start3A_152 = tpu.memref_squeeze %dma_start3A_151 : memref<1x!tpu.dma_semaphore, #tpu.memory_space<semaphore_mem>> -> memref<!tpu.dma_semaphore, #tpu.memory_space<semaphore_mem>>
        tpu.enqueue_indirect_dma source(%dma_start3A_150 : memref<10112x128xf32, #tpu.memory_space<hbm>>) target(%dma_start3A_146 : memref<128x128xf32, #tpu.memory_space<vmem>>) offsets(%dma_start3A_147 : memref<128xi32, #tpu.memory_space<vmem>>) semaphore(%dma_start3A_152 : memref<!tpu.dma_semaphore, #tpu.memory_space<semaphore_mem>>)
      } else {
      }
    }
    %scan3A_63 = arith.constant 40 : i32
    %dma_wait3A = arith.constant 0 : i32
    %dma_wait3A_64 = arith.constant 38 : i32
    %dma_wait3A_65 = arith.constant 0 : i32
    %dma_wait3A_66 = arith.constant 0 : i32
    %dma_wait3A_67 = arith.constant 0 : i32
    %dma_wait3A_68 = tpu.memref_slice %arg8[%dma_wait3A, %dma_wait3A_66, %dma_wait3A_67] : memref<2x128x128xf32, #tpu.memory_space<vmem>> -> memref<1x128x128xf32, #tpu.memory_space<vmem>>
    %dma_wait3A_69 = tpu.memref_squeeze %dma_wait3A_68 : memref<1x128x128xf32, #tpu.memory_space<vmem>> -> memref<128x128xf32, #tpu.memory_space<vmem>>
    %dma_wait3A_70 = arith.constant 0 : i32
    %dma_wait3A_71 = tpu.memref_slice %arg7[%dma_wait3A_64, %dma_wait3A_70] : memref<40x128xi32, #tpu.memory_space<vmem>> -> memref<1x128xi32, #tpu.memory_space<vmem>>
    %dma_wait3A_72 = tpu.memref_squeeze %dma_wait3A_71 : memref<1x128xi32, #tpu.memory_space<vmem>> -> memref<128xi32, #tpu.memory_space<vmem>>
    %dma_wait3A_73 = arith.constant 0 : i32
    %dma_wait3A_74 = arith.constant 0 : i32
    %dma_wait3A_75 = tpu.memref_slice %arg9[%dma_wait3A_73, %dma_wait3A_74] : memref<10112x128xf32, #tpu.memory_space<vmem_shared>> -> memref<10112x128xf32, #tpu.memory_space<vmem_shared>>
    %dma_wait3A_76 = tpu.memref_slice %arg11[%dma_wait3A_65] : memref<2x!tpu.dma_semaphore, #tpu.memory_space<semaphore_mem>> -> memref<1x!tpu.dma_semaphore, #tpu.memory_space<semaphore_mem>>
    %dma_wait3A_77 = tpu.memref_squeeze %dma_wait3A_76 : memref<1x!tpu.dma_semaphore, #tpu.memory_space<semaphore_mem>> -> memref<!tpu.dma_semaphore, #tpu.memory_space<semaphore_mem>>
    tpu.wait_indirect_dma semaphore(%dma_wait3A_77 : memref<!tpu.dma_semaphore, #tpu.memory_space<semaphore_mem>>) src(%dma_wait3A_69 : memref<128x128xf32, #tpu.memory_space<vmem>>) dst(%dma_wait3A_75 : memref<10112x128xf32, #tpu.memory_space<vmem_shared>>)
    %dma_wait3A_78 = arith.constant 1 : i32
    %dma_wait3A_79 = arith.constant 39 : i32
    %dma_wait3A_80 = arith.constant 1 : i32
    %dma_wait3A_81 = arith.constant 0 : i32
    %dma_wait3A_82 = arith.constant 0 : i32
    %dma_wait3A_83 = tpu.memref_slice %arg8[%dma_wait3A_78, %dma_wait3A_81, %dma_wait3A_82] : memref<2x128x128xf32, #tpu.memory_space<vmem>> -> memref<1x128x128xf32, #tpu.memory_space<vmem>>
    %dma_wait3A_84 = tpu.memref_squeeze %dma_wait3A_83 : memref<1x128x128xf32, #tpu.memory_space<vmem>> -> memref<128x128xf32, #tpu.memory_space<vmem>>
    %dma_wait3A_85 = arith.constant 0 : i32
    %dma_wait3A_86 = tpu.memref_slice %arg7[%dma_wait3A_79, %dma_wait3A_85] : memref<40x128xi32, #tpu.memory_space<vmem>> -> memref<1x128xi32, #tpu.memory_space<vmem>>
    %dma_wait3A_87 = tpu.memref_squeeze %dma_wait3A_86 : memref<1x128xi32, #tpu.memory_space<vmem>> -> memref<128xi32, #tpu.memory_space<vmem>>
    %dma_wait3A_88 = arith.constant 0 : i32
    %dma_wait3A_89 = arith.constant 0 : i32
    %dma_wait3A_90 = tpu.memref_slice %arg9[%dma_wait3A_88, %dma_wait3A_89] : memref<10112x128xf32, #tpu.memory_space<vmem_shared>> -> memref<10112x128xf32, #tpu.memory_space<vmem_shared>>
    %dma_wait3A_91 = tpu.memref_slice %arg11[%dma_wait3A_80] : memref<2x!tpu.dma_semaphore, #tpu.memory_space<semaphore_mem>> -> memref<1x!tpu.dma_semaphore, #tpu.memory_space<semaphore_mem>>
    %dma_wait3A_92 = tpu.memref_squeeze %dma_wait3A_91 : memref<1x!tpu.dma_semaphore, #tpu.memory_space<semaphore_mem>> -> memref<!tpu.dma_semaphore, #tpu.memory_space<semaphore_mem>>
    tpu.wait_indirect_dma semaphore(%dma_wait3A_92 : memref<!tpu.dma_semaphore, #tpu.memory_space<semaphore_mem>>) src(%dma_wait3A_84 : memref<128x128xf32, #tpu.memory_space<vmem>>) dst(%dma_wait3A_90 : memref<10112x128xf32, #tpu.memory_space<vmem_shared>>)
    %convert_element_type3A = arith.extui %eq3A_0 : i1 to i32
    %cond3A = arith.constant 0 : i32
    %cond3A_93 = arith.cmpi ne, %convert_element_type3A, %cond3A : i32
    scf.if %cond3A_93 {
      %add3A_102 = arith.constant 5120 : i32
      %add3A_103 = arith.addi %select_n3A, %add3A_102 : i32
      "tpu.region"() ({
        %run_scoped3A_155 = tpu.sem_alloc : memref<!tpu.dma_semaphore, #tpu.memory_space<semaphore_mem>>
        %dma_start3A_156 = tpu.memref_slice %arg3[%add3A_103] : memref<327680xi32, #tpu.memory_space<hbm>> -> memref<5120xi32, #tpu.memory_space<hbm>>
        %dma_start3A_157 = tpu.memref_slice %arg3[%add3A_103] : memref<327680xi32, #tpu.memory_space<hbm>> -> memref<5120xi32, #tpu.memory_space<hbm>>
        tpu.enqueue_dma source(%dma_start3A_157 : memref<5120xi32, #tpu.memory_space<hbm>>) target(%arg6 : memref<5120xi32, #tpu.memory_space<vmem>>) target_semaphore(%run_scoped3A_155 : memref<!tpu.dma_semaphore, #tpu.memory_space<semaphore_mem>>)
        %dma_wait3A_158 = tpu.memref_slice %arg3[%add3A_103] : memref<327680xi32, #tpu.memory_space<hbm>> -> memref<5120xi32, #tpu.memory_space<hbm>>
        %dma_wait3A_159 = tpu.memref_slice %arg3[%add3A_103] : memref<327680xi32, #tpu.memory_space<hbm>> -> memref<5120xi32, #tpu.memory_space<hbm>>
        tpu.wait_dma2 semaphore(%run_scoped3A_155 : memref<!tpu.dma_semaphore, #tpu.memory_space<semaphore_mem>>) src(%dma_wait3A_159 : memref<5120xi32, #tpu.memory_space<hbm>>) dst(%arg6 : memref<5120xi32, #tpu.memory_space<vmem>>)
        tpu.yield
      }) : () -> ()
      %add3A_104 = arith.constant 40 : i32
      %add3A_105 = arith.addi %select_n3A_11, %add3A_104 : i32
      "tpu.region"() ({
        %run_scoped3A_155 = tpu.sem_alloc : memref<!tpu.dma_semaphore, #tpu.memory_space<semaphore_mem>>
        %dma_start3A_156 = arith.constant 0 : i32
        %dma_start3A_157 = tpu.memref_slice %arg4[%add3A_105, %dma_start3A_156] : memref<2560x128xi32, #tpu.memory_space<hbm>> -> memref<40x128xi32, #tpu.memory_space<hbm>>
        %dma_start3A_158 = arith.constant 0 : i32
        %dma_start3A_159 = tpu.memref_slice %arg4[%add3A_105, %dma_start3A_158] : memref<2560x128xi32, #tpu.memory_space<hbm>> -> memref<40x128xi32, #tpu.memory_space<hbm>>
        tpu.enqueue_dma source(%dma_start3A_159 : memref<40x128xi32, #tpu.memory_space<hbm>>) target(%arg7 : memref<40x128xi32, #tpu.memory_space<vmem>>) target_semaphore(%run_scoped3A_155 : memref<!tpu.dma_semaphore, #tpu.memory_space<semaphore_mem>>)
        %dma_wait3A_160 = arith.constant 0 : i32
        %dma_wait3A_161 = tpu.memref_slice %arg4[%add3A_105, %dma_wait3A_160] : memref<2560x128xi32, #tpu.memory_space<hbm>> -> memref<40x128xi32, #tpu.memory_space<hbm>>
        %dma_wait3A_162 = arith.constant 0 : i32
        %dma_wait3A_163 = tpu.memref_slice %arg4[%add3A_105, %dma_wait3A_162] : memref<2560x128xi32, #tpu.memory_space<hbm>> -> memref<40x128xi32, #tpu.memory_space<hbm>>
        tpu.wait_dma2 semaphore(%run_scoped3A_155 : memref<!tpu.dma_semaphore, #tpu.memory_space<semaphore_mem>>) src(%dma_wait3A_163 : memref<40x128xi32, #tpu.memory_space<hbm>>) dst(%arg7 : memref<40x128xi32, #tpu.memory_space<vmem>>)
        tpu.yield
      }) : () -> ()
      %dma_start3A_106 = arith.constant 0 : i32
      %dma_start3A_107 = arith.constant 0 : i32
      %dma_start3A_108 = arith.constant 0 : i32
      %dma_start3A_109 = arith.constant 0 : i32
      %dma_start3A_110 = tpu.memref_slice %arg8[%dma_start3A_106, %dma_start3A_108, %dma_start3A_109] : memref<2x128x128xf32, #tpu.memory_space<vmem>> -> memref<1x128x128xf32, #tpu.memory_space<vmem>>
      %dma_start3A_111 = tpu.memref_squeeze %dma_start3A_110 : memref<1x128x128xf32, #tpu.memory_space<vmem>> -> memref<128x128xf32, #tpu.memory_space<vmem>>
      %dma_start3A_112 = arith.constant 0 : i32
      %dma_start3A_113 = tpu.memref_slice %arg6[%dma_start3A_112] : memref<5120xi32, #tpu.memory_space<vmem>> -> memref<128xi32, #tpu.memory_space<vmem>>
      %dma_start3A_114 = arith.constant 0 : i32
      %dma_start3A_115 = arith.constant 0 : i32
      %dma_start3A_116 = tpu.memref_slice %arg2[%dma_start3A_114, %dma_start3A_115] : memref<10112x128xf32, #tpu.memory_space<hbm>> -> memref<10112x128xf32, #tpu.memory_space<hbm>>
      %dma_start3A_117 = tpu.memref_slice %arg10[%dma_start3A_107] : memref<2x!tpu.dma_semaphore, #tpu.memory_space<semaphore_mem>> -> memref<1x!tpu.dma_semaphore, #tpu.memory_space<semaphore_mem>>
      %dma_start3A_118 = tpu.memref_squeeze %dma_start3A_117 : memref<1x!tpu.dma_semaphore, #tpu.memory_space<semaphore_mem>> -> memref<!tpu.dma_semaphore, #tpu.memory_space<semaphore_mem>>
      tpu.enqueue_indirect_dma source(%dma_start3A_116 : memref<10112x128xf32, #tpu.memory_space<hbm>>) target(%dma_start3A_111 : memref<128x128xf32, #tpu.memory_space<vmem>>) offsets(%dma_start3A_113 : memref<128xi32, #tpu.memory_space<vmem>>) semaphore(%dma_start3A_118 : memref<!tpu.dma_semaphore, #tpu.memory_space<semaphore_mem>>)
      %scan3A_119 = arith.constant 0 : i32
      %scan3A_120 = arith.constant 0 : i32
      %scan3A_121 = arith.constant 40 : i32
      %scan3A_122 = arith.addi %scan3A_120, %scan3A_121 : i32
      %scan3A_123 = arith.constant 1 : i32
      scf.for %scan3A_155 = %scan3A_120 to %scan3A_122 step %scan3A_123  : i32 {
        %rem3A = arith.constant 2 : i32
        %rem3A_156 = arith.remsi %scan3A_155, %rem3A : i32
        %mul3A_157 = arith.constant 128 : i32
        %mul3A_158 = arith.muli %scan3A_155, %mul3A_157 : i32
        %dma_wait3A_159 = arith.constant 0 : i32
        %dma_wait3A_160 = arith.constant 0 : i32
        %dma_wait3A_161 = tpu.memref_slice %arg8[%rem3A_156, %dma_wait3A_159, %dma_wait3A_160] : memref<2x128x128xf32, #tpu.memory_space<vmem>> -> memref<1x128x128xf32, #tpu.memory_space<vmem>>
        %dma_wait3A_162 = tpu.memref_squeeze %dma_wait3A_161 : memref<1x128x128xf32, #tpu.memory_space<vmem>> -> memref<128x128xf32, #tpu.memory_space<vmem>>
        %dma_wait3A_163 = tpu.memref_slice %arg6[%mul3A_158] : memref<5120xi32, #tpu.memory_space<vmem>> -> memref<128xi32, #tpu.memory_space<vmem>>
        %dma_wait3A_164 = arith.constant 0 : i32
        %dma_wait3A_165 = arith.constant 0 : i32
        %dma_wait3A_166 = tpu.memref_slice %arg2[%dma_wait3A_164, %dma_wait3A_165] : memref<10112x128xf32, #tpu.memory_space<hbm>> -> memref<10112x128xf32, #tpu.memory_space<hbm>>
        %dma_wait3A_167 = tpu.memref_slice %arg10[%rem3A_156] : memref<2x!tpu.dma_semaphore, #tpu.memory_space<semaphore_mem>> -> memref<1x!tpu.dma_semaphore, #tpu.memory_space<semaphore_mem>>
        %dma_wait3A_168 = tpu.memref_squeeze %dma_wait3A_167 : memref<1x!tpu.dma_semaphore, #tpu.memory_space<semaphore_mem>> -> memref<!tpu.dma_semaphore, #tpu.memory_space<semaphore_mem>>
        tpu.wait_indirect_dma semaphore(%dma_wait3A_168 : memref<!tpu.dma_semaphore, #tpu.memory_space<semaphore_mem>>) src(%dma_wait3A_166 : memref<10112x128xf32, #tpu.memory_space<hbm>>) dst(%dma_wait3A_162 : memref<128x128xf32, #tpu.memory_space<vmem>>)
        %dma_start3A_169 = arith.constant 0 : i32
        %dma_start3A_170 = arith.constant 0 : i32
        %dma_start3A_171 = tpu.memref_slice %arg8[%rem3A_156, %dma_start3A_169, %dma_start3A_170] : memref<2x128x128xf32, #tpu.memory_space<vmem>> -> memref<1x128x128xf32, #tpu.memory_space<vmem>>
        %dma_start3A_172 = tpu.memref_squeeze %dma_start3A_171 : memref<1x128x128xf32, #tpu.memory_space<vmem>> -> memref<128x128xf32, #tpu.memory_space<vmem>>
        %dma_start3A_173 = arith.constant 0 : i32
        %dma_start3A_174 = tpu.memref_slice %arg7[%scan3A_155, %dma_start3A_173] : memref<40x128xi32, #tpu.memory_space<vmem>> -> memref<1x128xi32, #tpu.memory_space<vmem>>
        %dma_start3A_175 = tpu.memref_squeeze %dma_start3A_174 : memref<1x128xi32, #tpu.memory_space<vmem>> -> memref<128xi32, #tpu.memory_space<vmem>>
        %dma_start3A_176 = arith.constant 0 : i32
        %dma_start3A_177 = arith.constant 0 : i32
        %dma_start3A_178 = tpu.memref_slice %arg9[%dma_start3A_176, %dma_start3A_177] : memref<10112x128xf32, #tpu.memory_space<vmem_shared>> -> memref<10112x128xf32, #tpu.memory_space<vmem_shared>>
        %dma_start3A_179 = tpu.memref_slice %arg11[%rem3A_156] : memref<2x!tpu.dma_semaphore, #tpu.memory_space<semaphore_mem>> -> memref<1x!tpu.dma_semaphore, #tpu.memory_space<semaphore_mem>>
        %dma_start3A_180 = tpu.memref_squeeze %dma_start3A_179 : memref<1x!tpu.dma_semaphore, #tpu.memory_space<semaphore_mem>> -> memref<!tpu.dma_semaphore, #tpu.memory_space<semaphore_mem>>
        tpu.enqueue_indirect_dma source(%dma_start3A_172 : memref<128x128xf32, #tpu.memory_space<vmem>>) target(%dma_start3A_178 : memref<10112x128xf32, #tpu.memory_space<vmem_shared>>) offsets(%dma_start3A_175 : memref<128xi32, #tpu.memory_space<vmem>>) semaphore(%dma_start3A_180 : memref<!tpu.dma_semaphore, #tpu.memory_space<semaphore_mem>>) {add = true}
        %add3A_181 = arith.constant 1 : i32
        %add3A_182 = arith.addi %scan3A_155, %add3A_181 : i32
        %lt3A = arith.constant 40 : i32
        %lt3A_183 = arith.cmpi slt, %add3A_182, %lt3A : i32
        %convert_element_type3A_184 = arith.extui %lt3A_183 : i1 to i32
        %cond3A_185 = arith.constant 0 : i32
        %cond3A_186 = arith.cmpi ne, %convert_element_type3A_184, %cond3A_185 : i32
        scf.if %cond3A_186 {
          %ge3A = arith.constant 1 : i32
          %ge3A_187 = arith.cmpi sge, %scan3A_155, %ge3A : i32
          %convert_element_type3A_188 = arith.extui %ge3A_187 : i1 to i32
          %cond3A_189 = arith.constant 0 : i32
          %cond3A_190 = arith.cmpi ne, %convert_element_type3A_188, %cond3A_189 : i32
          scf.if %cond3A_190 {
            %sub3A_206 = arith.constant 1 : i32
            %sub3A_207 = arith.subi %scan3A_155, %sub3A_206 : i32
            %sub3A_208 = arith.constant 1 : i32
            %sub3A_209 = arith.subi %sub3A_208, %rem3A_156 : i32
            %dma_wait3A_210 = arith.constant 0 : i32
            %dma_wait3A_211 = arith.constant 0 : i32
            %dma_wait3A_212 = tpu.memref_slice %arg8[%sub3A_209, %dma_wait3A_210, %dma_wait3A_211] : memref<2x128x128xf32, #tpu.memory_space<vmem>> -> memref<1x128x128xf32, #tpu.memory_space<vmem>>
            %dma_wait3A_213 = tpu.memref_squeeze %dma_wait3A_212 : memref<1x128x128xf32, #tpu.memory_space<vmem>> -> memref<128x128xf32, #tpu.memory_space<vmem>>
            %dma_wait3A_214 = arith.constant 0 : i32
            %dma_wait3A_215 = tpu.memref_slice %arg7[%sub3A_207, %dma_wait3A_214] : memref<40x128xi32, #tpu.memory_space<vmem>> -> memref<1x128xi32, #tpu.memory_space<vmem>>
            %dma_wait3A_216 = tpu.memref_squeeze %dma_wait3A_215 : memref<1x128xi32, #tpu.memory_space<vmem>> -> memref<128xi32, #tpu.memory_space<vmem>>
            %dma_wait3A_217 = arith.constant 0 : i32
            %dma_wait3A_218 = arith.constant 0 : i32
            %dma_wait3A_219 = tpu.memref_slice %arg9[%dma_wait3A_217, %dma_wait3A_218] : memref<10112x128xf32, #tpu.memory_space<vmem_shared>> -> memref<10112x128xf32, #tpu.memory_space<vmem_shared>>
            %dma_wait3A_220 = tpu.memref_slice %arg11[%sub3A_209] : memref<2x!tpu.dma_semaphore, #tpu.memory_space<semaphore_mem>> -> memref<1x!tpu.dma_semaphore, #tpu.memory_space<semaphore_mem>>
            %dma_wait3A_221 = tpu.memref_squeeze %dma_wait3A_220 : memref<1x!tpu.dma_semaphore, #tpu.memory_space<semaphore_mem>> -> memref<!tpu.dma_semaphore, #tpu.memory_space<semaphore_mem>>
            tpu.wait_indirect_dma semaphore(%dma_wait3A_221 : memref<!tpu.dma_semaphore, #tpu.memory_space<semaphore_mem>>) src(%dma_wait3A_213 : memref<128x128xf32, #tpu.memory_space<vmem>>) dst(%dma_wait3A_219 : memref<10112x128xf32, #tpu.memory_space<vmem_shared>>)
          } else {
          }
          %add3A_191 = arith.constant 1 : i32
          %add3A_192 = arith.addi %scan3A_155, %add3A_191 : i32
          %sub3A = arith.constant 1 : i32
          %sub3A_193 = arith.subi %sub3A, %rem3A_156 : i32
          %mul3A_194 = arith.constant 128 : i32
          %mul3A_195 = arith.muli %add3A_192, %mul3A_194 : i32
          %dma_start3A_196 = arith.constant 0 : i32
          %dma_start3A_197 = arith.constant 0 : i32
          %dma_start3A_198 = tpu.memref_slice %arg8[%sub3A_193, %dma_start3A_196, %dma_start3A_197] : memref<2x128x128xf32, #tpu.memory_space<vmem>> -> memref<1x128x128xf32, #tpu.memory_space<vmem>>
          %dma_start3A_199 = tpu.memref_squeeze %dma_start3A_198 : memref<1x128x128xf32, #tpu.memory_space<vmem>> -> memref<128x128xf32, #tpu.memory_space<vmem>>
          %dma_start3A_200 = tpu.memref_slice %arg6[%mul3A_195] : memref<5120xi32, #tpu.memory_space<vmem>> -> memref<128xi32, #tpu.memory_space<vmem>>
          %dma_start3A_201 = arith.constant 0 : i32
          %dma_start3A_202 = arith.constant 0 : i32
          %dma_start3A_203 = tpu.memref_slice %arg2[%dma_start3A_201, %dma_start3A_202] : memref<10112x128xf32, #tpu.memory_space<hbm>> -> memref<10112x128xf32, #tpu.memory_space<hbm>>
          %dma_start3A_204 = tpu.memref_slice %arg10[%sub3A_193] : memref<2x!tpu.dma_semaphore, #tpu.memory_space<semaphore_mem>> -> memref<1x!tpu.dma_semaphore, #tpu.memory_space<semaphore_mem>>
          %dma_start3A_205 = tpu.memref_squeeze %dma_start3A_204 : memref<1x!tpu.dma_semaphore, #tpu.memory_space<semaphore_mem>> -> memref<!tpu.dma_semaphore, #tpu.memory_space<semaphore_mem>>
          tpu.enqueue_indirect_dma source(%dma_start3A_203 : memref<10112x128xf32, #tpu.memory_space<hbm>>) target(%dma_start3A_199 : memref<128x128xf32, #tpu.memory_space<vmem>>) offsets(%dma_start3A_200 : memref<128xi32, #tpu.memory_space<vmem>>) semaphore(%dma_start3A_205 : memref<!tpu.dma_semaphore, #tpu.memory_space<semaphore_mem>>)
        } else {
        }
      }
      %scan3A_124 = arith.constant 40 : i32
      %dma_wait3A_125 = arith.constant 0 : i32
      %dma_wait3A_126 = arith.constant 38 : i32
      %dma_wait3A_127 = arith.constant 0 : i32
      %dma_wait3A_128 = arith.constant 0 : i32
      %dma_wait3A_129 = arith.constant 0 : i32
      %dma_wait3A_130 = tpu.memref_slice %arg8[%dma_wait3A_125, %dma_wait3A_128, %dma_wait3A_129] : memref<2x128x128xf32, #tpu.memory_space<vmem>> -> memref<1x128x128xf32, #tpu.memory_space<vmem>>
      %dma_wait3A_131 = tpu.memref_squeeze %dma_wait3A_130 : memref<1x128x128xf32, #tpu.memory_space<vmem>> -> memref<128x128xf32, #tpu.memory_space<vmem>>
      %dma_wait3A_132 = arith.constant 0 : i32
      %dma_wait3A_133 = tpu.memref_slice %arg7[%dma_wait3A_126, %dma_wait3A_132] : memref<40x128xi32, #tpu.memory_space<vmem>> -> memref<1x128xi32, #tpu.memory_space<vmem>>
      %dma_wait3A_134 = tpu.memref_squeeze %dma_wait3A_133 : memref<1x128xi32, #tpu.memory_space<vmem>> -> memref<128xi32, #tpu.memory_space<vmem>>
      %dma_wait3A_135 = arith.constant 0 : i32
      %dma_wait3A_136 = arith.constant 0 : i32
      %dma_wait3A_137 = tpu.memref_slice %arg9[%dma_wait3A_135, %dma_wait3A_136] : memref<10112x128xf32, #tpu.memory_space<vmem_shared>> -> memref<10112x128xf32, #tpu.memory_space<vmem_shared>>
      %dma_wait3A_138 = tpu.memref_slice %arg11[%dma_wait3A_127] : memref<2x!tpu.dma_semaphore, #tpu.memory_space<semaphore_mem>> -> memref<1x!tpu.dma_semaphore, #tpu.memory_space<semaphore_mem>>
      %dma_wait3A_139 = tpu.memref_squeeze %dma_wait3A_138 : memref<1x!tpu.dma_semaphore, #tpu.memory_space<semaphore_mem>> -> memref<!tpu.dma_semaphore, #tpu.memory_space<semaphore_mem>>
      tpu.wait_indirect_dma semaphore(%dma_wait3A_139 : memref<!tpu.dma_semaphore, #tpu.memory_space<semaphore_mem>>) src(%dma_wait3A_131 : memref<128x128xf32, #tpu.memory_space<vmem>>) dst(%dma_wait3A_137 : memref<10112x128xf32, #tpu.memory_space<vmem_shared>>)
      %dma_wait3A_140 = arith.constant 1 : i32
      %dma_wait3A_141 = arith.constant 39 : i32
      %dma_wait3A_142 = arith.constant 1 : i32
      %dma_wait3A_143 = arith.constant 0 : i32
      %dma_wait3A_144 = arith.constant 0 : i32
      %dma_wait3A_145 = tpu.memref_slice %arg8[%dma_wait3A_140, %dma_wait3A_143, %dma_wait3A_144] : memref<2x128x128xf32, #tpu.memory_space<vmem>> -> memref<1x128x128xf32, #tpu.memory_space<vmem>>
      %dma_wait3A_146 = tpu.memref_squeeze %dma_wait3A_145 : memref<1x128x128xf32, #tpu.memory_space<vmem>> -> memref<128x128xf32, #tpu.memory_space<vmem>>
      %dma_wait3A_147 = arith.constant 0 : i32
      %dma_wait3A_148 = tpu.memref_slice %arg7[%dma_wait3A_141, %dma_wait3A_147] : memref<40x128xi32, #tpu.memory_space<vmem>> -> memref<1x128xi32, #tpu.memory_space<vmem>>
      %dma_wait3A_149 = tpu.memref_squeeze %dma_wait3A_148 : memref<1x128xi32, #tpu.memory_space<vmem>> -> memref<128xi32, #tpu.memory_space<vmem>>
      %dma_wait3A_150 = arith.constant 0 : i32
      %dma_wait3A_151 = arith.constant 0 : i32
      %dma_wait3A_152 = tpu.memref_slice %arg9[%dma_wait3A_150, %dma_wait3A_151] : memref<10112x128xf32, #tpu.memory_space<vmem_shared>> -> memref<10112x128xf32, #tpu.memory_space<vmem_shared>>
      %dma_wait3A_153 = tpu.memref_slice %arg11[%dma_wait3A_142] : memref<2x!tpu.dma_semaphore, #tpu.memory_space<semaphore_mem>> -> memref<1x!tpu.dma_semaphore, #tpu.memory_space<semaphore_mem>>
      %dma_wait3A_154 = tpu.memref_squeeze %dma_wait3A_153 : memref<1x!tpu.dma_semaphore, #tpu.memory_space<semaphore_mem>> -> memref<!tpu.dma_semaphore, #tpu.memory_space<semaphore_mem>>
      tpu.wait_indirect_dma semaphore(%dma_wait3A_154 : memref<!tpu.dma_semaphore, #tpu.memory_space<semaphore_mem>>) src(%dma_wait3A_146 : memref<128x128xf32, #tpu.memory_space<vmem>>) dst(%dma_wait3A_152 : memref<10112x128xf32, #tpu.memory_space<vmem_shared>>)
    } else {
    }
    %convert_element_type3A_94 = arith.extui %eq3A_0 : i1 to i32
    %cond3A_95 = arith.constant 0 : i32
    %cond3A_96 = arith.cmpi ne, %convert_element_type3A_94, %cond3A_95 : i32
    scf.if %cond3A_96 {
      %add3A_102 = arith.constant 10240 : i32
      %add3A_103 = arith.addi %select_n3A, %add3A_102 : i32
      "tpu.region"() ({
        %run_scoped3A_155 = tpu.sem_alloc : memref<!tpu.dma_semaphore, #tpu.memory_space<semaphore_mem>>
        %dma_start3A_156 = tpu.memref_slice %arg3[%add3A_103] : memref<327680xi32, #tpu.memory_space<hbm>> -> memref<5120xi32, #tpu.memory_space<hbm>>
        %dma_start3A_157 = tpu.memref_slice %arg3[%add3A_103] : memref<327680xi32, #tpu.memory_space<hbm>> -> memref<5120xi32, #tpu.memory_space<hbm>>
        tpu.enqueue_dma source(%dma_start3A_157 : memref<5120xi32, #tpu.memory_space<hbm>>) target(%arg6 : memref<5120xi32, #tpu.memory_space<vmem>>) target_semaphore(%run_scoped3A_155 : memref<!tpu.dma_semaphore, #tpu.memory_space<semaphore_mem>>)
        %dma_wait3A_158 = tpu.memref_slice %arg3[%add3A_103] : memref<327680xi32, #tpu.memory_space<hbm>> -> memref<5120xi32, #tpu.memory_space<hbm>>
        %dma_wait3A_159 = tpu.memref_slice %arg3[%add3A_103] : memref<327680xi32, #tpu.memory_space<hbm>> -> memref<5120xi32, #tpu.memory_space<hbm>>
        tpu.wait_dma2 semaphore(%run_scoped3A_155 : memref<!tpu.dma_semaphore, #tpu.memory_space<semaphore_mem>>) src(%dma_wait3A_159 : memref<5120xi32, #tpu.memory_space<hbm>>) dst(%arg6 : memref<5120xi32, #tpu.memory_space<vmem>>)
        tpu.yield
      }) : () -> ()
      %add3A_104 = arith.constant 80 : i32
      %add3A_105 = arith.addi %select_n3A_11, %add3A_104 : i32
      "tpu.region"() ({
        %run_scoped3A_155 = tpu.sem_alloc : memref<!tpu.dma_semaphore, #tpu.memory_space<semaphore_mem>>
        %dma_start3A_156 = arith.constant 0 : i32
        %dma_start3A_157 = tpu.memref_slice %arg4[%add3A_105, %dma_start3A_156] : memref<2560x128xi32, #tpu.memory_space<hbm>> -> memref<40x128xi32, #tpu.memory_space<hbm>>
        %dma_start3A_158 = arith.constant 0 : i32
        %dma_start3A_159 = tpu.memref_slice %arg4[%add3A_105, %dma_start3A_158] : memref<2560x128xi32, #tpu.memory_space<hbm>> -> memref<40x128xi32, #tpu.memory_space<hbm>>
        tpu.enqueue_dma source(%dma_start3A_159 : memref<40x128xi32, #tpu.memory_space<hbm>>) target(%arg7 : memref<40x128xi32, #tpu.memory_space<vmem>>) target_semaphore(%run_scoped3A_155 : memref<!tpu.dma_semaphore, #tpu.memory_space<semaphore_mem>>)
        %dma_wait3A_160 = arith.constant 0 : i32
        %dma_wait3A_161 = tpu.memref_slice %arg4[%add3A_105, %dma_wait3A_160] : memref<2560x128xi32, #tpu.memory_space<hbm>> -> memref<40x128xi32, #tpu.memory_space<hbm>>
        %dma_wait3A_162 = arith.constant 0 : i32
        %dma_wait3A_163 = tpu.memref_slice %arg4[%add3A_105, %dma_wait3A_162] : memref<2560x128xi32, #tpu.memory_space<hbm>> -> memref<40x128xi32, #tpu.memory_space<hbm>>
        tpu.wait_dma2 semaphore(%run_scoped3A_155 : memref<!tpu.dma_semaphore, #tpu.memory_space<semaphore_mem>>) src(%dma_wait3A_163 : memref<40x128xi32, #tpu.memory_space<hbm>>) dst(%arg7 : memref<40x128xi32, #tpu.memory_space<vmem>>)
        tpu.yield
      }) : () -> ()
      %dma_start3A_106 = arith.constant 0 : i32
      %dma_start3A_107 = arith.constant 0 : i32
      %dma_start3A_108 = arith.constant 0 : i32
      %dma_start3A_109 = arith.constant 0 : i32
      %dma_start3A_110 = tpu.memref_slice %arg8[%dma_start3A_106, %dma_start3A_108, %dma_start3A_109] : memref<2x128x128xf32, #tpu.memory_space<vmem>> -> memref<1x128x128xf32, #tpu.memory_space<vmem>>
      %dma_start3A_111 = tpu.memref_squeeze %dma_start3A_110 : memref<1x128x128xf32, #tpu.memory_space<vmem>> -> memref<128x128xf32, #tpu.memory_space<vmem>>
      %dma_start3A_112 = arith.constant 0 : i32
      %dma_start3A_113 = tpu.memref_slice %arg6[%dma_start3A_112] : memref<5120xi32, #tpu.memory_space<vmem>> -> memref<128xi32, #tpu.memory_space<vmem>>
      %dma_start3A_114 = arith.constant 0 : i32
      %dma_start3A_115 = arith.constant 0 : i32
      %dma_start3A_116 = tpu.memref_slice %arg2[%dma_start3A_114, %dma_start3A_115] : memref<10112x128xf32, #tpu.memory_space<hbm>> -> memref<10112x128xf32, #tpu.memory_space<hbm>>
      %dma_start3A_117 = tpu.memref_slice %arg10[%dma_start3A_107] : memref<2x!tpu.dma_semaphore, #tpu.memory_space<semaphore_mem>> -> memref<1x!tpu.dma_semaphore, #tpu.memory_space<semaphore_mem>>
      %dma_start3A_118 = tpu.memref_squeeze %dma_start3A_117 : memref<1x!tpu.dma_semaphore, #tpu.memory_space<semaphore_mem>> -> memref<!tpu.dma_semaphore, #tpu.memory_space<semaphore_mem>>
      tpu.enqueue_indirect_dma source(%dma_start3A_116 : memref<10112x128xf32, #tpu.memory_space<hbm>>) target(%dma_start3A_111 : memref<128x128xf32, #tpu.memory_space<vmem>>) offsets(%dma_start3A_113 : memref<128xi32, #tpu.memory_space<vmem>>) semaphore(%dma_start3A_118 : memref<!tpu.dma_semaphore, #tpu.memory_space<semaphore_mem>>)
      %scan3A_119 = arith.constant 0 : i32
      %scan3A_120 = arith.constant 0 : i32
      %scan3A_121 = arith.constant 40 : i32
      %scan3A_122 = arith.addi %scan3A_120, %scan3A_121 : i32
      %scan3A_123 = arith.constant 1 : i32
      scf.for %scan3A_155 = %scan3A_120 to %scan3A_122 step %scan3A_123  : i32 {
        %rem3A = arith.constant 2 : i32
        %rem3A_156 = arith.remsi %scan3A_155, %rem3A : i32
        %mul3A_157 = arith.constant 128 : i32
        %mul3A_158 = arith.muli %scan3A_155, %mul3A_157 : i32
        %dma_wait3A_159 = arith.constant 0 : i32
        %dma_wait3A_160 = arith.constant 0 : i32
        %dma_wait3A_161 = tpu.memref_slice %arg8[%rem3A_156, %dma_wait3A_159, %dma_wait3A_160] : memref<2x128x128xf32, #tpu.memory_space<vmem>> -> memref<1x128x128xf32, #tpu.memory_space<vmem>>
        %dma_wait3A_162 = tpu.memref_squeeze %dma_wait3A_161 : memref<1x128x128xf32, #tpu.memory_space<vmem>> -> memref<128x128xf32, #tpu.memory_space<vmem>>
        %dma_wait3A_163 = tpu.memref_slice %arg6[%mul3A_158] : memref<5120xi32, #tpu.memory_space<vmem>> -> memref<128xi32, #tpu.memory_space<vmem>>
        %dma_wait3A_164 = arith.constant 0 : i32
        %dma_wait3A_165 = arith.constant 0 : i32
        %dma_wait3A_166 = tpu.memref_slice %arg2[%dma_wait3A_164, %dma_wait3A_165] : memref<10112x128xf32, #tpu.memory_space<hbm>> -> memref<10112x128xf32, #tpu.memory_space<hbm>>
        %dma_wait3A_167 = tpu.memref_slice %arg10[%rem3A_156] : memref<2x!tpu.dma_semaphore, #tpu.memory_space<semaphore_mem>> -> memref<1x!tpu.dma_semaphore, #tpu.memory_space<semaphore_mem>>
        %dma_wait3A_168 = tpu.memref_squeeze %dma_wait3A_167 : memref<1x!tpu.dma_semaphore, #tpu.memory_space<semaphore_mem>> -> memref<!tpu.dma_semaphore, #tpu.memory_space<semaphore_mem>>
        tpu.wait_indirect_dma semaphore(%dma_wait3A_168 : memref<!tpu.dma_semaphore, #tpu.memory_space<semaphore_mem>>) src(%dma_wait3A_166 : memref<10112x128xf32, #tpu.memory_space<hbm>>) dst(%dma_wait3A_162 : memref<128x128xf32, #tpu.memory_space<vmem>>)
        %dma_start3A_169 = arith.constant 0 : i32
        %dma_start3A_170 = arith.constant 0 : i32
        %dma_start3A_171 = tpu.memref_slice %arg8[%rem3A_156, %dma_start3A_169, %dma_start3A_170] : memref<2x128x128xf32, #tpu.memory_space<vmem>> -> memref<1x128x128xf32, #tpu.memory_space<vmem>>
        %dma_start3A_172 = tpu.memref_squeeze %dma_start3A_171 : memref<1x128x128xf32, #tpu.memory_space<vmem>> -> memref<128x128xf32, #tpu.memory_space<vmem>>
        %dma_start3A_173 = arith.constant 0 : i32
        %dma_start3A_174 = tpu.memref_slice %arg7[%scan3A_155, %dma_start3A_173] : memref<40x128xi32, #tpu.memory_space<vmem>> -> memref<1x128xi32, #tpu.memory_space<vmem>>
        %dma_start3A_175 = tpu.memref_squeeze %dma_start3A_174 : memref<1x128xi32, #tpu.memory_space<vmem>> -> memref<128xi32, #tpu.memory_space<vmem>>
        %dma_start3A_176 = arith.constant 0 : i32
        %dma_start3A_177 = arith.constant 0 : i32
        %dma_start3A_178 = tpu.memref_slice %arg9[%dma_start3A_176, %dma_start3A_177] : memref<10112x128xf32, #tpu.memory_space<vmem_shared>> -> memref<10112x128xf32, #tpu.memory_space<vmem_shared>>
        %dma_start3A_179 = tpu.memref_slice %arg11[%rem3A_156] : memref<2x!tpu.dma_semaphore, #tpu.memory_space<semaphore_mem>> -> memref<1x!tpu.dma_semaphore, #tpu.memory_space<semaphore_mem>>
        %dma_start3A_180 = tpu.memref_squeeze %dma_start3A_179 : memref<1x!tpu.dma_semaphore, #tpu.memory_space<semaphore_mem>> -> memref<!tpu.dma_semaphore, #tpu.memory_space<semaphore_mem>>
        tpu.enqueue_indirect_dma source(%dma_start3A_172 : memref<128x128xf32, #tpu.memory_space<vmem>>) target(%dma_start3A_178 : memref<10112x128xf32, #tpu.memory_space<vmem_shared>>) offsets(%dma_start3A_175 : memref<128xi32, #tpu.memory_space<vmem>>) semaphore(%dma_start3A_180 : memref<!tpu.dma_semaphore, #tpu.memory_space<semaphore_mem>>) {add = true}
        %add3A_181 = arith.constant 1 : i32
        %add3A_182 = arith.addi %scan3A_155, %add3A_181 : i32
        %lt3A = arith.constant 40 : i32
        %lt3A_183 = arith.cmpi slt, %add3A_182, %lt3A : i32
        %convert_element_type3A_184 = arith.extui %lt3A_183 : i1 to i32
        %cond3A_185 = arith.constant 0 : i32
        %cond3A_186 = arith.cmpi ne, %convert_element_type3A_184, %cond3A_185 : i32
        scf.if %cond3A_186 {
          %ge3A = arith.constant 1 : i32
          %ge3A_187 = arith.cmpi sge, %scan3A_155, %ge3A : i32
          %convert_element_type3A_188 = arith.extui %ge3A_187 : i1 to i32
          %cond3A_189 = arith.constant 0 : i32
          %cond3A_190 = arith.cmpi ne, %convert_element_type3A_188, %cond3A_189 : i32
          scf.if %cond3A_190 {
            %sub3A_206 = arith.constant 1 : i32
            %sub3A_207 = arith.subi %scan3A_155, %sub3A_206 : i32
            %sub3A_208 = arith.constant 1 : i32
            %sub3A_209 = arith.subi %sub3A_208, %rem3A_156 : i32
            %dma_wait3A_210 = arith.constant 0 : i32
            %dma_wait3A_211 = arith.constant 0 : i32
            %dma_wait3A_212 = tpu.memref_slice %arg8[%sub3A_209, %dma_wait3A_210, %dma_wait3A_211] : memref<2x128x128xf32, #tpu.memory_space<vmem>> -> memref<1x128x128xf32, #tpu.memory_space<vmem>>
            %dma_wait3A_213 = tpu.memref_squeeze %dma_wait3A_212 : memref<1x128x128xf32, #tpu.memory_space<vmem>> -> memref<128x128xf32, #tpu.memory_space<vmem>>
            %dma_wait3A_214 = arith.constant 0 : i32
            %dma_wait3A_215 = tpu.memref_slice %arg7[%sub3A_207, %dma_wait3A_214] : memref<40x128xi32, #tpu.memory_space<vmem>> -> memref<1x128xi32, #tpu.memory_space<vmem>>
            %dma_wait3A_216 = tpu.memref_squeeze %dma_wait3A_215 : memref<1x128xi32, #tpu.memory_space<vmem>> -> memref<128xi32, #tpu.memory_space<vmem>>
            %dma_wait3A_217 = arith.constant 0 : i32
            %dma_wait3A_218 = arith.constant 0 : i32
            %dma_wait3A_219 = tpu.memref_slice %arg9[%dma_wait3A_217, %dma_wait3A_218] : memref<10112x128xf32, #tpu.memory_space<vmem_shared>> -> memref<10112x128xf32, #tpu.memory_space<vmem_shared>>
            %dma_wait3A_220 = tpu.memref_slice %arg11[%sub3A_209] : memref<2x!tpu.dma_semaphore, #tpu.memory_space<semaphore_mem>> -> memref<1x!tpu.dma_semaphore, #tpu.memory_space<semaphore_mem>>
            %dma_wait3A_221 = tpu.memref_squeeze %dma_wait3A_220 : memref<1x!tpu.dma_semaphore, #tpu.memory_space<semaphore_mem>> -> memref<!tpu.dma_semaphore, #tpu.memory_space<semaphore_mem>>
            tpu.wait_indirect_dma semaphore(%dma_wait3A_221 : memref<!tpu.dma_semaphore, #tpu.memory_space<semaphore_mem>>) src(%dma_wait3A_213 : memref<128x128xf32, #tpu.memory_space<vmem>>) dst(%dma_wait3A_219 : memref<10112x128xf32, #tpu.memory_space<vmem_shared>>)
          } else {
          }
          %add3A_191 = arith.constant 1 : i32
          %add3A_192 = arith.addi %scan3A_155, %add3A_191 : i32
          %sub3A = arith.constant 1 : i32
          %sub3A_193 = arith.subi %sub3A, %rem3A_156 : i32
          %mul3A_194 = arith.constant 128 : i32
          %mul3A_195 = arith.muli %add3A_192, %mul3A_194 : i32
          %dma_start3A_196 = arith.constant 0 : i32
          %dma_start3A_197 = arith.constant 0 : i32
          %dma_start3A_198 = tpu.memref_slice %arg8[%sub3A_193, %dma_start3A_196, %dma_start3A_197] : memref<2x128x128xf32, #tpu.memory_space<vmem>> -> memref<1x128x128xf32, #tpu.memory_space<vmem>>
          %dma_start3A_199 = tpu.memref_squeeze %dma_start3A_198 : memref<1x128x128xf32, #tpu.memory_space<vmem>> -> memref<128x128xf32, #tpu.memory_space<vmem>>
          %dma_start3A_200 = tpu.memref_slice %arg6[%mul3A_195] : memref<5120xi32, #tpu.memory_space<vmem>> -> memref<128xi32, #tpu.memory_space<vmem>>
          %dma_start3A_201 = arith.constant 0 : i32
          %dma_start3A_202 = arith.constant 0 : i32
          %dma_start3A_203 = tpu.memref_slice %arg2[%dma_start3A_201, %dma_start3A_202] : memref<10112x128xf32, #tpu.memory_space<hbm>> -> memref<10112x128xf32, #tpu.memory_space<hbm>>
          %dma_start3A_204 = tpu.memref_slice %arg10[%sub3A_193] : memref<2x!tpu.dma_semaphore, #tpu.memory_space<semaphore_mem>> -> memref<1x!tpu.dma_semaphore, #tpu.memory_space<semaphore_mem>>
          %dma_start3A_205 = tpu.memref_squeeze %dma_start3A_204 : memref<1x!tpu.dma_semaphore, #tpu.memory_space<semaphore_mem>> -> memref<!tpu.dma_semaphore, #tpu.memory_space<semaphore_mem>>
          tpu.enqueue_indirect_dma source(%dma_start3A_203 : memref<10112x128xf32, #tpu.memory_space<hbm>>) target(%dma_start3A_199 : memref<128x128xf32, #tpu.memory_space<vmem>>) offsets(%dma_start3A_200 : memref<128xi32, #tpu.memory_space<vmem>>) semaphore(%dma_start3A_205 : memref<!tpu.dma_semaphore, #tpu.memory_space<semaphore_mem>>)
        } else {
        }
      }
      %scan3A_124 = arith.constant 40 : i32
      %dma_wait3A_125 = arith.constant 0 : i32
      %dma_wait3A_126 = arith.constant 38 : i32
      %dma_wait3A_127 = arith.constant 0 : i32
      %dma_wait3A_128 = arith.constant 0 : i32
      %dma_wait3A_129 = arith.constant 0 : i32
      %dma_wait3A_130 = tpu.memref_slice %arg8[%dma_wait3A_125, %dma_wait3A_128, %dma_wait3A_129] : memref<2x128x128xf32, #tpu.memory_space<vmem>> -> memref<1x128x128xf32, #tpu.memory_space<vmem>>
      %dma_wait3A_131 = tpu.memref_squeeze %dma_wait3A_130 : memref<1x128x128xf32, #tpu.memory_space<vmem>> -> memref<128x128xf32, #tpu.memory_space<vmem>>
      %dma_wait3A_132 = arith.constant 0 : i32
      %dma_wait3A_133 = tpu.memref_slice %arg7[%dma_wait3A_126, %dma_wait3A_132] : memref<40x128xi32, #tpu.memory_space<vmem>> -> memref<1x128xi32, #tpu.memory_space<vmem>>
      %dma_wait3A_134 = tpu.memref_squeeze %dma_wait3A_133 : memref<1x128xi32, #tpu.memory_space<vmem>> -> memref<128xi32, #tpu.memory_space<vmem>>
      %dma_wait3A_135 = arith.constant 0 : i32
      %dma_wait3A_136 = arith.constant 0 : i32
      %dma_wait3A_137 = tpu.memref_slice %arg9[%dma_wait3A_135, %dma_wait3A_136] : memref<10112x128xf32, #tpu.memory_space<vmem_shared>> -> memref<10112x128xf32, #tpu.memory_space<vmem_shared>>
      %dma_wait3A_138 = tpu.memref_slice %arg11[%dma_wait3A_127] : memref<2x!tpu.dma_semaphore, #tpu.memory_space<semaphore_mem>> -> memref<1x!tpu.dma_semaphore, #tpu.memory_space<semaphore_mem>>
      %dma_wait3A_139 = tpu.memref_squeeze %dma_wait3A_138 : memref<1x!tpu.dma_semaphore, #tpu.memory_space<semaphore_mem>> -> memref<!tpu.dma_semaphore, #tpu.memory_space<semaphore_mem>>
      tpu.wait_indirect_dma semaphore(%dma_wait3A_139 : memref<!tpu.dma_semaphore, #tpu.memory_space<semaphore_mem>>) src(%dma_wait3A_131 : memref<128x128xf32, #tpu.memory_space<vmem>>) dst(%dma_wait3A_137 : memref<10112x128xf32, #tpu.memory_space<vmem_shared>>)
      %dma_wait3A_140 = arith.constant 1 : i32
      %dma_wait3A_141 = arith.constant 39 : i32
      %dma_wait3A_142 = arith.constant 1 : i32
      %dma_wait3A_143 = arith.constant 0 : i32
      %dma_wait3A_144 = arith.constant 0 : i32
      %dma_wait3A_145 = tpu.memref_slice %arg8[%dma_wait3A_140, %dma_wait3A_143, %dma_wait3A_144] : memref<2x128x128xf32, #tpu.memory_space<vmem>> -> memref<1x128x128xf32, #tpu.memory_space<vmem>>
      %dma_wait3A_146 = tpu.memref_squeeze %dma_wait3A_145 : memref<1x128x128xf32, #tpu.memory_space<vmem>> -> memref<128x128xf32, #tpu.memory_space<vmem>>
      %dma_wait3A_147 = arith.constant 0 : i32
      %dma_wait3A_148 = tpu.memref_slice %arg7[%dma_wait3A_141, %dma_wait3A_147] : memref<40x128xi32, #tpu.memory_space<vmem>> -> memref<1x128xi32, #tpu.memory_space<vmem>>
      %dma_wait3A_149 = tpu.memref_squeeze %dma_wait3A_148 : memref<1x128xi32, #tpu.memory_space<vmem>> -> memref<128xi32, #tpu.memory_space<vmem>>
      %dma_wait3A_150 = arith.constant 0 : i32
      %dma_wait3A_151 = arith.constant 0 : i32
      %dma_wait3A_152 = tpu.memref_slice %arg9[%dma_wait3A_150, %dma_wait3A_151] : memref<10112x128xf32, #tpu.memory_space<vmem_shared>> -> memref<10112x128xf32, #tpu.memory_space<vmem_shared>>
      %dma_wait3A_153 = tpu.memref_slice %arg11[%dma_wait3A_142] : memref<2x!tpu.dma_semaphore, #tpu.memory_space<semaphore_mem>> -> memref<1x!tpu.dma_semaphore, #tpu.memory_space<semaphore_mem>>
      %dma_wait3A_154 = tpu.memref_squeeze %dma_wait3A_153 : memref<1x!tpu.dma_semaphore, #tpu.memory_space<semaphore_mem>> -> memref<!tpu.dma_semaphore, #tpu.memory_space<semaphore_mem>>
      tpu.wait_indirect_dma semaphore(%dma_wait3A_154 : memref<!tpu.dma_semaphore, #tpu.memory_space<semaphore_mem>>) src(%dma_wait3A_146 : memref<128x128xf32, #tpu.memory_space<vmem>>) dst(%dma_wait3A_152 : memref<10112x128xf32, #tpu.memory_space<vmem_shared>>)
    } else {
    }
    %barrier3A_97 = arith.constant 0 : index
    tpu.barrier barrier_id(%barrier3A_97)
    %mul3A_98 = arith.constant 632 : i32
    %mul3A_99 = arith.muli %arg1, %mul3A_98 : i32
    %mul3A_100 = arith.constant 632 : i32
    %mul3A_101 = arith.muli %arg1, %mul3A_100 : i32
    "tpu.region"() ({
      %run_scoped3A_102 = tpu.sem_alloc : memref<!tpu.dma_semaphore, #tpu.memory_space<semaphore_mem>>
      %dma_start3A_103 = arith.constant 0 : i32
      %dma_start3A_104 = tpu.memref_slice %arg5[%arg0, %mul3A_101, %dma_start3A_103] : memref<2x10112x128xf32, #tpu.memory_space<hbm>> -> memref<1x632x128xf32, #tpu.memory_space<hbm>>
      %dma_start3A_105 = tpu.memref_squeeze %dma_start3A_104 : memref<1x632x128xf32, #tpu.memory_space<hbm>> -> memref<632x128xf32, #tpu.memory_space<hbm>>
      %dma_start3A_106 = arith.constant 0 : i32
      %dma_start3A_107 = tpu.memref_slice %arg9[%mul3A_99, %dma_start3A_106] : memref<10112x128xf32, #tpu.memory_space<vmem_shared>> -> memref<632x128xf32, #tpu.memory_space<vmem_shared>>
      tpu.enqueue_dma source(%dma_start3A_107 : memref<632x128xf32, #tpu.memory_space<vmem_shared>>) target(%dma_start3A_105 : memref<632x128xf32, #tpu.memory_space<hbm>>) target_semaphore(%run_scoped3A_102 : memref<!tpu.dma_semaphore, #tpu.memory_space<semaphore_mem>>)
      %dma_wait3A_108 = arith.constant 0 : i32
      %dma_wait3A_109 = tpu.memref_slice %arg5[%arg0, %mul3A_101, %dma_wait3A_108] : memref<2x10112x128xf32, #tpu.memory_space<hbm>> -> memref<1x632x128xf32, #tpu.memory_space<hbm>>
      %dma_wait3A_110 = tpu.memref_squeeze %dma_wait3A_109 : memref<1x632x128xf32, #tpu.memory_space<hbm>> -> memref<632x128xf32, #tpu.memory_space<hbm>>
      %dma_wait3A_111 = arith.constant 0 : i32
      %dma_wait3A_112 = tpu.memref_slice %arg9[%mul3A_99, %dma_wait3A_111] : memref<10112x128xf32, #tpu.memory_space<vmem_shared>> -> memref<632x128xf32, #tpu.memory_space<vmem_shared>>
      tpu.wait_dma2 semaphore(%run_scoped3A_102 : memref<!tpu.dma_semaphore, #tpu.memory_space<semaphore_mem>>) src(%dma_wait3A_112 : memref<632x128xf32, #tpu.memory_space<vmem_shared>>) dst(%dma_wait3A_110 : memref<632x128xf32, #tpu.memory_space<hbm>>)
      tpu.yield
    }) : () -> ()
    return
  }
}

#map = affine_map<(d0, d1) -> (0, 0)>
#map1 = affine_map<(d0, d1) -> (0)>
#map2 = affine_map<(d0, d1) -> (0, 0, 0)>
module attributes {stable_mosaic.version = 14 : i64} {
  func.func @_aggregate(%arg0: i32, %arg1: i32, %arg2: memref<10112x128xf32, #tpu.memory_space<hbm>>, %arg3: memref<327680xi32, #tpu.memory_space<hbm>>, %arg4: memref<2560x128xi32, #tpu.memory_space<hbm>>, %arg5: memref<2x10112x128xf32, #tpu.memory_space<hbm>>, %arg6: memref<5120xi32, #tpu.memory_space<vmem>>, %arg7: memref<40x128xi32, #tpu.memory_space<vmem>>, %arg8: memref<2x128x128xf32, #tpu.memory_space<vmem>>, %arg9: memref<10112x128xf32, #tpu.memory_space<vmem_shared>>, %arg10: memref<2x!tpu.dma_semaphore, #tpu.memory_space<semaphore_mem>>, %arg11: memref<2x!tpu.dma_semaphore, #tpu.memory_space<semaphore_mem>>) attributes {dimension_semantics = [#tpu.dimension_semantics<core_parallel>, #tpu.dimension_semantics<subcore_parallel>], iteration_bounds = array<i64: 2, 16>, scalar_prefetch = 0 : i64, scratch_operands = 6 : i64, tpu.core_type = #tpu.core_type<sc_vector_subcore>, window_params = [{transform_indices = #map}, {transform_indices = #map1}, {transform_indices = #map}, {transform_indices = #map2}]} {
    %eq3A = arith.constant 0 : i32
    %eq3A_0 = arith.cmpi eq, %arg0, %eq3A : i32
    %mul3A = arith.constant 15360 : i32
    %mul3A_1 = arith.muli %arg1, %mul3A : i32
    %mul3A_2 = arith.constant 5120 : i32
    %mul3A_3 = arith.muli %arg1, %mul3A_2 : i32
    %add3A = arith.constant 245760 : i32
    %add3A_4 = arith.addi %add3A, %mul3A_3 : i32
    %select_n3A = arith.select %eq3A_0, %mul3A_1, %add3A_4 : i32
    %mul3A_5 = arith.constant 120 : i32
    %mul3A_6 = arith.muli %arg1, %mul3A_5 : i32
    %mul3A_7 = arith.constant 40 : i32
    %mul3A_8 = arith.muli %arg1, %mul3A_7 : i32
    %add3A_9 = arith.constant 1920 : i32
    %add3A_10 = arith.addi %add3A_9, %mul3A_8 : i32
    %select_n3A_11 = arith.select %eq3A_0, %mul3A_6, %add3A_10 : i32
    %broadcast_in_dim3A = arith.constant 0.000000e+00 : f32
    %broadcast_in_dim3A_12 = vector.broadcast %broadcast_in_dim3A : f32 to vector<16xf32>
    %scan3A = arith.constant 0 : i32
    %scan3A_13 = arith.constant 0 : i32
    %scan3A_14 = arith.constant 1024 : i32
    %scan3A_15 = arith.addi %scan3A_13, %scan3A_14 : i32
    %scan3A_16 = arith.constant 1 : i32
    scf.for %scan3A_102 = %scan3A_13 to %scan3A_15 step %scan3A_16  : i32 {
      %jit3A = arith.constant 8 : i32
      %div3A = arith.divsi %scan3A_102, %jit3A : i32
      %sign3A = arith.constant 0 : i32
      %sign3A_103 = arith.cmpi sgt, %scan3A_102, %sign3A : i32
      %sign3A_104 = arith.extui %sign3A_103 : i1 to i32
      %sign3A_105 = arith.constant 0 : i32
      %sign3A_106 = arith.cmpi slt, %scan3A_102, %sign3A_105 : i32
      %sign3A_107 = arith.extui %sign3A_106 : i1 to i32
      %sign3A_108 = arith.subi %sign3A_104, %sign3A_107 : i32
      %sign3A_109 = arith.constant 0 : i32
      %sign3A_110 = arith.cmpi sgt, %jit3A, %sign3A_109 : i32
      %sign3A_111 = arith.extui %sign3A_110 : i1 to i32
      %sign3A_112 = arith.constant 0 : i32
      %sign3A_113 = arith.cmpi slt, %jit3A, %sign3A_112 : i32
      %sign3A_114 = arith.extui %sign3A_113 : i1 to i32
      %sign3A_115 = arith.subi %sign3A_111, %sign3A_114 : i32
      %ne3A = arith.cmpi ne, %sign3A_108, %sign3A_115 : i32
      %rem3A = arith.remsi %scan3A_102, %jit3A : i32
      %ne3A_116 = arith.constant 0 : i32
      %ne3A_117 = arith.cmpi ne, %rem3A, %ne3A_116 : i32
      %and3A = arith.andi %ne3A, %ne3A_117 : i1
      %sub3A = arith.constant 1 : i32
      %sub3A_118 = arith.subi %div3A, %sub3A : i32
      %select_n3A_119 = arith.select %and3A, %sub3A_118, %div3A : i32
      %jit3A_120 = arith.constant 8 : i32
      %eq3A_121 = arith.constant 0 : i32
      %eq3A_122 = arith.cmpi eq, %jit3A_120, %eq3A_121 : i32
      %jit3A_123 = arith.constant 1 : i32
      %select_n3A_124 = arith.select %eq3A_122, %jit3A_123, %jit3A_120 : i32
      %rem3A_125 = arith.remsi %scan3A_102, %select_n3A_124 : i32
      %ne3A_126 = arith.constant 0 : i32
      %ne3A_127 = arith.cmpi ne, %rem3A_125, %ne3A_126 : i32
      %lt3A = arith.constant 0 : i32
      %lt3A_128 = arith.cmpi slt, %rem3A_125, %lt3A : i32
      %lt3A_129 = arith.constant 0 : i32
      %lt3A_130 = arith.cmpi slt, %select_n3A_124, %lt3A_129 : i32
      %ne3A_131 = arith.xori %lt3A_128, %lt3A_130 : i1
      %and3A_132 = arith.andi %ne3A_131, %ne3A_127 : i1
      %add3A_133 = arith.addi %rem3A_125, %select_n3A_124 : i32
      %select_n3A_134 = arith.select %and3A_132, %add3A_133, %rem3A_125 : i32
      %mul3A_135 = arith.constant 16 : i32
      %mul3A_136 = arith.muli %select_n3A_134, %mul3A_135 : i32
      %swap3A = arith.constant 0 : i32
      %swap3A_137 = arith.index_cast %swap3A : i32 to index
      %swap3A_138 = arith.index_cast %select_n3A_119 : i32 to index
      %swap3A_139 = arith.index_cast %mul3A_136 : i32 to index
      %swap3A_140 = tpu.vector_load %arg8[%swap3A_137, %swap3A_138, %swap3A_139] {strides = array<i32>} : memref<2x128x128xf32, #tpu.memory_space<vmem>>, vector<1x1x16xf32>,
      %swap3A_141 = vector.shape_cast %swap3A_140 : vector<1x1x16xf32> to vector<16xf32>
      %swap3A_142 = vector.shape_cast %broadcast_in_dim3A_12 : vector<16xf32> to vector<1x1x16xf32>
      tpu.vector_store %arg8[%swap3A_137, %swap3A_138, %swap3A_139], %swap3A_142 {strides = array<i32>} : memref<2x128x128xf32, #tpu.memory_space<vmem>>, vector<1x1x16xf32>,
    }
    %scan3A_17 = arith.constant 1024 : i32
    %mul3A_18 = arith.constant 632 : i32
    %mul3A_19 = arith.muli %arg1, %mul3A_18 : i32
    %add3A_20 = arith.constant 0 : i32
    %add3A_21 = arith.addi %mul3A_19, %add3A_20 : i32
    %run_scoped3A = arith.constant 0 : i32
    "tpu.region"() ({
      %run_scoped3A_102 = tpu.sem_alloc : memref<!tpu.dma_semaphore, #tpu.memory_space<semaphore_mem>>
      %dma_start3A_103 = arith.constant 0 : i32
      %dma_start3A_104 = arith.constant 0 : i32
      %dma_start3A_105 = tpu.memref_slice %arg8[%run_scoped3A, %dma_start3A_103, %dma_start3A_104] : memref<2x128x128xf32, #tpu.memory_space<vmem>> -> memref<1x128x128xf32, #tpu.memory_space<vmem>>
      %dma_start3A_106 = tpu.memref_squeeze %dma_start3A_105 : memref<1x128x128xf32, #tpu.memory_space<vmem>> -> memref<128x128xf32, #tpu.memory_space<vmem>>
      %dma_start3A_107 = arith.constant 0 : i32
      %dma_start3A_108 = tpu.memref_slice %arg9[%add3A_21, %dma_start3A_107] : memref<10112x128xf32, #tpu.memory_space<vmem_shared>> -> memref<128x128xf32, #tpu.memory_space<vmem_shared>>
      %dma_start3A_109 = arith.constant 0 : i32
      %dma_start3A_110 = tpu.memref_slice %arg9[%add3A_21, %dma_start3A_109] : memref<10112x128xf32, #tpu.memory_space<vmem_shared>> -> memref<128x128xf32, #tpu.memory_space<vmem_shared>>
      %dma_start3A_111 = arith.constant 0 : i32
      %dma_start3A_112 = arith.constant 0 : i32
      %dma_start3A_113 = tpu.memref_slice %arg8[%run_scoped3A, %dma_start3A_111, %dma_start3A_112] : memref<2x128x128xf32, #tpu.memory_space<vmem>> -> memref<1x128x128xf32, #tpu.memory_space<vmem>>
      %dma_start3A_114 = tpu.memref_squeeze %dma_start3A_113 : memref<1x128x128xf32, #tpu.memory_space<vmem>> -> memref<128x128xf32, #tpu.memory_space<vmem>>
      tpu.enqueue_dma source(%dma_start3A_114 : memref<128x128xf32, #tpu.memory_space<vmem>>) target(%dma_start3A_110 : memref<128x128xf32, #tpu.memory_space<vmem_shared>>) target_semaphore(%run_scoped3A_102 : memref<!tpu.dma_semaphore, #tpu.memory_space<semaphore_mem>>)
      %dma_wait3A_115 = arith.constant 0 : i32
      %dma_wait3A_116 = arith.constant 0 : i32
      %dma_wait3A_117 = tpu.memref_slice %arg8[%run_scoped3A, %dma_wait3A_115, %dma_wait3A_116] : memref<2x128x128xf32, #tpu.memory_space<vmem>> -> memref<1x128x128xf32, #tpu.memory_space<vmem>>
      %dma_wait3A_118 = tpu.memref_squeeze %dma_wait3A_117 : memref<1x128x128xf32, #tpu.memory_space<vmem>> -> memref<128x128xf32, #tpu.memory_space<vmem>>
      %dma_wait3A_119 = arith.constant 0 : i32
      %dma_wait3A_120 = tpu.memref_slice %arg9[%add3A_21, %dma_wait3A_119] : memref<10112x128xf32, #tpu.memory_space<vmem_shared>> -> memref<128x128xf32, #tpu.memory_space<vmem_shared>>
      %dma_wait3A_121 = arith.constant 0 : i32
      %dma_wait3A_122 = tpu.memref_slice %arg9[%add3A_21, %dma_wait3A_121] : memref<10112x128xf32, #tpu.memory_space<vmem_shared>> -> memref<128x128xf32, #tpu.memory_space<vmem_shared>>
      %dma_wait3A_123 = arith.constant 0 : i32
      %dma_wait3A_124 = arith.constant 0 : i32
      %dma_wait3A_125 = tpu.memref_slice %arg8[%run_scoped3A, %dma_wait3A_123, %dma_wait3A_124] : memref<2x128x128xf32, #tpu.memory_space<vmem>> -> memref<1x128x128xf32, #tpu.memory_space<vmem>>
      %dma_wait3A_126 = tpu.memref_squeeze %dma_wait3A_125 : memref<1x128x128xf32, #tpu.memory_space<vmem>> -> memref<128x128xf32, #tpu.memory_space<vmem>>
      tpu.wait_dma2 semaphore(%run_scoped3A_102 : memref<!tpu.dma_semaphore, #tpu.memory_space<semaphore_mem>>) src(%dma_wait3A_126 : memref<128x128xf32, #tpu.memory_space<vmem>>) dst(%dma_wait3A_122 : memref<128x128xf32, #tpu.memory_space<vmem_shared>>)
      tpu.yield
    }) : () -> ()
    %mul3A_22 = arith.constant 632 : i32
    %mul3A_23 = arith.muli %arg1, %mul3A_22 : i32
    %add3A_24 = arith.constant 128 : i32
    %add3A_25 = arith.addi %mul3A_23, %add3A_24 : i32
    %run_scoped3A_26 = arith.constant 0 : i32
    "tpu.region"() ({
      %run_scoped3A_102 = tpu.sem_alloc : memref<!tpu.dma_semaphore, #tpu.memory_space<semaphore_mem>>
      %dma_start3A_103 = arith.constant 0 : i32
      %dma_start3A_104 = arith.constant 0 : i32
      %dma_start3A_105 = tpu.memref_slice %arg8[%run_scoped3A_26, %dma_start3A_103, %dma_start3A_104] : memref<2x128x128xf32, #tpu.memory_space<vmem>> -> memref<1x128x128xf32, #tpu.memory_space<vmem>>
      %dma_start3A_106 = tpu.memref_squeeze %dma_start3A_105 : memref<1x128x128xf32, #tpu.memory_space<vmem>> -> memref<128x128xf32, #tpu.memory_space<vmem>>
      %dma_start3A_107 = arith.constant 0 : i32
      %dma_start3A_108 = tpu.memref_slice %arg9[%add3A_25, %dma_start3A_107] : memref<10112x128xf32, #tpu.memory_space<vmem_shared>> -> memref<128x128xf32, #tpu.memory_space<vmem_shared>>
      %dma_start3A_109 = arith.constant 0 : i32
      %dma_start3A_110 = tpu.memref_slice %arg9[%add3A_25, %dma_start3A_109] : memref<10112x128xf32, #tpu.memory_space<vmem_shared>> -> memref<128x128xf32, #tpu.memory_space<vmem_shared>>
      %dma_start3A_111 = arith.constant 0 : i32
      %dma_start3A_112 = arith.constant 0 : i32
      %dma_start3A_113 = tpu.memref_slice %arg8[%run_scoped3A_26, %dma_start3A_111, %dma_start3A_112] : memref<2x128x128xf32, #tpu.memory_space<vmem>> -> memref<1x128x128xf32, #tpu.memory_space<vmem>>
      %dma_start3A_114 = tpu.memref_squeeze %dma_start3A_113 : memref<1x128x128xf32, #tpu.memory_space<vmem>> -> memref<128x128xf32, #tpu.memory_space<vmem>>
      tpu.enqueue_dma source(%dma_start3A_114 : memref<128x128xf32, #tpu.memory_space<vmem>>) target(%dma_start3A_110 : memref<128x128xf32, #tpu.memory_space<vmem_shared>>) target_semaphore(%run_scoped3A_102 : memref<!tpu.dma_semaphore, #tpu.memory_space<semaphore_mem>>)
      %dma_wait3A_115 = arith.constant 0 : i32
      %dma_wait3A_116 = arith.constant 0 : i32
      %dma_wait3A_117 = tpu.memref_slice %arg8[%run_scoped3A_26, %dma_wait3A_115, %dma_wait3A_116] : memref<2x128x128xf32, #tpu.memory_space<vmem>> -> memref<1x128x128xf32, #tpu.memory_space<vmem>>
      %dma_wait3A_118 = tpu.memref_squeeze %dma_wait3A_117 : memref<1x128x128xf32, #tpu.memory_space<vmem>> -> memref<128x128xf32, #tpu.memory_space<vmem>>
      %dma_wait3A_119 = arith.constant 0 : i32
      %dma_wait3A_120 = tpu.memref_slice %arg9[%add3A_25, %dma_wait3A_119] : memref<10112x128xf32, #tpu.memory_space<vmem_shared>> -> memref<128x128xf32, #tpu.memory_space<vmem_shared>>
      %dma_wait3A_121 = arith.constant 0 : i32
      %dma_wait3A_122 = tpu.memref_slice %arg9[%add3A_25, %dma_wait3A_121] : memref<10112x128xf32, #tpu.memory_space<vmem_shared>> -> memref<128x128xf32, #tpu.memory_space<vmem_shared>>
      %dma_wait3A_123 = arith.constant 0 : i32
      %dma_wait3A_124 = arith.constant 0 : i32
      %dma_wait3A_125 = tpu.memref_slice %arg8[%run_scoped3A_26, %dma_wait3A_123, %dma_wait3A_124] : memref<2x128x128xf32, #tpu.memory_space<vmem>> -> memref<1x128x128xf32, #tpu.memory_space<vmem>>
      %dma_wait3A_126 = tpu.memref_squeeze %dma_wait3A_125 : memref<1x128x128xf32, #tpu.memory_space<vmem>> -> memref<128x128xf32, #tpu.memory_space<vmem>>
      tpu.wait_dma2 semaphore(%run_scoped3A_102 : memref<!tpu.dma_semaphore, #tpu.memory_space<semaphore_mem>>) src(%dma_wait3A_126 : memref<128x128xf32, #tpu.memory_space<vmem>>) dst(%dma_wait3A_122 : memref<128x128xf32, #tpu.memory_space<vmem_shared>>)
      tpu.yield
    }) : () -> ()
    %mul3A_27 = arith.constant 632 : i32
    %mul3A_28 = arith.muli %arg1, %mul3A_27 : i32
    %add3A_29 = arith.constant 256 : i32
    %add3A_30 = arith.addi %mul3A_28, %add3A_29 : i32
    %run_scoped3A_31 = arith.constant 0 : i32
    "tpu.region"() ({
      %run_scoped3A_102 = tpu.sem_alloc : memref<!tpu.dma_semaphore, #tpu.memory_space<semaphore_mem>>
      %dma_start3A_103 = arith.constant 0 : i32
      %dma_start3A_104 = arith.constant 0 : i32
      %dma_start3A_105 = tpu.memref_slice %arg8[%run_scoped3A_31, %dma_start3A_103, %dma_start3A_104] : memref<2x128x128xf32, #tpu.memory_space<vmem>> -> memref<1x128x128xf32, #tpu.memory_space<vmem>>
      %dma_start3A_106 = tpu.memref_squeeze %dma_start3A_105 : memref<1x128x128xf32, #tpu.memory_space<vmem>> -> memref<128x128xf32, #tpu.memory_space<vmem>>
      %dma_start3A_107 = arith.constant 0 : i32
      %dma_start3A_108 = tpu.memref_slice %arg9[%add3A_30, %dma_start3A_107] : memref<10112x128xf32, #tpu.memory_space<vmem_shared>> -> memref<128x128xf32, #tpu.memory_space<vmem_shared>>
      %dma_start3A_109 = arith.constant 0 : i32
      %dma_start3A_110 = tpu.memref_slice %arg9[%add3A_30, %dma_start3A_109] : memref<10112x128xf32, #tpu.memory_space<vmem_shared>> -> memref<128x128xf32, #tpu.memory_space<vmem_shared>>
      %dma_start3A_111 = arith.constant 0 : i32
      %dma_start3A_112 = arith.constant 0 : i32
      %dma_start3A_113 = tpu.memref_slice %arg8[%run_scoped3A_31, %dma_start3A_111, %dma_start3A_112] : memref<2x128x128xf32, #tpu.memory_space<vmem>> -> memref<1x128x128xf32, #tpu.memory_space<vmem>>
      %dma_start3A_114 = tpu.memref_squeeze %dma_start3A_113 : memref<1x128x128xf32, #tpu.memory_space<vmem>> -> memref<128x128xf32, #tpu.memory_space<vmem>>
      tpu.enqueue_dma source(%dma_start3A_114 : memref<128x128xf32, #tpu.memory_space<vmem>>) target(%dma_start3A_110 : memref<128x128xf32, #tpu.memory_space<vmem_shared>>) target_semaphore(%run_scoped3A_102 : memref<!tpu.dma_semaphore, #tpu.memory_space<semaphore_mem>>)
      %dma_wait3A_115 = arith.constant 0 : i32
      %dma_wait3A_116 = arith.constant 0 : i32
      %dma_wait3A_117 = tpu.memref_slice %arg8[%run_scoped3A_31, %dma_wait3A_115, %dma_wait3A_116] : memref<2x128x128xf32, #tpu.memory_space<vmem>> -> memref<1x128x128xf32, #tpu.memory_space<vmem>>
      %dma_wait3A_118 = tpu.memref_squeeze %dma_wait3A_117 : memref<1x128x128xf32, #tpu.memory_space<vmem>> -> memref<128x128xf32, #tpu.memory_space<vmem>>
      %dma_wait3A_119 = arith.constant 0 : i32
      %dma_wait3A_120 = tpu.memref_slice %arg9[%add3A_30, %dma_wait3A_119] : memref<10112x128xf32, #tpu.memory_space<vmem_shared>> -> memref<128x128xf32, #tpu.memory_space<vmem_shared>>
      %dma_wait3A_121 = arith.constant 0 : i32
      %dma_wait3A_122 = tpu.memref_slice %arg9[%add3A_30, %dma_wait3A_121] : memref<10112x128xf32, #tpu.memory_space<vmem_shared>> -> memref<128x128xf32, #tpu.memory_space<vmem_shared>>
      %dma_wait3A_123 = arith.constant 0 : i32
      %dma_wait3A_124 = arith.constant 0 : i32
      %dma_wait3A_125 = tpu.memref_slice %arg8[%run_scoped3A_31, %dma_wait3A_123, %dma_wait3A_124] : memref<2x128x128xf32, #tpu.memory_space<vmem>> -> memref<1x128x128xf32, #tpu.memory_space<vmem>>
      %dma_wait3A_126 = tpu.memref_squeeze %dma_wait3A_125 : memref<1x128x128xf32, #tpu.memory_space<vmem>> -> memref<128x128xf32, #tpu.memory_space<vmem>>
      tpu.wait_dma2 semaphore(%run_scoped3A_102 : memref<!tpu.dma_semaphore, #tpu.memory_space<semaphore_mem>>) src(%dma_wait3A_126 : memref<128x128xf32, #tpu.memory_space<vmem>>) dst(%dma_wait3A_122 : memref<128x128xf32, #tpu.memory_space<vmem_shared>>)
      tpu.yield
    }) : () -> ()
    %mul3A_32 = arith.constant 632 : i32
    %mul3A_33 = arith.muli %arg1, %mul3A_32 : i32
    %add3A_34 = arith.constant 384 : i32
    %add3A_35 = arith.addi %mul3A_33, %add3A_34 : i32
    %run_scoped3A_36 = arith.constant 0 : i32
    "tpu.region"() ({
      %run_scoped3A_102 = tpu.sem_alloc : memref<!tpu.dma_semaphore, #tpu.memory_space<semaphore_mem>>
      %dma_start3A_103 = arith.constant 0 : i32
      %dma_start3A_104 = arith.constant 0 : i32
      %dma_start3A_105 = tpu.memref_slice %arg8[%run_scoped3A_36, %dma_start3A_103, %dma_start3A_104] : memref<2x128x128xf32, #tpu.memory_space<vmem>> -> memref<1x128x128xf32, #tpu.memory_space<vmem>>
      %dma_start3A_106 = tpu.memref_squeeze %dma_start3A_105 : memref<1x128x128xf32, #tpu.memory_space<vmem>> -> memref<128x128xf32, #tpu.memory_space<vmem>>
      %dma_start3A_107 = arith.constant 0 : i32
      %dma_start3A_108 = tpu.memref_slice %arg9[%add3A_35, %dma_start3A_107] : memref<10112x128xf32, #tpu.memory_space<vmem_shared>> -> memref<128x128xf32, #tpu.memory_space<vmem_shared>>
      %dma_start3A_109 = arith.constant 0 : i32
      %dma_start3A_110 = tpu.memref_slice %arg9[%add3A_35, %dma_start3A_109] : memref<10112x128xf32, #tpu.memory_space<vmem_shared>> -> memref<128x128xf32, #tpu.memory_space<vmem_shared>>
      %dma_start3A_111 = arith.constant 0 : i32
      %dma_start3A_112 = arith.constant 0 : i32
      %dma_start3A_113 = tpu.memref_slice %arg8[%run_scoped3A_36, %dma_start3A_111, %dma_start3A_112] : memref<2x128x128xf32, #tpu.memory_space<vmem>> -> memref<1x128x128xf32, #tpu.memory_space<vmem>>
      %dma_start3A_114 = tpu.memref_squeeze %dma_start3A_113 : memref<1x128x128xf32, #tpu.memory_space<vmem>> -> memref<128x128xf32, #tpu.memory_space<vmem>>
      tpu.enqueue_dma source(%dma_start3A_114 : memref<128x128xf32, #tpu.memory_space<vmem>>) target(%dma_start3A_110 : memref<128x128xf32, #tpu.memory_space<vmem_shared>>) target_semaphore(%run_scoped3A_102 : memref<!tpu.dma_semaphore, #tpu.memory_space<semaphore_mem>>)
      %dma_wait3A_115 = arith.constant 0 : i32
      %dma_wait3A_116 = arith.constant 0 : i32
      %dma_wait3A_117 = tpu.memref_slice %arg8[%run_scoped3A_36, %dma_wait3A_115, %dma_wait3A_116] : memref<2x128x128xf32, #tpu.memory_space<vmem>> -> memref<1x128x128xf32, #tpu.memory_space<vmem>>
      %dma_wait3A_118 = tpu.memref_squeeze %dma_wait3A_117 : memref<1x128x128xf32, #tpu.memory_space<vmem>> -> memref<128x128xf32, #tpu.memory_space<vmem>>
      %dma_wait3A_119 = arith.constant 0 : i32
      %dma_wait3A_120 = tpu.memref_slice %arg9[%add3A_35, %dma_wait3A_119] : memref<10112x128xf32, #tpu.memory_space<vmem_shared>> -> memref<128x128xf32, #tpu.memory_space<vmem_shared>>
      %dma_wait3A_121 = arith.constant 0 : i32
      %dma_wait3A_122 = tpu.memref_slice %arg9[%add3A_35, %dma_wait3A_121] : memref<10112x128xf32, #tpu.memory_space<vmem_shared>> -> memref<128x128xf32, #tpu.memory_space<vmem_shared>>
      %dma_wait3A_123 = arith.constant 0 : i32
      %dma_wait3A_124 = arith.constant 0 : i32
      %dma_wait3A_125 = tpu.memref_slice %arg8[%run_scoped3A_36, %dma_wait3A_123, %dma_wait3A_124] : memref<2x128x128xf32, #tpu.memory_space<vmem>> -> memref<1x128x128xf32, #tpu.memory_space<vmem>>
      %dma_wait3A_126 = tpu.memref_squeeze %dma_wait3A_125 : memref<1x128x128xf32, #tpu.memory_space<vmem>> -> memref<128x128xf32, #tpu.memory_space<vmem>>
      tpu.wait_dma2 semaphore(%run_scoped3A_102 : memref<!tpu.dma_semaphore, #tpu.memory_space<semaphore_mem>>) src(%dma_wait3A_126 : memref<128x128xf32, #tpu.memory_space<vmem>>) dst(%dma_wait3A_122 : memref<128x128xf32, #tpu.memory_space<vmem_shared>>)
      tpu.yield
    }) : () -> ()
    %mul3A_37 = arith.constant 632 : i32
    %mul3A_38 = arith.muli %arg1, %mul3A_37 : i32
    %add3A_39 = arith.constant 512 : i32
    %add3A_40 = arith.addi %mul3A_38, %add3A_39 : i32
    %run_scoped3A_41 = arith.constant 0 : i32
    "tpu.region"() ({
      %run_scoped3A_102 = tpu.sem_alloc : memref<!tpu.dma_semaphore, #tpu.memory_space<semaphore_mem>>
      %dma_start3A_103 = arith.constant 0 : i32
      %dma_start3A_104 = arith.constant 0 : i32
      %dma_start3A_105 = tpu.memref_slice %arg8[%run_scoped3A_41, %dma_start3A_103, %dma_start3A_104] : memref<2x128x128xf32, #tpu.memory_space<vmem>> -> memref<1x120x128xf32, #tpu.memory_space<vmem>>
      %dma_start3A_106 = tpu.memref_squeeze %dma_start3A_105 : memref<1x120x128xf32, #tpu.memory_space<vmem>> -> memref<120x128xf32, #tpu.memory_space<vmem>>
      %dma_start3A_107 = arith.constant 0 : i32
      %dma_start3A_108 = tpu.memref_slice %arg9[%add3A_40, %dma_start3A_107] : memref<10112x128xf32, #tpu.memory_space<vmem_shared>> -> memref<120x128xf32, #tpu.memory_space<vmem_shared>>
      %dma_start3A_109 = arith.constant 0 : i32
      %dma_start3A_110 = tpu.memref_slice %arg9[%add3A_40, %dma_start3A_109] : memref<10112x128xf32, #tpu.memory_space<vmem_shared>> -> memref<120x128xf32, #tpu.memory_space<vmem_shared>>
      %dma_start3A_111 = arith.constant 0 : i32
      %dma_start3A_112 = arith.constant 0 : i32
      %dma_start3A_113 = tpu.memref_slice %arg8[%run_scoped3A_41, %dma_start3A_111, %dma_start3A_112] : memref<2x128x128xf32, #tpu.memory_space<vmem>> -> memref<1x120x128xf32, #tpu.memory_space<vmem>>
      %dma_start3A_114 = tpu.memref_squeeze %dma_start3A_113 : memref<1x120x128xf32, #tpu.memory_space<vmem>> -> memref<120x128xf32, #tpu.memory_space<vmem>>
      tpu.enqueue_dma source(%dma_start3A_114 : memref<120x128xf32, #tpu.memory_space<vmem>>) target(%dma_start3A_110 : memref<120x128xf32, #tpu.memory_space<vmem_shared>>) target_semaphore(%run_scoped3A_102 : memref<!tpu.dma_semaphore, #tpu.memory_space<semaphore_mem>>)
      %dma_wait3A_115 = arith.constant 0 : i32
      %dma_wait3A_116 = arith.constant 0 : i32
      %dma_wait3A_117 = tpu.memref_slice %arg8[%run_scoped3A_41, %dma_wait3A_115, %dma_wait3A_116] : memref<2x128x128xf32, #tpu.memory_space<vmem>> -> memref<1x120x128xf32, #tpu.memory_space<vmem>>
      %dma_wait3A_118 = tpu.memref_squeeze %dma_wait3A_117 : memref<1x120x128xf32, #tpu.memory_space<vmem>> -> memref<120x128xf32, #tpu.memory_space<vmem>>
      %dma_wait3A_119 = arith.constant 0 : i32
      %dma_wait3A_120 = tpu.memref_slice %arg9[%add3A_40, %dma_wait3A_119] : memref<10112x128xf32, #tpu.memory_space<vmem_shared>> -> memref<120x128xf32, #tpu.memory_space<vmem_shared>>
      %dma_wait3A_121 = arith.constant 0 : i32
      %dma_wait3A_122 = tpu.memref_slice %arg9[%add3A_40, %dma_wait3A_121] : memref<10112x128xf32, #tpu.memory_space<vmem_shared>> -> memref<120x128xf32, #tpu.memory_space<vmem_shared>>
      %dma_wait3A_123 = arith.constant 0 : i32
      %dma_wait3A_124 = arith.constant 0 : i32
      %dma_wait3A_125 = tpu.memref_slice %arg8[%run_scoped3A_41, %dma_wait3A_123, %dma_wait3A_124] : memref<2x128x128xf32, #tpu.memory_space<vmem>> -> memref<1x120x128xf32, #tpu.memory_space<vmem>>
      %dma_wait3A_126 = tpu.memref_squeeze %dma_wait3A_125 : memref<1x120x128xf32, #tpu.memory_space<vmem>> -> memref<120x128xf32, #tpu.memory_space<vmem>>
      tpu.wait_dma2 semaphore(%run_scoped3A_102 : memref<!tpu.dma_semaphore, #tpu.memory_space<semaphore_mem>>) src(%dma_wait3A_126 : memref<120x128xf32, #tpu.memory_space<vmem>>) dst(%dma_wait3A_122 : memref<120x128xf32, #tpu.memory_space<vmem_shared>>)
      tpu.yield
    }) : () -> ()
    %barrier3A = arith.constant 0 : index
    tpu.barrier barrier_id(%barrier3A)
    %add3A_42 = arith.constant 0 : i32
    %add3A_43 = arith.addi %select_n3A, %add3A_42 : i32
    "tpu.region"() ({
      %run_scoped3A_102 = tpu.sem_alloc : memref<!tpu.dma_semaphore, #tpu.memory_space<semaphore_mem>>
      %dma_start3A_103 = tpu.memref_slice %arg3[%add3A_43] : memref<327680xi32, #tpu.memory_space<hbm>> -> memref<5120xi32, #tpu.memory_space<hbm>>
      %dma_start3A_104 = tpu.memref_slice %arg3[%add3A_43] : memref<327680xi32, #tpu.memory_space<hbm>> -> memref<5120xi32, #tpu.memory_space<hbm>>
      tpu.enqueue_dma source(%dma_start3A_104 : memref<5120xi32, #tpu.memory_space<hbm>>) target(%arg6 : memref<5120xi32, #tpu.memory_space<vmem>>) target_semaphore(%run_scoped3A_102 : memref<!tpu.dma_semaphore, #tpu.memory_space<semaphore_mem>>)
      %dma_wait3A_105 = tpu.memref_slice %arg3[%add3A_43] : memref<327680xi32, #tpu.memory_space<hbm>> -> memref<5120xi32, #tpu.memory_space<hbm>>
      %dma_wait3A_106 = tpu.memref_slice %arg3[%add3A_43] : memref<327680xi32, #tpu.memory_space<hbm>> -> memref<5120xi32, #tpu.memory_space<hbm>>
      tpu.wait_dma2 semaphore(%run_scoped3A_102 : memref<!tpu.dma_semaphore, #tpu.memory_space<semaphore_mem>>) src(%dma_wait3A_106 : memref<5120xi32, #tpu.memory_space<hbm>>) dst(%arg6 : memref<5120xi32, #tpu.memory_space<vmem>>)
      tpu.yield
    }) : () -> ()
    %add3A_44 = arith.constant 0 : i32
    %add3A_45 = arith.addi %select_n3A_11, %add3A_44 : i32
    "tpu.region"() ({
      %run_scoped3A_102 = tpu.sem_alloc : memref<!tpu.dma_semaphore, #tpu.memory_space<semaphore_mem>>
      %dma_start3A_103 = arith.constant 0 : i32
      %dma_start3A_104 = tpu.memref_slice %arg4[%add3A_45, %dma_start3A_103] : memref<2560x128xi32, #tpu.memory_space<hbm>> -> memref<40x128xi32, #tpu.memory_space<hbm>>
      %dma_start3A_105 = arith.constant 0 : i32
      %dma_start3A_106 = tpu.memref_slice %arg4[%add3A_45, %dma_start3A_105] : memref<2560x128xi32, #tpu.memory_space<hbm>> -> memref<40x128xi32, #tpu.memory_space<hbm>>
      tpu.enqueue_dma source(%dma_start3A_106 : memref<40x128xi32, #tpu.memory_space<hbm>>) target(%arg7 : memref<40x128xi32, #tpu.memory_space<vmem>>) target_semaphore(%run_scoped3A_102 : memref<!tpu.dma_semaphore, #tpu.memory_space<semaphore_mem>>)
      %dma_wait3A_107 = arith.constant 0 : i32
      %dma_wait3A_108 = tpu.memref_slice %arg4[%add3A_45, %dma_wait3A_107] : memref<2560x128xi32, #tpu.memory_space<hbm>> -> memref<40x128xi32, #tpu.memory_space<hbm>>
      %dma_wait3A_109 = arith.constant 0 : i32
      %dma_wait3A_110 = tpu.memref_slice %arg4[%add3A_45, %dma_wait3A_109] : memref<2560x128xi32, #tpu.memory_space<hbm>> -> memref<40x128xi32, #tpu.memory_space<hbm>>
      tpu.wait_dma2 semaphore(%run_scoped3A_102 : memref<!tpu.dma_semaphore, #tpu.memory_space<semaphore_mem>>) src(%dma_wait3A_110 : memref<40x128xi32, #tpu.memory_space<hbm>>) dst(%arg7 : memref<40x128xi32, #tpu.memory_space<vmem>>)
      tpu.yield
    }) : () -> ()
    %dma_start3A = arith.constant 0 : i32
    %dma_start3A_46 = arith.constant 0 : i32
    %dma_start3A_47 = arith.constant 0 : i32
    %dma_start3A_48 = arith.constant 0 : i32
    %dma_start3A_49 = tpu.memref_slice %arg8[%dma_start3A, %dma_start3A_47, %dma_start3A_48] : memref<2x128x128xf32, #tpu.memory_space<vmem>> -> memref<1x128x128xf32, #tpu.memory_space<vmem>>
    %dma_start3A_50 = tpu.memref_squeeze %dma_start3A_49 : memref<1x128x128xf32, #tpu.memory_space<vmem>> -> memref<128x128xf32, #tpu.memory_space<vmem>>
    %dma_start3A_51 = arith.constant 0 : i32
    %dma_start3A_52 = tpu.memref_slice %arg6[%dma_start3A_51] : memref<5120xi32, #tpu.memory_space<vmem>> -> memref<128xi32, #tpu.memory_space<vmem>>
    %dma_start3A_53 = arith.constant 0 : i32
    %dma_start3A_54 = arith.constant 0 : i32
    %dma_start3A_55 = tpu.memref_slice %arg2[%dma_start3A_53, %dma_start3A_54] : memref<10112x128xf32, #tpu.memory_space<hbm>> -> memref<10112x128xf32, #tpu.memory_space<hbm>>
    %dma_start3A_56 = tpu.memref_slice %arg10[%dma_start3A_46] : memref<2x!tpu.dma_semaphore, #tpu.memory_space<semaphore_mem>> -> memref<1x!tpu.dma_semaphore, #tpu.memory_space<semaphore_mem>>
    %dma_start3A_57 = tpu.memref_squeeze %dma_start3A_56 : memref<1x!tpu.dma_semaphore, #tpu.memory_space<semaphore_mem>> -> memref<!tpu.dma_semaphore, #tpu.memory_space<semaphore_mem>>
    tpu.enqueue_indirect_dma source(%dma_start3A_55 : memref<10112x128xf32, #tpu.memory_space<hbm>>) target(%dma_start3A_50 : memref<128x128xf32, #tpu.memory_space<vmem>>) offsets(%dma_start3A_52 : memref<128xi32, #tpu.memory_space<vmem>>) semaphore(%dma_start3A_57 : memref<!tpu.dma_semaphore, #tpu.memory_space<semaphore_mem>>)
    %scan3A_58 = arith.constant 0 : i32
    %scan3A_59 = arith.constant 0 : i32
    %scan3A_60 = arith.constant 40 : i32
    %scan3A_61 = arith.addi %scan3A_59, %scan3A_60 : i32
    %scan3A_62 = arith.constant 1 : i32
    scf.for %scan3A_102 = %scan3A_59 to %scan3A_61 step %scan3A_62  : i32 {
      %rem3A = arith.constant 2 : i32
      %rem3A_103 = arith.remsi %scan3A_102, %rem3A : i32
      %mul3A_104 = arith.constant 128 : i32
      %mul3A_105 = arith.muli %scan3A_102, %mul3A_104 : i32
      %dma_wait3A_106 = arith.constant 0 : i32
      %dma_wait3A_107 = arith.constant 0 : i32
      %dma_wait3A_108 = tpu.memref_slice %arg8[%rem3A_103, %dma_wait3A_106, %dma_wait3A_107] : memref<2x128x128xf32, #tpu.memory_space<vmem>> -> memref<1x128x128xf32, #tpu.memory_space<vmem>>
      %dma_wait3A_109 = tpu.memref_squeeze %dma_wait3A_108 : memref<1x128x128xf32, #tpu.memory_space<vmem>> -> memref<128x128xf32, #tpu.memory_space<vmem>>
      %dma_wait3A_110 = tpu.memref_slice %arg6[%mul3A_105] : memref<5120xi32, #tpu.memory_space<vmem>> -> memref<128xi32, #tpu.memory_space<vmem>>
      %dma_wait3A_111 = arith.constant 0 : i32
      %dma_wait3A_112 = arith.constant 0 : i32
      %dma_wait3A_113 = tpu.memref_slice %arg2[%dma_wait3A_111, %dma_wait3A_112] : memref<10112x128xf32, #tpu.memory_space<hbm>> -> memref<10112x128xf32, #tpu.memory_space<hbm>>
      %dma_wait3A_114 = tpu.memref_slice %arg10[%rem3A_103] : memref<2x!tpu.dma_semaphore, #tpu.memory_space<semaphore_mem>> -> memref<1x!tpu.dma_semaphore, #tpu.memory_space<semaphore_mem>>
      %dma_wait3A_115 = tpu.memref_squeeze %dma_wait3A_114 : memref<1x!tpu.dma_semaphore, #tpu.memory_space<semaphore_mem>> -> memref<!tpu.dma_semaphore, #tpu.memory_space<semaphore_mem>>
      tpu.wait_indirect_dma semaphore(%dma_wait3A_115 : memref<!tpu.dma_semaphore, #tpu.memory_space<semaphore_mem>>) src(%dma_wait3A_113 : memref<10112x128xf32, #tpu.memory_space<hbm>>) dst(%dma_wait3A_109 : memref<128x128xf32, #tpu.memory_space<vmem>>)
      %dma_start3A_116 = arith.constant 0 : i32
      %dma_start3A_117 = arith.constant 0 : i32
      %dma_start3A_118 = tpu.memref_slice %arg8[%rem3A_103, %dma_start3A_116, %dma_start3A_117] : memref<2x128x128xf32, #tpu.memory_space<vmem>> -> memref<1x128x128xf32, #tpu.memory_space<vmem>>
      %dma_start3A_119 = tpu.memref_squeeze %dma_start3A_118 : memref<1x128x128xf32, #tpu.memory_space<vmem>> -> memref<128x128xf32, #tpu.memory_space<vmem>>
      %dma_start3A_120 = arith.constant 0 : i32
      %dma_start3A_121 = tpu.memref_slice %arg7[%scan3A_102, %dma_start3A_120] : memref<40x128xi32, #tpu.memory_space<vmem>> -> memref<1x128xi32, #tpu.memory_space<vmem>>
      %dma_start3A_122 = tpu.memref_squeeze %dma_start3A_121 : memref<1x128xi32, #tpu.memory_space<vmem>> -> memref<128xi32, #tpu.memory_space<vmem>>
      %dma_start3A_123 = arith.constant 0 : i32
      %dma_start3A_124 = arith.constant 0 : i32
      %dma_start3A_125 = tpu.memref_slice %arg9[%dma_start3A_123, %dma_start3A_124] : memref<10112x128xf32, #tpu.memory_space<vmem_shared>> -> memref<10112x128xf32, #tpu.memory_space<vmem_shared>>
      %dma_start3A_126 = tpu.memref_slice %arg11[%rem3A_103] : memref<2x!tpu.dma_semaphore, #tpu.memory_space<semaphore_mem>> -> memref<1x!tpu.dma_semaphore, #tpu.memory_space<semaphore_mem>>
      %dma_start3A_127 = tpu.memref_squeeze %dma_start3A_126 : memref<1x!tpu.dma_semaphore, #tpu.memory_space<semaphore_mem>> -> memref<!tpu.dma_semaphore, #tpu.memory_space<semaphore_mem>>
      tpu.enqueue_indirect_dma source(%dma_start3A_119 : memref<128x128xf32, #tpu.memory_space<vmem>>) target(%dma_start3A_125 : memref<10112x128xf32, #tpu.memory_space<vmem_shared>>) offsets(%dma_start3A_122 : memref<128xi32, #tpu.memory_space<vmem>>) semaphore(%dma_start3A_127 : memref<!tpu.dma_semaphore, #tpu.memory_space<semaphore_mem>>) {add = true}
      %add3A_128 = arith.constant 1 : i32
      %add3A_129 = arith.addi %scan3A_102, %add3A_128 : i32
      %lt3A = arith.constant 40 : i32
      %lt3A_130 = arith.cmpi slt, %add3A_129, %lt3A : i32
      %convert_element_type3A_131 = arith.extui %lt3A_130 : i1 to i32
      %cond3A_132 = arith.constant 0 : i32
      %cond3A_133 = arith.cmpi ne, %convert_element_type3A_131, %cond3A_132 : i32
      scf.if %cond3A_133 {
        %ge3A = arith.constant 1 : i32
        %ge3A_134 = arith.cmpi sge, %scan3A_102, %ge3A : i32
        %convert_element_type3A_135 = arith.extui %ge3A_134 : i1 to i32
        %cond3A_136 = arith.constant 0 : i32
        %cond3A_137 = arith.cmpi ne, %convert_element_type3A_135, %cond3A_136 : i32
        scf.if %cond3A_137 {
          %sub3A_153 = arith.constant 1 : i32
          %sub3A_154 = arith.subi %scan3A_102, %sub3A_153 : i32
          %sub3A_155 = arith.constant 1 : i32
          %sub3A_156 = arith.subi %sub3A_155, %rem3A_103 : i32
          %dma_wait3A_157 = arith.constant 0 : i32
          %dma_wait3A_158 = arith.constant 0 : i32
          %dma_wait3A_159 = tpu.memref_slice %arg8[%sub3A_156, %dma_wait3A_157, %dma_wait3A_158] : memref<2x128x128xf32, #tpu.memory_space<vmem>> -> memref<1x128x128xf32, #tpu.memory_space<vmem>>
          %dma_wait3A_160 = tpu.memref_squeeze %dma_wait3A_159 : memref<1x128x128xf32, #tpu.memory_space<vmem>> -> memref<128x128xf32, #tpu.memory_space<vmem>>
          %dma_wait3A_161 = arith.constant 0 : i32
          %dma_wait3A_162 = tpu.memref_slice %arg7[%sub3A_154, %dma_wait3A_161] : memref<40x128xi32, #tpu.memory_space<vmem>> -> memref<1x128xi32, #tpu.memory_space<vmem>>
          %dma_wait3A_163 = tpu.memref_squeeze %dma_wait3A_162 : memref<1x128xi32, #tpu.memory_space<vmem>> -> memref<128xi32, #tpu.memory_space<vmem>>
          %dma_wait3A_164 = arith.constant 0 : i32
          %dma_wait3A_165 = arith.constant 0 : i32
          %dma_wait3A_166 = tpu.memref_slice %arg9[%dma_wait3A_164, %dma_wait3A_165] : memref<10112x128xf32, #tpu.memory_space<vmem_shared>> -> memref<10112x128xf32, #tpu.memory_space<vmem_shared>>
          %dma_wait3A_167 = tpu.memref_slice %arg11[%sub3A_156] : memref<2x!tpu.dma_semaphore, #tpu.memory_space<semaphore_mem>> -> memref<1x!tpu.dma_semaphore, #tpu.memory_space<semaphore_mem>>
          %dma_wait3A_168 = tpu.memref_squeeze %dma_wait3A_167 : memref<1x!tpu.dma_semaphore, #tpu.memory_space<semaphore_mem>> -> memref<!tpu.dma_semaphore, #tpu.memory_space<semaphore_mem>>
          tpu.wait_indirect_dma semaphore(%dma_wait3A_168 : memref<!tpu.dma_semaphore, #tpu.memory_space<semaphore_mem>>) src(%dma_wait3A_160 : memref<128x128xf32, #tpu.memory_space<vmem>>) dst(%dma_wait3A_166 : memref<10112x128xf32, #tpu.memory_space<vmem_shared>>)
        } else {
        }
        %add3A_138 = arith.constant 1 : i32
        %add3A_139 = arith.addi %scan3A_102, %add3A_138 : i32
        %sub3A = arith.constant 1 : i32
        %sub3A_140 = arith.subi %sub3A, %rem3A_103 : i32
        %mul3A_141 = arith.constant 128 : i32
        %mul3A_142 = arith.muli %add3A_139, %mul3A_141 : i32
        %dma_start3A_143 = arith.constant 0 : i32
        %dma_start3A_144 = arith.constant 0 : i32
        %dma_start3A_145 = tpu.memref_slice %arg8[%sub3A_140, %dma_start3A_143, %dma_start3A_144] : memref<2x128x128xf32, #tpu.memory_space<vmem>> -> memref<1x128x128xf32, #tpu.memory_space<vmem>>
        %dma_start3A_146 = tpu.memref_squeeze %dma_start3A_145 : memref<1x128x128xf32, #tpu.memory_space<vmem>> -> memref<128x128xf32, #tpu.memory_space<vmem>>
        %dma_start3A_147 = tpu.memref_slice %arg6[%mul3A_142] : memref<5120xi32, #tpu.memory_space<vmem>> -> memref<128xi32, #tpu.memory_space<vmem>>
        %dma_start3A_148 = arith.constant 0 : i32
        %dma_start3A_149 = arith.constant 0 : i32
        %dma_start3A_150 = tpu.memref_slice %arg2[%dma_start3A_148, %dma_start3A_149] : memref<10112x128xf32, #tpu.memory_space<hbm>> -> memref<10112x128xf32, #tpu.memory_space<hbm>>
        %dma_start3A_151 = tpu.memref_slice %arg10[%sub3A_140] : memref<2x!tpu.dma_semaphore, #tpu.memory_space<semaphore_mem>> -> memref<1x!tpu.dma_semaphore, #tpu.memory_space<semaphore_mem>>
        %dma_start3A_152 = tpu.memref_squeeze %dma_start3A_151 : memref<1x!tpu.dma_semaphore, #tpu.memory_space<semaphore_mem>> -> memref<!tpu.dma_semaphore, #tpu.memory_space<semaphore_mem>>
        tpu.enqueue_indirect_dma source(%dma_start3A_150 : memref<10112x128xf32, #tpu.memory_space<hbm>>) target(%dma_start3A_146 : memref<128x128xf32, #tpu.memory_space<vmem>>) offsets(%dma_start3A_147 : memref<128xi32, #tpu.memory_space<vmem>>) semaphore(%dma_start3A_152 : memref<!tpu.dma_semaphore, #tpu.memory_space<semaphore_mem>>)
      } else {
      }
    }
    %scan3A_63 = arith.constant 40 : i32
    %dma_wait3A = arith.constant 0 : i32
    %dma_wait3A_64 = arith.constant 38 : i32
    %dma_wait3A_65 = arith.constant 0 : i32
    %dma_wait3A_66 = arith.constant 0 : i32
    %dma_wait3A_67 = arith.constant 0 : i32
    %dma_wait3A_68 = tpu.memref_slice %arg8[%dma_wait3A, %dma_wait3A_66, %dma_wait3A_67] : memref<2x128x128xf32, #tpu.memory_space<vmem>> -> memref<1x128x128xf32, #tpu.memory_space<vmem>>
    %dma_wait3A_69 = tpu.memref_squeeze %dma_wait3A_68 : memref<1x128x128xf32, #tpu.memory_space<vmem>> -> memref<128x128xf32, #tpu.memory_space<vmem>>
    %dma_wait3A_70 = arith.constant 0 : i32
    %dma_wait3A_71 = tpu.memref_slice %arg7[%dma_wait3A_64, %dma_wait3A_70] : memref<40x128xi32, #tpu.memory_space<vmem>> -> memref<1x128xi32, #tpu.memory_space<vmem>>
    %dma_wait3A_72 = tpu.memref_squeeze %dma_wait3A_71 : memref<1x128xi32, #tpu.memory_space<vmem>> -> memref<128xi32, #tpu.memory_space<vmem>>
    %dma_wait3A_73 = arith.constant 0 : i32
    %dma_wait3A_74 = arith.constant 0 : i32
    %dma_wait3A_75 = tpu.memref_slice %arg9[%dma_wait3A_73, %dma_wait3A_74] : memref<10112x128xf32, #tpu.memory_space<vmem_shared>> -> memref<10112x128xf32, #tpu.memory_space<vmem_shared>>
    %dma_wait3A_76 = tpu.memref_slice %arg11[%dma_wait3A_65] : memref<2x!tpu.dma_semaphore, #tpu.memory_space<semaphore_mem>> -> memref<1x!tpu.dma_semaphore, #tpu.memory_space<semaphore_mem>>
    %dma_wait3A_77 = tpu.memref_squeeze %dma_wait3A_76 : memref<1x!tpu.dma_semaphore, #tpu.memory_space<semaphore_mem>> -> memref<!tpu.dma_semaphore, #tpu.memory_space<semaphore_mem>>
    tpu.wait_indirect_dma semaphore(%dma_wait3A_77 : memref<!tpu.dma_semaphore, #tpu.memory_space<semaphore_mem>>) src(%dma_wait3A_69 : memref<128x128xf32, #tpu.memory_space<vmem>>) dst(%dma_wait3A_75 : memref<10112x128xf32, #tpu.memory_space<vmem_shared>>)
    %dma_wait3A_78 = arith.constant 1 : i32
    %dma_wait3A_79 = arith.constant 39 : i32
    %dma_wait3A_80 = arith.constant 1 : i32
    %dma_wait3A_81 = arith.constant 0 : i32
    %dma_wait3A_82 = arith.constant 0 : i32
    %dma_wait3A_83 = tpu.memref_slice %arg8[%dma_wait3A_78, %dma_wait3A_81, %dma_wait3A_82] : memref<2x128x128xf32, #tpu.memory_space<vmem>> -> memref<1x128x128xf32, #tpu.memory_space<vmem>>
    %dma_wait3A_84 = tpu.memref_squeeze %dma_wait3A_83 : memref<1x128x128xf32, #tpu.memory_space<vmem>> -> memref<128x128xf32, #tpu.memory_space<vmem>>
    %dma_wait3A_85 = arith.constant 0 : i32
    %dma_wait3A_86 = tpu.memref_slice %arg7[%dma_wait3A_79, %dma_wait3A_85] : memref<40x128xi32, #tpu.memory_space<vmem>> -> memref<1x128xi32, #tpu.memory_space<vmem>>
    %dma_wait3A_87 = tpu.memref_squeeze %dma_wait3A_86 : memref<1x128xi32, #tpu.memory_space<vmem>> -> memref<128xi32, #tpu.memory_space<vmem>>
    %dma_wait3A_88 = arith.constant 0 : i32
    %dma_wait3A_89 = arith.constant 0 : i32
    %dma_wait3A_90 = tpu.memref_slice %arg9[%dma_wait3A_88, %dma_wait3A_89] : memref<10112x128xf32, #tpu.memory_space<vmem_shared>> -> memref<10112x128xf32, #tpu.memory_space<vmem_shared>>
    %dma_wait3A_91 = tpu.memref_slice %arg11[%dma_wait3A_80] : memref<2x!tpu.dma_semaphore, #tpu.memory_space<semaphore_mem>> -> memref<1x!tpu.dma_semaphore, #tpu.memory_space<semaphore_mem>>
    %dma_wait3A_92 = tpu.memref_squeeze %dma_wait3A_91 : memref<1x!tpu.dma_semaphore, #tpu.memory_space<semaphore_mem>> -> memref<!tpu.dma_semaphore, #tpu.memory_space<semaphore_mem>>
    tpu.wait_indirect_dma semaphore(%dma_wait3A_92 : memref<!tpu.dma_semaphore, #tpu.memory_space<semaphore_mem>>) src(%dma_wait3A_84 : memref<128x128xf32, #tpu.memory_space<vmem>>) dst(%dma_wait3A_90 : memref<10112x128xf32, #tpu.memory_space<vmem_shared>>)
    %convert_element_type3A = arith.extui %eq3A_0 : i1 to i32
    %cond3A = arith.constant 0 : i32
    %cond3A_93 = arith.cmpi ne, %convert_element_type3A, %cond3A : i32
    scf.if %cond3A_93 {
      %add3A_102 = arith.constant 5120 : i32
      %add3A_103 = arith.addi %select_n3A, %add3A_102 : i32
      "tpu.region"() ({
        %run_scoped3A_155 = tpu.sem_alloc : memref<!tpu.dma_semaphore, #tpu.memory_space<semaphore_mem>>
        %dma_start3A_156 = tpu.memref_slice %arg3[%add3A_103] : memref<327680xi32, #tpu.memory_space<hbm>> -> memref<5120xi32, #tpu.memory_space<hbm>>
        %dma_start3A_157 = tpu.memref_slice %arg3[%add3A_103] : memref<327680xi32, #tpu.memory_space<hbm>> -> memref<5120xi32, #tpu.memory_space<hbm>>
        tpu.enqueue_dma source(%dma_start3A_157 : memref<5120xi32, #tpu.memory_space<hbm>>) target(%arg6 : memref<5120xi32, #tpu.memory_space<vmem>>) target_semaphore(%run_scoped3A_155 : memref<!tpu.dma_semaphore, #tpu.memory_space<semaphore_mem>>)
        %dma_wait3A_158 = tpu.memref_slice %arg3[%add3A_103] : memref<327680xi32, #tpu.memory_space<hbm>> -> memref<5120xi32, #tpu.memory_space<hbm>>
        %dma_wait3A_159 = tpu.memref_slice %arg3[%add3A_103] : memref<327680xi32, #tpu.memory_space<hbm>> -> memref<5120xi32, #tpu.memory_space<hbm>>
        tpu.wait_dma2 semaphore(%run_scoped3A_155 : memref<!tpu.dma_semaphore, #tpu.memory_space<semaphore_mem>>) src(%dma_wait3A_159 : memref<5120xi32, #tpu.memory_space<hbm>>) dst(%arg6 : memref<5120xi32, #tpu.memory_space<vmem>>)
        tpu.yield
      }) : () -> ()
      %add3A_104 = arith.constant 40 : i32
      %add3A_105 = arith.addi %select_n3A_11, %add3A_104 : i32
      "tpu.region"() ({
        %run_scoped3A_155 = tpu.sem_alloc : memref<!tpu.dma_semaphore, #tpu.memory_space<semaphore_mem>>
        %dma_start3A_156 = arith.constant 0 : i32
        %dma_start3A_157 = tpu.memref_slice %arg4[%add3A_105, %dma_start3A_156] : memref<2560x128xi32, #tpu.memory_space<hbm>> -> memref<40x128xi32, #tpu.memory_space<hbm>>
        %dma_start3A_158 = arith.constant 0 : i32
        %dma_start3A_159 = tpu.memref_slice %arg4[%add3A_105, %dma_start3A_158] : memref<2560x128xi32, #tpu.memory_space<hbm>> -> memref<40x128xi32, #tpu.memory_space<hbm>>
        tpu.enqueue_dma source(%dma_start3A_159 : memref<40x128xi32, #tpu.memory_space<hbm>>) target(%arg7 : memref<40x128xi32, #tpu.memory_space<vmem>>) target_semaphore(%run_scoped3A_155 : memref<!tpu.dma_semaphore, #tpu.memory_space<semaphore_mem>>)
        %dma_wait3A_160 = arith.constant 0 : i32
        %dma_wait3A_161 = tpu.memref_slice %arg4[%add3A_105, %dma_wait3A_160] : memref<2560x128xi32, #tpu.memory_space<hbm>> -> memref<40x128xi32, #tpu.memory_space<hbm>>
        %dma_wait3A_162 = arith.constant 0 : i32
        %dma_wait3A_163 = tpu.memref_slice %arg4[%add3A_105, %dma_wait3A_162] : memref<2560x128xi32, #tpu.memory_space<hbm>> -> memref<40x128xi32, #tpu.memory_space<hbm>>
        tpu.wait_dma2 semaphore(%run_scoped3A_155 : memref<!tpu.dma_semaphore, #tpu.memory_space<semaphore_mem>>) src(%dma_wait3A_163 : memref<40x128xi32, #tpu.memory_space<hbm>>) dst(%arg7 : memref<40x128xi32, #tpu.memory_space<vmem>>)
        tpu.yield
      }) : () -> ()
      %dma_start3A_106 = arith.constant 0 : i32
      %dma_start3A_107 = arith.constant 0 : i32
      %dma_start3A_108 = arith.constant 0 : i32
      %dma_start3A_109 = arith.constant 0 : i32
      %dma_start3A_110 = tpu.memref_slice %arg8[%dma_start3A_106, %dma_start3A_108, %dma_start3A_109] : memref<2x128x128xf32, #tpu.memory_space<vmem>> -> memref<1x128x128xf32, #tpu.memory_space<vmem>>
      %dma_start3A_111 = tpu.memref_squeeze %dma_start3A_110 : memref<1x128x128xf32, #tpu.memory_space<vmem>> -> memref<128x128xf32, #tpu.memory_space<vmem>>
      %dma_start3A_112 = arith.constant 0 : i32
      %dma_start3A_113 = tpu.memref_slice %arg6[%dma_start3A_112] : memref<5120xi32, #tpu.memory_space<vmem>> -> memref<128xi32, #tpu.memory_space<vmem>>
      %dma_start3A_114 = arith.constant 0 : i32
      %dma_start3A_115 = arith.constant 0 : i32
      %dma_start3A_116 = tpu.memref_slice %arg2[%dma_start3A_114, %dma_start3A_115] : memref<10112x128xf32, #tpu.memory_space<hbm>> -> memref<10112x128xf32, #tpu.memory_space<hbm>>
      %dma_start3A_117 = tpu.memref_slice %arg10[%dma_start3A_107] : memref<2x!tpu.dma_semaphore, #tpu.memory_space<semaphore_mem>> -> memref<1x!tpu.dma_semaphore, #tpu.memory_space<semaphore_mem>>
      %dma_start3A_118 = tpu.memref_squeeze %dma_start3A_117 : memref<1x!tpu.dma_semaphore, #tpu.memory_space<semaphore_mem>> -> memref<!tpu.dma_semaphore, #tpu.memory_space<semaphore_mem>>
      tpu.enqueue_indirect_dma source(%dma_start3A_116 : memref<10112x128xf32, #tpu.memory_space<hbm>>) target(%dma_start3A_111 : memref<128x128xf32, #tpu.memory_space<vmem>>) offsets(%dma_start3A_113 : memref<128xi32, #tpu.memory_space<vmem>>) semaphore(%dma_start3A_118 : memref<!tpu.dma_semaphore, #tpu.memory_space<semaphore_mem>>)
      %scan3A_119 = arith.constant 0 : i32
      %scan3A_120 = arith.constant 0 : i32
      %scan3A_121 = arith.constant 40 : i32
      %scan3A_122 = arith.addi %scan3A_120, %scan3A_121 : i32
      %scan3A_123 = arith.constant 1 : i32
      scf.for %scan3A_155 = %scan3A_120 to %scan3A_122 step %scan3A_123  : i32 {
        %rem3A = arith.constant 2 : i32
        %rem3A_156 = arith.remsi %scan3A_155, %rem3A : i32
        %mul3A_157 = arith.constant 128 : i32
        %mul3A_158 = arith.muli %scan3A_155, %mul3A_157 : i32
        %dma_wait3A_159 = arith.constant 0 : i32
        %dma_wait3A_160 = arith.constant 0 : i32
        %dma_wait3A_161 = tpu.memref_slice %arg8[%rem3A_156, %dma_wait3A_159, %dma_wait3A_160] : memref<2x128x128xf32, #tpu.memory_space<vmem>> -> memref<1x128x128xf32, #tpu.memory_space<vmem>>
        %dma_wait3A_162 = tpu.memref_squeeze %dma_wait3A_161 : memref<1x128x128xf32, #tpu.memory_space<vmem>> -> memref<128x128xf32, #tpu.memory_space<vmem>>
        %dma_wait3A_163 = tpu.memref_slice %arg6[%mul3A_158] : memref<5120xi32, #tpu.memory_space<vmem>> -> memref<128xi32, #tpu.memory_space<vmem>>
        %dma_wait3A_164 = arith.constant 0 : i32
        %dma_wait3A_165 = arith.constant 0 : i32
        %dma_wait3A_166 = tpu.memref_slice %arg2[%dma_wait3A_164, %dma_wait3A_165] : memref<10112x128xf32, #tpu.memory_space<hbm>> -> memref<10112x128xf32, #tpu.memory_space<hbm>>
        %dma_wait3A_167 = tpu.memref_slice %arg10[%rem3A_156] : memref<2x!tpu.dma_semaphore, #tpu.memory_space<semaphore_mem>> -> memref<1x!tpu.dma_semaphore, #tpu.memory_space<semaphore_mem>>
        %dma_wait3A_168 = tpu.memref_squeeze %dma_wait3A_167 : memref<1x!tpu.dma_semaphore, #tpu.memory_space<semaphore_mem>> -> memref<!tpu.dma_semaphore, #tpu.memory_space<semaphore_mem>>
        tpu.wait_indirect_dma semaphore(%dma_wait3A_168 : memref<!tpu.dma_semaphore, #tpu.memory_space<semaphore_mem>>) src(%dma_wait3A_166 : memref<10112x128xf32, #tpu.memory_space<hbm>>) dst(%dma_wait3A_162 : memref<128x128xf32, #tpu.memory_space<vmem>>)
        %dma_start3A_169 = arith.constant 0 : i32
        %dma_start3A_170 = arith.constant 0 : i32
        %dma_start3A_171 = tpu.memref_slice %arg8[%rem3A_156, %dma_start3A_169, %dma_start3A_170] : memref<2x128x128xf32, #tpu.memory_space<vmem>> -> memref<1x128x128xf32, #tpu.memory_space<vmem>>
        %dma_start3A_172 = tpu.memref_squeeze %dma_start3A_171 : memref<1x128x128xf32, #tpu.memory_space<vmem>> -> memref<128x128xf32, #tpu.memory_space<vmem>>
        %dma_start3A_173 = arith.constant 0 : i32
        %dma_start3A_174 = tpu.memref_slice %arg7[%scan3A_155, %dma_start3A_173] : memref<40x128xi32, #tpu.memory_space<vmem>> -> memref<1x128xi32, #tpu.memory_space<vmem>>
        %dma_start3A_175 = tpu.memref_squeeze %dma_start3A_174 : memref<1x128xi32, #tpu.memory_space<vmem>> -> memref<128xi32, #tpu.memory_space<vmem>>
        %dma_start3A_176 = arith.constant 0 : i32
        %dma_start3A_177 = arith.constant 0 : i32
        %dma_start3A_178 = tpu.memref_slice %arg9[%dma_start3A_176, %dma_start3A_177] : memref<10112x128xf32, #tpu.memory_space<vmem_shared>> -> memref<10112x128xf32, #tpu.memory_space<vmem_shared>>
        %dma_start3A_179 = tpu.memref_slice %arg11[%rem3A_156] : memref<2x!tpu.dma_semaphore, #tpu.memory_space<semaphore_mem>> -> memref<1x!tpu.dma_semaphore, #tpu.memory_space<semaphore_mem>>
        %dma_start3A_180 = tpu.memref_squeeze %dma_start3A_179 : memref<1x!tpu.dma_semaphore, #tpu.memory_space<semaphore_mem>> -> memref<!tpu.dma_semaphore, #tpu.memory_space<semaphore_mem>>
        tpu.enqueue_indirect_dma source(%dma_start3A_172 : memref<128x128xf32, #tpu.memory_space<vmem>>) target(%dma_start3A_178 : memref<10112x128xf32, #tpu.memory_space<vmem_shared>>) offsets(%dma_start3A_175 : memref<128xi32, #tpu.memory_space<vmem>>) semaphore(%dma_start3A_180 : memref<!tpu.dma_semaphore, #tpu.memory_space<semaphore_mem>>) {add = true}
        %add3A_181 = arith.constant 1 : i32
        %add3A_182 = arith.addi %scan3A_155, %add3A_181 : i32
        %lt3A = arith.constant 40 : i32
        %lt3A_183 = arith.cmpi slt, %add3A_182, %lt3A : i32
        %convert_element_type3A_184 = arith.extui %lt3A_183 : i1 to i32
        %cond3A_185 = arith.constant 0 : i32
        %cond3A_186 = arith.cmpi ne, %convert_element_type3A_184, %cond3A_185 : i32
        scf.if %cond3A_186 {
          %ge3A = arith.constant 1 : i32
          %ge3A_187 = arith.cmpi sge, %scan3A_155, %ge3A : i32
          %convert_element_type3A_188 = arith.extui %ge3A_187 : i1 to i32
          %cond3A_189 = arith.constant 0 : i32
          %cond3A_190 = arith.cmpi ne, %convert_element_type3A_188, %cond3A_189 : i32
          scf.if %cond3A_190 {
            %sub3A_206 = arith.constant 1 : i32
            %sub3A_207 = arith.subi %scan3A_155, %sub3A_206 : i32
            %sub3A_208 = arith.constant 1 : i32
            %sub3A_209 = arith.subi %sub3A_208, %rem3A_156 : i32
            %dma_wait3A_210 = arith.constant 0 : i32
            %dma_wait3A_211 = arith.constant 0 : i32
            %dma_wait3A_212 = tpu.memref_slice %arg8[%sub3A_209, %dma_wait3A_210, %dma_wait3A_211] : memref<2x128x128xf32, #tpu.memory_space<vmem>> -> memref<1x128x128xf32, #tpu.memory_space<vmem>>
            %dma_wait3A_213 = tpu.memref_squeeze %dma_wait3A_212 : memref<1x128x128xf32, #tpu.memory_space<vmem>> -> memref<128x128xf32, #tpu.memory_space<vmem>>
            %dma_wait3A_214 = arith.constant 0 : i32
            %dma_wait3A_215 = tpu.memref_slice %arg7[%sub3A_207, %dma_wait3A_214] : memref<40x128xi32, #tpu.memory_space<vmem>> -> memref<1x128xi32, #tpu.memory_space<vmem>>
            %dma_wait3A_216 = tpu.memref_squeeze %dma_wait3A_215 : memref<1x128xi32, #tpu.memory_space<vmem>> -> memref<128xi32, #tpu.memory_space<vmem>>
            %dma_wait3A_217 = arith.constant 0 : i32
            %dma_wait3A_218 = arith.constant 0 : i32
            %dma_wait3A_219 = tpu.memref_slice %arg9[%dma_wait3A_217, %dma_wait3A_218] : memref<10112x128xf32, #tpu.memory_space<vmem_shared>> -> memref<10112x128xf32, #tpu.memory_space<vmem_shared>>
            %dma_wait3A_220 = tpu.memref_slice %arg11[%sub3A_209] : memref<2x!tpu.dma_semaphore, #tpu.memory_space<semaphore_mem>> -> memref<1x!tpu.dma_semaphore, #tpu.memory_space<semaphore_mem>>
            %dma_wait3A_221 = tpu.memref_squeeze %dma_wait3A_220 : memref<1x!tpu.dma_semaphore, #tpu.memory_space<semaphore_mem>> -> memref<!tpu.dma_semaphore, #tpu.memory_space<semaphore_mem>>
            tpu.wait_indirect_dma semaphore(%dma_wait3A_221 : memref<!tpu.dma_semaphore, #tpu.memory_space<semaphore_mem>>) src(%dma_wait3A_213 : memref<128x128xf32, #tpu.memory_space<vmem>>) dst(%dma_wait3A_219 : memref<10112x128xf32, #tpu.memory_space<vmem_shared>>)
          } else {
          }
          %add3A_191 = arith.constant 1 : i32
          %add3A_192 = arith.addi %scan3A_155, %add3A_191 : i32
          %sub3A = arith.constant 1 : i32
          %sub3A_193 = arith.subi %sub3A, %rem3A_156 : i32
          %mul3A_194 = arith.constant 128 : i32
          %mul3A_195 = arith.muli %add3A_192, %mul3A_194 : i32
          %dma_start3A_196 = arith.constant 0 : i32
          %dma_start3A_197 = arith.constant 0 : i32
          %dma_start3A_198 = tpu.memref_slice %arg8[%sub3A_193, %dma_start3A_196, %dma_start3A_197] : memref<2x128x128xf32, #tpu.memory_space<vmem>> -> memref<1x128x128xf32, #tpu.memory_space<vmem>>
          %dma_start3A_199 = tpu.memref_squeeze %dma_start3A_198 : memref<1x128x128xf32, #tpu.memory_space<vmem>> -> memref<128x128xf32, #tpu.memory_space<vmem>>
          %dma_start3A_200 = tpu.memref_slice %arg6[%mul3A_195] : memref<5120xi32, #tpu.memory_space<vmem>> -> memref<128xi32, #tpu.memory_space<vmem>>
          %dma_start3A_201 = arith.constant 0 : i32
          %dma_start3A_202 = arith.constant 0 : i32
          %dma_start3A_203 = tpu.memref_slice %arg2[%dma_start3A_201, %dma_start3A_202] : memref<10112x128xf32, #tpu.memory_space<hbm>> -> memref<10112x128xf32, #tpu.memory_space<hbm>>
          %dma_start3A_204 = tpu.memref_slice %arg10[%sub3A_193] : memref<2x!tpu.dma_semaphore, #tpu.memory_space<semaphore_mem>> -> memref<1x!tpu.dma_semaphore, #tpu.memory_space<semaphore_mem>>
          %dma_start3A_205 = tpu.memref_squeeze %dma_start3A_204 : memref<1x!tpu.dma_semaphore, #tpu.memory_space<semaphore_mem>> -> memref<!tpu.dma_semaphore, #tpu.memory_space<semaphore_mem>>
          tpu.enqueue_indirect_dma source(%dma_start3A_203 : memref<10112x128xf32, #tpu.memory_space<hbm>>) target(%dma_start3A_199 : memref<128x128xf32, #tpu.memory_space<vmem>>) offsets(%dma_start3A_200 : memref<128xi32, #tpu.memory_space<vmem>>) semaphore(%dma_start3A_205 : memref<!tpu.dma_semaphore, #tpu.memory_space<semaphore_mem>>)
        } else {
        }
      }
      %scan3A_124 = arith.constant 40 : i32
      %dma_wait3A_125 = arith.constant 0 : i32
      %dma_wait3A_126 = arith.constant 38 : i32
      %dma_wait3A_127 = arith.constant 0 : i32
      %dma_wait3A_128 = arith.constant 0 : i32
      %dma_wait3A_129 = arith.constant 0 : i32
      %dma_wait3A_130 = tpu.memref_slice %arg8[%dma_wait3A_125, %dma_wait3A_128, %dma_wait3A_129] : memref<2x128x128xf32, #tpu.memory_space<vmem>> -> memref<1x128x128xf32, #tpu.memory_space<vmem>>
      %dma_wait3A_131 = tpu.memref_squeeze %dma_wait3A_130 : memref<1x128x128xf32, #tpu.memory_space<vmem>> -> memref<128x128xf32, #tpu.memory_space<vmem>>
      %dma_wait3A_132 = arith.constant 0 : i32
      %dma_wait3A_133 = tpu.memref_slice %arg7[%dma_wait3A_126, %dma_wait3A_132] : memref<40x128xi32, #tpu.memory_space<vmem>> -> memref<1x128xi32, #tpu.memory_space<vmem>>
      %dma_wait3A_134 = tpu.memref_squeeze %dma_wait3A_133 : memref<1x128xi32, #tpu.memory_space<vmem>> -> memref<128xi32, #tpu.memory_space<vmem>>
      %dma_wait3A_135 = arith.constant 0 : i32
      %dma_wait3A_136 = arith.constant 0 : i32
      %dma_wait3A_137 = tpu.memref_slice %arg9[%dma_wait3A_135, %dma_wait3A_136] : memref<10112x128xf32, #tpu.memory_space<vmem_shared>> -> memref<10112x128xf32, #tpu.memory_space<vmem_shared>>
      %dma_wait3A_138 = tpu.memref_slice %arg11[%dma_wait3A_127] : memref<2x!tpu.dma_semaphore, #tpu.memory_space<semaphore_mem>> -> memref<1x!tpu.dma_semaphore, #tpu.memory_space<semaphore_mem>>
      %dma_wait3A_139 = tpu.memref_squeeze %dma_wait3A_138 : memref<1x!tpu.dma_semaphore, #tpu.memory_space<semaphore_mem>> -> memref<!tpu.dma_semaphore, #tpu.memory_space<semaphore_mem>>
      tpu.wait_indirect_dma semaphore(%dma_wait3A_139 : memref<!tpu.dma_semaphore, #tpu.memory_space<semaphore_mem>>) src(%dma_wait3A_131 : memref<128x128xf32, #tpu.memory_space<vmem>>) dst(%dma_wait3A_137 : memref<10112x128xf32, #tpu.memory_space<vmem_shared>>)
      %dma_wait3A_140 = arith.constant 1 : i32
      %dma_wait3A_141 = arith.constant 39 : i32
      %dma_wait3A_142 = arith.constant 1 : i32
      %dma_wait3A_143 = arith.constant 0 : i32
      %dma_wait3A_144 = arith.constant 0 : i32
      %dma_wait3A_145 = tpu.memref_slice %arg8[%dma_wait3A_140, %dma_wait3A_143, %dma_wait3A_144] : memref<2x128x128xf32, #tpu.memory_space<vmem>> -> memref<1x128x128xf32, #tpu.memory_space<vmem>>
      %dma_wait3A_146 = tpu.memref_squeeze %dma_wait3A_145 : memref<1x128x128xf32, #tpu.memory_space<vmem>> -> memref<128x128xf32, #tpu.memory_space<vmem>>
      %dma_wait3A_147 = arith.constant 0 : i32
      %dma_wait3A_148 = tpu.memref_slice %arg7[%dma_wait3A_141, %dma_wait3A_147] : memref<40x128xi32, #tpu.memory_space<vmem>> -> memref<1x128xi32, #tpu.memory_space<vmem>>
      %dma_wait3A_149 = tpu.memref_squeeze %dma_wait3A_148 : memref<1x128xi32, #tpu.memory_space<vmem>> -> memref<128xi32, #tpu.memory_space<vmem>>
      %dma_wait3A_150 = arith.constant 0 : i32
      %dma_wait3A_151 = arith.constant 0 : i32
      %dma_wait3A_152 = tpu.memref_slice %arg9[%dma_wait3A_150, %dma_wait3A_151] : memref<10112x128xf32, #tpu.memory_space<vmem_shared>> -> memref<10112x128xf32, #tpu.memory_space<vmem_shared>>
      %dma_wait3A_153 = tpu.memref_slice %arg11[%dma_wait3A_142] : memref<2x!tpu.dma_semaphore, #tpu.memory_space<semaphore_mem>> -> memref<1x!tpu.dma_semaphore, #tpu.memory_space<semaphore_mem>>
      %dma_wait3A_154 = tpu.memref_squeeze %dma_wait3A_153 : memref<1x!tpu.dma_semaphore, #tpu.memory_space<semaphore_mem>> -> memref<!tpu.dma_semaphore, #tpu.memory_space<semaphore_mem>>
      tpu.wait_indirect_dma semaphore(%dma_wait3A_154 : memref<!tpu.dma_semaphore, #tpu.memory_space<semaphore_mem>>) src(%dma_wait3A_146 : memref<128x128xf32, #tpu.memory_space<vmem>>) dst(%dma_wait3A_152 : memref<10112x128xf32, #tpu.memory_space<vmem_shared>>)
    } else {
    }
    %convert_element_type3A_94 = arith.extui %eq3A_0 : i1 to i32
    %cond3A_95 = arith.constant 0 : i32
    %cond3A_96 = arith.cmpi ne, %convert_element_type3A_94, %cond3A_95 : i32
    scf.if %cond3A_96 {
      %add3A_102 = arith.constant 10240 : i32
      %add3A_103 = arith.addi %select_n3A, %add3A_102 : i32
      "tpu.region"() ({
        %run_scoped3A_155 = tpu.sem_alloc : memref<!tpu.dma_semaphore, #tpu.memory_space<semaphore_mem>>
        %dma_start3A_156 = tpu.memref_slice %arg3[%add3A_103] : memref<327680xi32, #tpu.memory_space<hbm>> -> memref<5120xi32, #tpu.memory_space<hbm>>
        %dma_start3A_157 = tpu.memref_slice %arg3[%add3A_103] : memref<327680xi32, #tpu.memory_space<hbm>> -> memref<5120xi32, #tpu.memory_space<hbm>>
        tpu.enqueue_dma source(%dma_start3A_157 : memref<5120xi32, #tpu.memory_space<hbm>>) target(%arg6 : memref<5120xi32, #tpu.memory_space<vmem>>) target_semaphore(%run_scoped3A_155 : memref<!tpu.dma_semaphore, #tpu.memory_space<semaphore_mem>>)
        %dma_wait3A_158 = tpu.memref_slice %arg3[%add3A_103] : memref<327680xi32, #tpu.memory_space<hbm>> -> memref<5120xi32, #tpu.memory_space<hbm>>
        %dma_wait3A_159 = tpu.memref_slice %arg3[%add3A_103] : memref<327680xi32, #tpu.memory_space<hbm>> -> memref<5120xi32, #tpu.memory_space<hbm>>
        tpu.wait_dma2 semaphore(%run_scoped3A_155 : memref<!tpu.dma_semaphore, #tpu.memory_space<semaphore_mem>>) src(%dma_wait3A_159 : memref<5120xi32, #tpu.memory_space<hbm>>) dst(%arg6 : memref<5120xi32, #tpu.memory_space<vmem>>)
        tpu.yield
      }) : () -> ()
      %add3A_104 = arith.constant 80 : i32
      %add3A_105 = arith.addi %select_n3A_11, %add3A_104 : i32
      "tpu.region"() ({
        %run_scoped3A_155 = tpu.sem_alloc : memref<!tpu.dma_semaphore, #tpu.memory_space<semaphore_mem>>
        %dma_start3A_156 = arith.constant 0 : i32
        %dma_start3A_157 = tpu.memref_slice %arg4[%add3A_105, %dma_start3A_156] : memref<2560x128xi32, #tpu.memory_space<hbm>> -> memref<40x128xi32, #tpu.memory_space<hbm>>
        %dma_start3A_158 = arith.constant 0 : i32
        %dma_start3A_159 = tpu.memref_slice %arg4[%add3A_105, %dma_start3A_158] : memref<2560x128xi32, #tpu.memory_space<hbm>> -> memref<40x128xi32, #tpu.memory_space<hbm>>
        tpu.enqueue_dma source(%dma_start3A_159 : memref<40x128xi32, #tpu.memory_space<hbm>>) target(%arg7 : memref<40x128xi32, #tpu.memory_space<vmem>>) target_semaphore(%run_scoped3A_155 : memref<!tpu.dma_semaphore, #tpu.memory_space<semaphore_mem>>)
        %dma_wait3A_160 = arith.constant 0 : i32
        %dma_wait3A_161 = tpu.memref_slice %arg4[%add3A_105, %dma_wait3A_160] : memref<2560x128xi32, #tpu.memory_space<hbm>> -> memref<40x128xi32, #tpu.memory_space<hbm>>
        %dma_wait3A_162 = arith.constant 0 : i32
        %dma_wait3A_163 = tpu.memref_slice %arg4[%add3A_105, %dma_wait3A_162] : memref<2560x128xi32, #tpu.memory_space<hbm>> -> memref<40x128xi32, #tpu.memory_space<hbm>>
        tpu.wait_dma2 semaphore(%run_scoped3A_155 : memref<!tpu.dma_semaphore, #tpu.memory_space<semaphore_mem>>) src(%dma_wait3A_163 : memref<40x128xi32, #tpu.memory_space<hbm>>) dst(%arg7 : memref<40x128xi32, #tpu.memory_space<vmem>>)
        tpu.yield
      }) : () -> ()
      %dma_start3A_106 = arith.constant 0 : i32
      %dma_start3A_107 = arith.constant 0 : i32
      %dma_start3A_108 = arith.constant 0 : i32
      %dma_start3A_109 = arith.constant 0 : i32
      %dma_start3A_110 = tpu.memref_slice %arg8[%dma_start3A_106, %dma_start3A_108, %dma_start3A_109] : memref<2x128x128xf32, #tpu.memory_space<vmem>> -> memref<1x128x128xf32, #tpu.memory_space<vmem>>
      %dma_start3A_111 = tpu.memref_squeeze %dma_start3A_110 : memref<1x128x128xf32, #tpu.memory_space<vmem>> -> memref<128x128xf32, #tpu.memory_space<vmem>>
      %dma_start3A_112 = arith.constant 0 : i32
      %dma_start3A_113 = tpu.memref_slice %arg6[%dma_start3A_112] : memref<5120xi32, #tpu.memory_space<vmem>> -> memref<128xi32, #tpu.memory_space<vmem>>
      %dma_start3A_114 = arith.constant 0 : i32
      %dma_start3A_115 = arith.constant 0 : i32
      %dma_start3A_116 = tpu.memref_slice %arg2[%dma_start3A_114, %dma_start3A_115] : memref<10112x128xf32, #tpu.memory_space<hbm>> -> memref<10112x128xf32, #tpu.memory_space<hbm>>
      %dma_start3A_117 = tpu.memref_slice %arg10[%dma_start3A_107] : memref<2x!tpu.dma_semaphore, #tpu.memory_space<semaphore_mem>> -> memref<1x!tpu.dma_semaphore, #tpu.memory_space<semaphore_mem>>
      %dma_start3A_118 = tpu.memref_squeeze %dma_start3A_117 : memref<1x!tpu.dma_semaphore, #tpu.memory_space<semaphore_mem>> -> memref<!tpu.dma_semaphore, #tpu.memory_space<semaphore_mem>>
      tpu.enqueue_indirect_dma source(%dma_start3A_116 : memref<10112x128xf32, #tpu.memory_space<hbm>>) target(%dma_start3A_111 : memref<128x128xf32, #tpu.memory_space<vmem>>) offsets(%dma_start3A_113 : memref<128xi32, #tpu.memory_space<vmem>>) semaphore(%dma_start3A_118 : memref<!tpu.dma_semaphore, #tpu.memory_space<semaphore_mem>>)
      %scan3A_119 = arith.constant 0 : i32
      %scan3A_120 = arith.constant 0 : i32
      %scan3A_121 = arith.constant 40 : i32
      %scan3A_122 = arith.addi %scan3A_120, %scan3A_121 : i32
      %scan3A_123 = arith.constant 1 : i32
      scf.for %scan3A_155 = %scan3A_120 to %scan3A_122 step %scan3A_123  : i32 {
        %rem3A = arith.constant 2 : i32
        %rem3A_156 = arith.remsi %scan3A_155, %rem3A : i32
        %mul3A_157 = arith.constant 128 : i32
        %mul3A_158 = arith.muli %scan3A_155, %mul3A_157 : i32
        %dma_wait3A_159 = arith.constant 0 : i32
        %dma_wait3A_160 = arith.constant 0 : i32
        %dma_wait3A_161 = tpu.memref_slice %arg8[%rem3A_156, %dma_wait3A_159, %dma_wait3A_160] : memref<2x128x128xf32, #tpu.memory_space<vmem>> -> memref<1x128x128xf32, #tpu.memory_space<vmem>>
        %dma_wait3A_162 = tpu.memref_squeeze %dma_wait3A_161 : memref<1x128x128xf32, #tpu.memory_space<vmem>> -> memref<128x128xf32, #tpu.memory_space<vmem>>
        %dma_wait3A_163 = tpu.memref_slice %arg6[%mul3A_158] : memref<5120xi32, #tpu.memory_space<vmem>> -> memref<128xi32, #tpu.memory_space<vmem>>
        %dma_wait3A_164 = arith.constant 0 : i32
        %dma_wait3A_165 = arith.constant 0 : i32
        %dma_wait3A_166 = tpu.memref_slice %arg2[%dma_wait3A_164, %dma_wait3A_165] : memref<10112x128xf32, #tpu.memory_space<hbm>> -> memref<10112x128xf32, #tpu.memory_space<hbm>>
        %dma_wait3A_167 = tpu.memref_slice %arg10[%rem3A_156] : memref<2x!tpu.dma_semaphore, #tpu.memory_space<semaphore_mem>> -> memref<1x!tpu.dma_semaphore, #tpu.memory_space<semaphore_mem>>
        %dma_wait3A_168 = tpu.memref_squeeze %dma_wait3A_167 : memref<1x!tpu.dma_semaphore, #tpu.memory_space<semaphore_mem>> -> memref<!tpu.dma_semaphore, #tpu.memory_space<semaphore_mem>>
        tpu.wait_indirect_dma semaphore(%dma_wait3A_168 : memref<!tpu.dma_semaphore, #tpu.memory_space<semaphore_mem>>) src(%dma_wait3A_166 : memref<10112x128xf32, #tpu.memory_space<hbm>>) dst(%dma_wait3A_162 : memref<128x128xf32, #tpu.memory_space<vmem>>)
        %dma_start3A_169 = arith.constant 0 : i32
        %dma_start3A_170 = arith.constant 0 : i32
        %dma_start3A_171 = tpu.memref_slice %arg8[%rem3A_156, %dma_start3A_169, %dma_start3A_170] : memref<2x128x128xf32, #tpu.memory_space<vmem>> -> memref<1x128x128xf32, #tpu.memory_space<vmem>>
        %dma_start3A_172 = tpu.memref_squeeze %dma_start3A_171 : memref<1x128x128xf32, #tpu.memory_space<vmem>> -> memref<128x128xf32, #tpu.memory_space<vmem>>
        %dma_start3A_173 = arith.constant 0 : i32
        %dma_start3A_174 = tpu.memref_slice %arg7[%scan3A_155, %dma_start3A_173] : memref<40x128xi32, #tpu.memory_space<vmem>> -> memref<1x128xi32, #tpu.memory_space<vmem>>
        %dma_start3A_175 = tpu.memref_squeeze %dma_start3A_174 : memref<1x128xi32, #tpu.memory_space<vmem>> -> memref<128xi32, #tpu.memory_space<vmem>>
        %dma_start3A_176 = arith.constant 0 : i32
        %dma_start3A_177 = arith.constant 0 : i32
        %dma_start3A_178 = tpu.memref_slice %arg9[%dma_start3A_176, %dma_start3A_177] : memref<10112x128xf32, #tpu.memory_space<vmem_shared>> -> memref<10112x128xf32, #tpu.memory_space<vmem_shared>>
        %dma_start3A_179 = tpu.memref_slice %arg11[%rem3A_156] : memref<2x!tpu.dma_semaphore, #tpu.memory_space<semaphore_mem>> -> memref<1x!tpu.dma_semaphore, #tpu.memory_space<semaphore_mem>>
        %dma_start3A_180 = tpu.memref_squeeze %dma_start3A_179 : memref<1x!tpu.dma_semaphore, #tpu.memory_space<semaphore_mem>> -> memref<!tpu.dma_semaphore, #tpu.memory_space<semaphore_mem>>
        tpu.enqueue_indirect_dma source(%dma_start3A_172 : memref<128x128xf32, #tpu.memory_space<vmem>>) target(%dma_start3A_178 : memref<10112x128xf32, #tpu.memory_space<vmem_shared>>) offsets(%dma_start3A_175 : memref<128xi32, #tpu.memory_space<vmem>>) semaphore(%dma_start3A_180 : memref<!tpu.dma_semaphore, #tpu.memory_space<semaphore_mem>>) {add = true}
        %add3A_181 = arith.constant 1 : i32
        %add3A_182 = arith.addi %scan3A_155, %add3A_181 : i32
        %lt3A = arith.constant 40 : i32
        %lt3A_183 = arith.cmpi slt, %add3A_182, %lt3A : i32
        %convert_element_type3A_184 = arith.extui %lt3A_183 : i1 to i32
        %cond3A_185 = arith.constant 0 : i32
        %cond3A_186 = arith.cmpi ne, %convert_element_type3A_184, %cond3A_185 : i32
        scf.if %cond3A_186 {
          %ge3A = arith.constant 1 : i32
          %ge3A_187 = arith.cmpi sge, %scan3A_155, %ge3A : i32
          %convert_element_type3A_188 = arith.extui %ge3A_187 : i1 to i32
          %cond3A_189 = arith.constant 0 : i32
          %cond3A_190 = arith.cmpi ne, %convert_element_type3A_188, %cond3A_189 : i32
          scf.if %cond3A_190 {
            %sub3A_206 = arith.constant 1 : i32
            %sub3A_207 = arith.subi %scan3A_155, %sub3A_206 : i32
            %sub3A_208 = arith.constant 1 : i32
            %sub3A_209 = arith.subi %sub3A_208, %rem3A_156 : i32
            %dma_wait3A_210 = arith.constant 0 : i32
            %dma_wait3A_211 = arith.constant 0 : i32
            %dma_wait3A_212 = tpu.memref_slice %arg8[%sub3A_209, %dma_wait3A_210, %dma_wait3A_211] : memref<2x128x128xf32, #tpu.memory_space<vmem>> -> memref<1x128x128xf32, #tpu.memory_space<vmem>>
            %dma_wait3A_213 = tpu.memref_squeeze %dma_wait3A_212 : memref<1x128x128xf32, #tpu.memory_space<vmem>> -> memref<128x128xf32, #tpu.memory_space<vmem>>
            %dma_wait3A_214 = arith.constant 0 : i32
            %dma_wait3A_215 = tpu.memref_slice %arg7[%sub3A_207, %dma_wait3A_214] : memref<40x128xi32, #tpu.memory_space<vmem>> -> memref<1x128xi32, #tpu.memory_space<vmem>>
            %dma_wait3A_216 = tpu.memref_squeeze %dma_wait3A_215 : memref<1x128xi32, #tpu.memory_space<vmem>> -> memref<128xi32, #tpu.memory_space<vmem>>
            %dma_wait3A_217 = arith.constant 0 : i32
            %dma_wait3A_218 = arith.constant 0 : i32
            %dma_wait3A_219 = tpu.memref_slice %arg9[%dma_wait3A_217, %dma_wait3A_218] : memref<10112x128xf32, #tpu.memory_space<vmem_shared>> -> memref<10112x128xf32, #tpu.memory_space<vmem_shared>>
            %dma_wait3A_220 = tpu.memref_slice %arg11[%sub3A_209] : memref<2x!tpu.dma_semaphore, #tpu.memory_space<semaphore_mem>> -> memref<1x!tpu.dma_semaphore, #tpu.memory_space<semaphore_mem>>
            %dma_wait3A_221 = tpu.memref_squeeze %dma_wait3A_220 : memref<1x!tpu.dma_semaphore, #tpu.memory_space<semaphore_mem>> -> memref<!tpu.dma_semaphore, #tpu.memory_space<semaphore_mem>>
            tpu.wait_indirect_dma semaphore(%dma_wait3A_221 : memref<!tpu.dma_semaphore, #tpu.memory_space<semaphore_mem>>) src(%dma_wait3A_213 : memref<128x128xf32, #tpu.memory_space<vmem>>) dst(%dma_wait3A_219 : memref<10112x128xf32, #tpu.memory_space<vmem_shared>>)
          } else {
          }
          %add3A_191 = arith.constant 1 : i32
          %add3A_192 = arith.addi %scan3A_155, %add3A_191 : i32
          %sub3A = arith.constant 1 : i32
          %sub3A_193 = arith.subi %sub3A, %rem3A_156 : i32
          %mul3A_194 = arith.constant 128 : i32
          %mul3A_195 = arith.muli %add3A_192, %mul3A_194 : i32
          %dma_start3A_196 = arith.constant 0 : i32
          %dma_start3A_197 = arith.constant 0 : i32
          %dma_start3A_198 = tpu.memref_slice %arg8[%sub3A_193, %dma_start3A_196, %dma_start3A_197] : memref<2x128x128xf32, #tpu.memory_space<vmem>> -> memref<1x128x128xf32, #tpu.memory_space<vmem>>
          %dma_start3A_199 = tpu.memref_squeeze %dma_start3A_198 : memref<1x128x128xf32, #tpu.memory_space<vmem>> -> memref<128x128xf32, #tpu.memory_space<vmem>>
          %dma_start3A_200 = tpu.memref_slice %arg6[%mul3A_195] : memref<5120xi32, #tpu.memory_space<vmem>> -> memref<128xi32, #tpu.memory_space<vmem>>
          %dma_start3A_201 = arith.constant 0 : i32
          %dma_start3A_202 = arith.constant 0 : i32
          %dma_start3A_203 = tpu.memref_slice %arg2[%dma_start3A_201, %dma_start3A_202] : memref<10112x128xf32, #tpu.memory_space<hbm>> -> memref<10112x128xf32, #tpu.memory_space<hbm>>
          %dma_start3A_204 = tpu.memref_slice %arg10[%sub3A_193] : memref<2x!tpu.dma_semaphore, #tpu.memory_space<semaphore_mem>> -> memref<1x!tpu.dma_semaphore, #tpu.memory_space<semaphore_mem>>
          %dma_start3A_205 = tpu.memref_squeeze %dma_start3A_204 : memref<1x!tpu.dma_semaphore, #tpu.memory_space<semaphore_mem>> -> memref<!tpu.dma_semaphore, #tpu.memory_space<semaphore_mem>>
          tpu.enqueue_indirect_dma source(%dma_start3A_203 : memref<10112x128xf32, #tpu.memory_space<hbm>>) target(%dma_start3A_199 : memref<128x128xf32, #tpu.memory_space<vmem>>) offsets(%dma_start3A_200 : memref<128xi32, #tpu.memory_space<vmem>>) semaphore(%dma_start3A_205 : memref<!tpu.dma_semaphore, #tpu.memory_space<semaphore_mem>>)
        } else {
        }
      }
      %scan3A_124 = arith.constant 40 : i32
      %dma_wait3A_125 = arith.constant 0 : i32
      %dma_wait3A_126 = arith.constant 38 : i32
      %dma_wait3A_127 = arith.constant 0 : i32
      %dma_wait3A_128 = arith.constant 0 : i32
      %dma_wait3A_129 = arith.constant 0 : i32
      %dma_wait3A_130 = tpu.memref_slice %arg8[%dma_wait3A_125, %dma_wait3A_128, %dma_wait3A_129] : memref<2x128x128xf32, #tpu.memory_space<vmem>> -> memref<1x128x128xf32, #tpu.memory_space<vmem>>
      %dma_wait3A_131 = tpu.memref_squeeze %dma_wait3A_130 : memref<1x128x128xf32, #tpu.memory_space<vmem>> -> memref<128x128xf32, #tpu.memory_space<vmem>>
      %dma_wait3A_132 = arith.constant 0 : i32
      %dma_wait3A_133 = tpu.memref_slice %arg7[%dma_wait3A_126, %dma_wait3A_132] : memref<40x128xi32, #tpu.memory_space<vmem>> -> memref<1x128xi32, #tpu.memory_space<vmem>>
      %dma_wait3A_134 = tpu.memref_squeeze %dma_wait3A_133 : memref<1x128xi32, #tpu.memory_space<vmem>> -> memref<128xi32, #tpu.memory_space<vmem>>
      %dma_wait3A_135 = arith.constant 0 : i32
      %dma_wait3A_136 = arith.constant 0 : i32
      %dma_wait3A_137 = tpu.memref_slice %arg9[%dma_wait3A_135, %dma_wait3A_136] : memref<10112x128xf32, #tpu.memory_space<vmem_shared>> -> memref<10112x128xf32, #tpu.memory_space<vmem_shared>>
      %dma_wait3A_138 = tpu.memref_slice %arg11[%dma_wait3A_127] : memref<2x!tpu.dma_semaphore, #tpu.memory_space<semaphore_mem>> -> memref<1x!tpu.dma_semaphore, #tpu.memory_space<semaphore_mem>>
      %dma_wait3A_139 = tpu.memref_squeeze %dma_wait3A_138 : memref<1x!tpu.dma_semaphore, #tpu.memory_space<semaphore_mem>> -> memref<!tpu.dma_semaphore, #tpu.memory_space<semaphore_mem>>
      tpu.wait_indirect_dma semaphore(%dma_wait3A_139 : memref<!tpu.dma_semaphore, #tpu.memory_space<semaphore_mem>>) src(%dma_wait3A_131 : memref<128x128xf32, #tpu.memory_space<vmem>>) dst(%dma_wait3A_137 : memref<10112x128xf32, #tpu.memory_space<vmem_shared>>)
      %dma_wait3A_140 = arith.constant 1 : i32
      %dma_wait3A_141 = arith.constant 39 : i32
      %dma_wait3A_142 = arith.constant 1 : i32
      %dma_wait3A_143 = arith.constant 0 : i32
      %dma_wait3A_144 = arith.constant 0 : i32
      %dma_wait3A_145 = tpu.memref_slice %arg8[%dma_wait3A_140, %dma_wait3A_143, %dma_wait3A_144] : memref<2x128x128xf32, #tpu.memory_space<vmem>> -> memref<1x128x128xf32, #tpu.memory_space<vmem>>
      %dma_wait3A_146 = tpu.memref_squeeze %dma_wait3A_145 : memref<1x128x128xf32, #tpu.memory_space<vmem>> -> memref<128x128xf32, #tpu.memory_space<vmem>>
      %dma_wait3A_147 = arith.constant 0 : i32
      %dma_wait3A_148 = tpu.memref_slice %arg7[%dma_wait3A_141, %dma_wait3A_147] : memref<40x128xi32, #tpu.memory_space<vmem>> -> memref<1x128xi32, #tpu.memory_space<vmem>>
      %dma_wait3A_149 = tpu.memref_squeeze %dma_wait3A_148 : memref<1x128xi32, #tpu.memory_space<vmem>> -> memref<128xi32, #tpu.memory_space<vmem>>
      %dma_wait3A_150 = arith.constant 0 : i32
      %dma_wait3A_151 = arith.constant 0 : i32
      %dma_wait3A_152 = tpu.memref_slice %arg9[%dma_wait3A_150, %dma_wait3A_151] : memref<10112x128xf32, #tpu.memory_space<vmem_shared>> -> memref<10112x128xf32, #tpu.memory_space<vmem_shared>>
      %dma_wait3A_153 = tpu.memref_slice %arg11[%dma_wait3A_142] : memref<2x!tpu.dma_semaphore, #tpu.memory_space<semaphore_mem>> -> memref<1x!tpu.dma_semaphore, #tpu.memory_space<semaphore_mem>>
      %dma_wait3A_154 = tpu.memref_squeeze %dma_wait3A_153 : memref<1x!tpu.dma_semaphore, #tpu.memory_space<semaphore_mem>> -> memref<!tpu.dma_semaphore, #tpu.memory_space<semaphore_mem>>
      tpu.wait_indirect_dma semaphore(%dma_wait3A_154 : memref<!tpu.dma_semaphore, #tpu.memory_space<semaphore_mem>>) src(%dma_wait3A_146 : memref<128x128xf32, #tpu.memory_space<vmem>>) dst(%dma_wait3A_152 : memref<10112x128xf32, #tpu.memory_space<vmem_shared>>)
    } else {
    }
    %barrier3A_97 = arith.constant 0 : index
    tpu.barrier barrier_id(%barrier3A_97)
    %mul3A_98 = arith.constant 632 : i32
    %mul3A_99 = arith.muli %arg1, %mul3A_98 : i32
    %mul3A_100 = arith.constant 632 : i32
    %mul3A_101 = arith.muli %arg1, %mul3A_100 : i32
    "tpu.region"() ({
      %run_scoped3A_102 = tpu.sem_alloc : memref<!tpu.dma_semaphore, #tpu.memory_space<semaphore_mem>>
      %dma_start3A_103 = arith.constant 0 : i32
      %dma_start3A_104 = tpu.memref_slice %arg5[%arg0, %mul3A_101, %dma_start3A_103] : memref<2x10112x128xf32, #tpu.memory_space<hbm>> -> memref<1x632x128xf32, #tpu.memory_space<hbm>>
      %dma_start3A_105 = tpu.memref_squeeze %dma_start3A_104 : memref<1x632x128xf32, #tpu.memory_space<hbm>> -> memref<632x128xf32, #tpu.memory_space<hbm>>
      %dma_start3A_106 = arith.constant 0 : i32
      %dma_start3A_107 = tpu.memref_slice %arg9[%mul3A_99, %dma_start3A_106] : memref<10112x128xf32, #tpu.memory_space<vmem_shared>> -> memref<632x128xf32, #tpu.memory_space<vmem_shared>>
      tpu.enqueue_dma source(%dma_start3A_107 : memref<632x128xf32, #tpu.memory_space<vmem_shared>>) target(%dma_start3A_105 : memref<632x128xf32, #tpu.memory_space<hbm>>) target_semaphore(%run_scoped3A_102 : memref<!tpu.dma_semaphore, #tpu.memory_space<semaphore_mem>>)
      %dma_wait3A_108 = arith.constant 0 : i32
      %dma_wait3A_109 = tpu.memref_slice %arg5[%arg0, %mul3A_101, %dma_wait3A_108] : memref<2x10112x128xf32, #tpu.memory_space<hbm>> -> memref<1x632x128xf32, #tpu.memory_space<hbm>>
      %dma_wait3A_110 = tpu.memref_squeeze %dma_wait3A_109 : memref<1x632x128xf32, #tpu.memory_space<hbm>> -> memref<632x128xf32, #tpu.memory_space<hbm>>
      %dma_wait3A_111 = arith.constant 0 : i32
      %dma_wait3A_112 = tpu.memref_slice %arg9[%mul3A_99, %dma_wait3A_111] : memref<10112x128xf32, #tpu.memory_space<vmem_shared>> -> memref<632x128xf32, #tpu.memory_space<vmem_shared>>
      tpu.wait_dma2 semaphore(%run_scoped3A_102 : memref<!tpu.dma_semaphore, #tpu.memory_space<semaphore_mem>>) src(%dma_wait3A_112 : memref<632x128xf32, #tpu.memory_space<vmem_shared>>) dst(%dma_wait3A_110 : memref<632x128xf32, #tpu.memory_space<hbm>>)
      tpu.yield
    }) : () -> ()
    return
  }
}

module attributes {stable_mosaic.version = 14 : i64} {
  func.func @_norms_body(%arg0: memref<32x10112xf32, #tpu.memory_space<vmem>>, %arg1: memref<32x10112xf32, #tpu.memory_space<vmem>>, %arg2: memref<1x10112xf32, #tpu.memory_space<vmem>>, %arg3: memref<1x10112xf32, #tpu.memory_space<vmem>>) attributes {dimension_semantics = [], scalar_prefetch = 0 : i64, scratch_operands = 0 : i64, tpu.core_type = #tpu.core_type<tc>} {
    %get3A = arith.constant 0 : index
    %get3A_0 = arith.constant 0 : index
    %get3A_1 = vector.load %arg0[%get3A, %get3A_0] : memref<32x10112xf32, #tpu.memory_space<vmem>>, vector<32x10112xf32>
    %reduce_sum3A = arith.constant dense<0.000000e+00> : vector<10112xf32>
    %reduce_sum3A_2 = vector.multi_reduction <add>, %get3A_1, %reduce_sum3A [0] : vector<32x10112xf32> to vector<10112xf32>
    %broadcast_in_dim3A = vector.shape_cast %reduce_sum3A_2 : vector<10112xf32> to vector<1x10112xf32>
    %get3A_3 = arith.constant 0 : index
    %get3A_4 = arith.constant 0 : index
    %get3A_5 = vector.load %arg1[%get3A_3, %get3A_4] : memref<32x10112xf32, #tpu.memory_space<vmem>>, vector<32x10112xf32>
    %reduce_sum3A_6 = arith.constant dense<0.000000e+00> : vector<10112xf32>
    %reduce_sum3A_7 = vector.multi_reduction <add>, %get3A_5, %reduce_sum3A_6 [0] : vector<32x10112xf32> to vector<10112xf32>
    %broadcast_in_dim3A_8 = vector.shape_cast %reduce_sum3A_7 : vector<10112xf32> to vector<1x10112xf32>
    %gt3A = arith.constant 0.000000e+00 : f32
    %gt3A_9 = vector.broadcast %gt3A : f32 to vector<1x10112xf32>
    %gt3A_10 = arith.cmpf ogt, %broadcast_in_dim3A, %gt3A_9 : vector<1x10112xf32>
    %max3A = arith.constant 1.000000e+00 : f32
    %max3A_11 = vector.broadcast %max3A : f32 to vector<1x10112xf32>
    %max3A_12 = arith.maximumf %broadcast_in_dim3A, %max3A_11 : vector<1x10112xf32>
    %rsqrt3A = math.rsqrt %max3A_12 : vector<1x10112xf32>
    %jit3A = arith.constant 0.000000e+00 : f32
    %broadcast_in_dim3A_13 = vector.broadcast %jit3A : f32 to vector<1x10112xf32>
    %select_n3A = arith.select %gt3A_10, %rsqrt3A, %broadcast_in_dim3A_13 : vector<1x10112xi1>, vector<1x10112xf32>
    %swap3A = arith.constant 0 : index
    %swap3A_14 = arith.constant 0 : index
    %swap3A_15 = vector.load %arg2[%swap3A, %swap3A_14] : memref<1x10112xf32, #tpu.memory_space<vmem>>, vector<1x10112xf32>
    tpu.vector_store %arg2[%swap3A, %swap3A_14], %select_n3A {strides = array<i32>} : memref<1x10112xf32, #tpu.memory_space<vmem>>, vector<1x10112xf32>,
    %gt3A_16 = arith.constant 0.000000e+00 : f32
    %gt3A_17 = vector.broadcast %gt3A_16 : f32 to vector<1x10112xf32>
    %gt3A_18 = arith.cmpf ogt, %broadcast_in_dim3A_8, %gt3A_17 : vector<1x10112xf32>
    %max3A_19 = arith.constant 1.000000e+00 : f32
    %max3A_20 = vector.broadcast %max3A_19 : f32 to vector<1x10112xf32>
    %max3A_21 = arith.maximumf %broadcast_in_dim3A_8, %max3A_20 : vector<1x10112xf32>
    %rsqrt3A_22 = math.rsqrt %max3A_21 : vector<1x10112xf32>
    %jit3A_23 = arith.constant 0.000000e+00 : f32
    %broadcast_in_dim3A_24 = vector.broadcast %jit3A_23 : f32 to vector<1x10112xf32>
    %select_n3A_25 = arith.select %gt3A_18, %rsqrt3A_22, %broadcast_in_dim3A_24 : vector<1x10112xi1>, vector<1x10112xf32>
    %swap3A_26 = arith.constant 0 : index
    %swap3A_27 = arith.constant 0 : index
    %swap3A_28 = vector.load %arg3[%swap3A_26, %swap3A_27] : memref<1x10112xf32, #tpu.memory_space<vmem>>, vector<1x10112xf32>
    tpu.vector_store %arg3[%swap3A_26, %swap3A_27], %select_n3A_25 {strides = array<i32>} : memref<1x10112xf32, #tpu.memory_space<vmem>>, vector<1x10112xf32>,
    return
  }
}

module attributes {stable_mosaic.version = 14 : i64} {
  func.func @_scale_body(%arg0: i32, %arg1: memref<2528x128xf32, #tpu.memory_space<vmem>>, %arg2: memref<2528x1xf32, #tpu.memory_space<vmem>>, %arg3: memref<2528x128xf32, #tpu.memory_space<vmem>>) attributes {dimension_semantics = [#tpu.dimension_semantics<arbitrary>], iteration_bounds = array<i64: 4>, scalar_prefetch = 0 : i64, scratch_operands = 0 : i64, tpu.core_type = #tpu.core_type<tc>, window_params = [{transform_indices = @transform_0, window_bounds = array<i64: 2528, 128>}, {transform_indices = @transform_1, window_bounds = array<i64: 2528, 1>}, {transform_indices = @transform_2, window_bounds = array<i64: 2528, 128>}]} {
    %get3A = arith.constant 0 : index
    %get3A_0 = arith.constant 0 : index
    %get3A_1 = vector.load %arg1[%get3A, %get3A_0] : memref<2528x128xf32, #tpu.memory_space<vmem>>, vector<2528x128xf32>
    %get3A_2 = arith.constant 0 : index
    %get3A_3 = arith.constant 0 : index
    %get3A_4 = vector.load %arg2[%get3A_2, %get3A_3] : memref<2528x1xf32, #tpu.memory_space<vmem>>, vector<2528x1xf32>
    %mul3A = vector.broadcast %get3A_4 : vector<2528x1xf32> to vector<2528x128xf32>
    %mul3A_5 = arith.mulf %get3A_1, %mul3A : vector<2528x128xf32>
    %swap3A = arith.constant 0 : index
    %swap3A_6 = arith.constant 0 : index
    %swap3A_7 = vector.load %arg3[%swap3A, %swap3A_6] : memref<2528x128xf32, #tpu.memory_space<vmem>>, vector<2528x128xf32>
    tpu.vector_store %arg3[%swap3A, %swap3A_6], %mul3A_5 {strides = array<i32>} : memref<2528x128xf32, #tpu.memory_space<vmem>>, vector<2528x128xf32>,
    return
  }
  func.func @transform_0(%arg0: i32) -> (i32, i32) {
    %c0_i32 = arith.constant 0 : i32
    %c0_i32_0 = arith.constant 0 : i32
    return %arg0, %c0_i32 : i32, i32
  }
  func.func @transform_1(%arg0: i32) -> (i32, i32) {
    %c0_i32 = arith.constant 0 : i32
    %c0_i32_0 = arith.constant 0 : i32
    return %arg0, %c0_i32 : i32, i32
  }
  func.func @transform_2(%arg0: i32) -> (i32, i32) {
    %c0_i32 = arith.constant 0 : i32
    %c0_i32_0 = arith.constant 0 : i32
    return %arg0, %c0_i32 : i32, i32
  }
}

module attributes {stable_mosaic.version = 14 : i64} {
  func.func @_mm_relu_body(%arg0: i32, %arg1: memref<2x2528x128xf32, #tpu.memory_space<vmem>>, %arg2: memref<128x128xf32, #tpu.memory_space<vmem>>, %arg3: memref<1x128xf32, #tpu.memory_space<vmem>>, %arg4: memref<2528x1xf32, #tpu.memory_space<vmem>>, %arg5: memref<2528x1xf32, #tpu.memory_space<vmem>>, %arg6: memref<2528x128xf32, #tpu.memory_space<vmem>>) attributes {dimension_semantics = [#tpu.dimension_semantics<arbitrary>], iteration_bounds = array<i64: 4>, scalar_prefetch = 0 : i64, scratch_operands = 0 : i64, tpu.core_type = #tpu.core_type<tc>, window_params = [{transform_indices = @transform_0, window_bounds = array<i64: 2, 2528, 128>}, {pipeline_mode = #tpu.pipeline_mode<synchronous>, transform_indices = @transform_1, window_bounds = array<i64: 128, 128>}, {pipeline_mode = #tpu.pipeline_mode<synchronous>, transform_indices = @transform_2, window_bounds = array<i64: 1, 128>}, {transform_indices = @transform_3, window_bounds = array<i64: 2528, 1>}, {transform_indices = @transform_4, window_bounds = array<i64: 2528, 1>}, {transform_indices = @transform_5, window_bounds = array<i64: 2528, 128>}]} {
    %get3A = arith.constant 0 : index
    %get3A_0 = arith.constant 0 : index
    %get3A_1 = arith.constant 0 : index
    %get3A_2 = vector.load %arg1[%get3A, %get3A_0, %get3A_1] : memref<2x2528x128xf32, #tpu.memory_space<vmem>>, vector<1x2528x128xf32>
    %get3A_3 = vector.shape_cast %get3A_2 : vector<1x2528x128xf32> to vector<2528x128xf32>
    %get3A_4 = arith.constant 1 : index
    %get3A_5 = arith.constant 0 : index
    %get3A_6 = arith.constant 0 : index
    %get3A_7 = vector.load %arg1[%get3A_4, %get3A_5, %get3A_6] : memref<2x2528x128xf32, #tpu.memory_space<vmem>>, vector<1x2528x128xf32>
    %get3A_8 = vector.shape_cast %get3A_7 : vector<1x2528x128xf32> to vector<2528x128xf32>
    %add3A = arith.addf %get3A_3, %get3A_8 : vector<2528x128xf32>
    %get3A_9 = arith.constant 0 : index
    %get3A_10 = arith.constant 0 : index
    %get3A_11 = vector.load %arg2[%get3A_9, %get3A_10] : memref<128x128xf32, #tpu.memory_space<vmem>>, vector<128x128xf32>
    %dot_general3A = arith.constant dense<0.000000e+00> : vector<2528x128xf32>
    %dot_general3A_12 = tpu.matmul %add3A, %get3A_11, %dot_general3A {dimension_numbers = #tpu.dot_dimension_numbers<[1], [0], [0], [1], [0, 0, 1, 1], [], []>, transpose_lhs_hint = false} : vector<2528x128xf32>, vector<128x128xf32>, vector<2528x128xf32> -> vector<2528x128xf32>
    %get3A_13 = arith.constant 0 : index
    %get3A_14 = arith.constant 0 : index
    %get3A_15 = vector.load %arg4[%get3A_13, %get3A_14] : memref<2528x1xf32, #tpu.memory_space<vmem>>, vector<2528x1xf32>
    %mul3A = vector.broadcast %get3A_15 : vector<2528x1xf32> to vector<2528x128xf32>
    %mul3A_16 = arith.mulf %dot_general3A_12, %mul3A : vector<2528x128xf32>
    %get3A_17 = arith.constant 0 : index
    %get3A_18 = arith.constant 0 : index
    %get3A_19 = vector.load %arg3[%get3A_17, %get3A_18] : memref<1x128xf32, #tpu.memory_space<vmem>>, vector<1x128xf32>
    %add3A_20 = vector.broadcast %get3A_19 : vector<1x128xf32> to vector<2528x128xf32>
    %add3A_21 = arith.addf %mul3A_16, %add3A_20 : vector<2528x128xf32>
    %max3A = arith.constant 0.000000e+00 : f32
    %max3A_22 = vector.broadcast %max3A : f32 to vector<2528x128xf32>
    %max3A_23 = arith.maximumf %add3A_21, %max3A_22 : vector<2528x128xf32>
    %get3A_24 = arith.constant 0 : index
    %get3A_25 = arith.constant 0 : index
    %get3A_26 = vector.load %arg5[%get3A_24, %get3A_25] : memref<2528x1xf32, #tpu.memory_space<vmem>>, vector<2528x1xf32>
    %mul3A_27 = vector.broadcast %get3A_26 : vector<2528x1xf32> to vector<2528x128xf32>
    %mul3A_28 = arith.mulf %max3A_23, %mul3A_27 : vector<2528x128xf32>
    %swap3A = arith.constant 0 : index
    %swap3A_29 = arith.constant 0 : index
    %swap3A_30 = vector.load %arg6[%swap3A, %swap3A_29] : memref<2528x128xf32, #tpu.memory_space<vmem>>, vector<2528x128xf32>
    tpu.vector_store %arg6[%swap3A, %swap3A_29], %mul3A_28 {strides = array<i32>} : memref<2528x128xf32, #tpu.memory_space<vmem>>, vector<2528x128xf32>,
    return
  }
  func.func @transform_0(%arg0: i32) -> (i32, i32, i32) {
    %c0_i32 = arith.constant 0 : i32
    %c0_i32_0 = arith.constant 0 : i32
    %c0_i32_1 = arith.constant 0 : i32
    return %c0_i32, %arg0, %c0_i32_0 : i32, i32, i32
  }
  func.func @transform_1(%arg0: i32) -> (i32, i32) {
    %c0_i32 = arith.constant 0 : i32
    %c0_i32_0 = arith.constant 0 : i32
    %c0_i32_1 = arith.constant 0 : i32
    return %c0_i32, %c0_i32_0 : i32, i32
  }
  func.func @transform_2(%arg0: i32) -> (i32, i32) {
    %c0_i32 = arith.constant 0 : i32
    %c0_i32_0 = arith.constant 0 : i32
    %c0_i32_1 = arith.constant 0 : i32
    return %c0_i32, %c0_i32_0 : i32, i32
  }
  func.func @transform_3(%arg0: i32) -> (i32, i32) {
    %c0_i32 = arith.constant 0 : i32
    %c0_i32_0 = arith.constant 0 : i32
    return %arg0, %c0_i32 : i32, i32
  }
  func.func @transform_4(%arg0: i32) -> (i32, i32) {
    %c0_i32 = arith.constant 0 : i32
    %c0_i32_0 = arith.constant 0 : i32
    return %arg0, %c0_i32 : i32, i32
  }
  func.func @transform_5(%arg0: i32) -> (i32, i32) {
    %c0_i32 = arith.constant 0 : i32
    %c0_i32_0 = arith.constant 0 : i32
    return %arg0, %c0_i32 : i32, i32
  }
}

module attributes {stable_mosaic.version = 14 : i64} {
  func.func @_mm_out_body(%arg0: i32, %arg1: memref<2x2528x128xf32, #tpu.memory_space<vmem>>, %arg2: memref<128x128xf32, #tpu.memory_space<vmem>>, %arg3: memref<1x128xf32, #tpu.memory_space<vmem>>, %arg4: memref<2528x1xf32, #tpu.memory_space<vmem>>, %arg5: memref<2528x128xf32, #tpu.memory_space<vmem>>) attributes {dimension_semantics = [#tpu.dimension_semantics<arbitrary>], iteration_bounds = array<i64: 4>, scalar_prefetch = 0 : i64, scratch_operands = 0 : i64, tpu.core_type = #tpu.core_type<tc>, window_params = [{transform_indices = @transform_0, window_bounds = array<i64: 2, 2528, 128>}, {pipeline_mode = #tpu.pipeline_mode<synchronous>, transform_indices = @transform_1, window_bounds = array<i64: 128, 128>}, {pipeline_mode = #tpu.pipeline_mode<synchronous>, transform_indices = @transform_2, window_bounds = array<i64: 1, 128>}, {transform_indices = @transform_3, window_bounds = array<i64: 2528, 1>}, {transform_indices = @transform_4, window_bounds = array<i64: 2528, 128>}]} {
    %get3A = arith.constant 0 : index
    %get3A_0 = arith.constant 0 : index
    %get3A_1 = arith.constant 0 : index
    %get3A_2 = vector.load %arg1[%get3A, %get3A_0, %get3A_1] : memref<2x2528x128xf32, #tpu.memory_space<vmem>>, vector<1x2528x128xf32>
    %get3A_3 = vector.shape_cast %get3A_2 : vector<1x2528x128xf32> to vector<2528x128xf32>
    %get3A_4 = arith.constant 1 : index
    %get3A_5 = arith.constant 0 : index
    %get3A_6 = arith.constant 0 : index
    %get3A_7 = vector.load %arg1[%get3A_4, %get3A_5, %get3A_6] : memref<2x2528x128xf32, #tpu.memory_space<vmem>>, vector<1x2528x128xf32>
    %get3A_8 = vector.shape_cast %get3A_7 : vector<1x2528x128xf32> to vector<2528x128xf32>
    %add3A = arith.addf %get3A_3, %get3A_8 : vector<2528x128xf32>
    %get3A_9 = arith.constant 0 : index
    %get3A_10 = arith.constant 0 : index
    %get3A_11 = vector.load %arg2[%get3A_9, %get3A_10] : memref<128x128xf32, #tpu.memory_space<vmem>>, vector<128x128xf32>
    %dot_general3A = arith.constant dense<0.000000e+00> : vector<2528x128xf32>
    %dot_general3A_12 = tpu.matmul %add3A, %get3A_11, %dot_general3A {dimension_numbers = #tpu.dot_dimension_numbers<[1], [0], [0], [1], [0, 0, 1, 1], [], []>, transpose_lhs_hint = false} : vector<2528x128xf32>, vector<128x128xf32>, vector<2528x128xf32> -> vector<2528x128xf32>
    %get3A_13 = arith.constant 0 : index
    %get3A_14 = arith.constant 0 : index
    %get3A_15 = vector.load %arg4[%get3A_13, %get3A_14] : memref<2528x1xf32, #tpu.memory_space<vmem>>, vector<2528x1xf32>
    %mul3A = vector.broadcast %get3A_15 : vector<2528x1xf32> to vector<2528x128xf32>
    %mul3A_16 = arith.mulf %dot_general3A_12, %mul3A : vector<2528x128xf32>
    %get3A_17 = arith.constant 0 : index
    %get3A_18 = arith.constant 0 : index
    %get3A_19 = vector.load %arg3[%get3A_17, %get3A_18] : memref<1x128xf32, #tpu.memory_space<vmem>>, vector<1x128xf32>
    %add3A_20 = vector.broadcast %get3A_19 : vector<1x128xf32> to vector<2528x128xf32>
    %add3A_21 = arith.addf %mul3A_16, %add3A_20 : vector<2528x128xf32>
    %swap3A = arith.constant 0 : index
    %swap3A_22 = arith.constant 0 : index
    %swap3A_23 = vector.load %arg5[%swap3A, %swap3A_22] : memref<2528x128xf32, #tpu.memory_space<vmem>>, vector<2528x128xf32>
    tpu.vector_store %arg5[%swap3A, %swap3A_22], %add3A_21 {strides = array<i32>} : memref<2528x128xf32, #tpu.memory_space<vmem>>, vector<2528x128xf32>,
    return
  }
  func.func @transform_0(%arg0: i32) -> (i32, i32, i32) {
    %c0_i32 = arith.constant 0 : i32
    %c0_i32_0 = arith.constant 0 : i32
    %c0_i32_1 = arith.constant 0 : i32
    return %c0_i32, %arg0, %c0_i32_0 : i32, i32, i32
  }
  func.func @transform_1(%arg0: i32) -> (i32, i32) {
    %c0_i32 = arith.constant 0 : i32
    %c0_i32_0 = arith.constant 0 : i32
    %c0_i32_1 = arith.constant 0 : i32
    return %c0_i32, %c0_i32_0 : i32, i32
  }
  func.func @transform_2(%arg0: i32) -> (i32, i32) {
    %c0_i32 = arith.constant 0 : i32
    %c0_i32_0 = arith.constant 0 : i32
    %c0_i32_1 = arith.constant 0 : i32
    return %c0_i32, %c0_i32_0 : i32, i32
  }
  func.func @transform_3(%arg0: i32) -> (i32, i32) {
    %c0_i32 = arith.constant 0 : i32
    %c0_i32_0 = arith.constant 0 : i32
    return %arg0, %c0_i32 : i32, i32
  }
  func.func @transform_4(%arg0: i32) -> (i32, i32) {
    %c0_i32 = arith.constant 0 : i32
    %c0_i32_0 = arith.constant 0 : i32
    return %arg0, %c0_i32 : i32, i32
  }
}

</mosaic_0001>

<sc_bundles>
// kernel: kernel.12.cloned.1.call-start
scs
__scs_entry_jumppad:
0x0: {  	(pc) =	sbr.rel $0x88, $3  }
0x1: {  	(tag) =	ssettag $0x0;
	lr =	simm.s32 $0x1  }
0x2: {  	[smem:$0x3F9B] =	sst lr;
	_ =	strace $0xD0000000  }
0x3: {  	_ = 	snop  }
0x4: {  	_ = 	snop  }
0x5: {  	_ = 	snop  }
0x6: {  	_ = 	snop  }
0x7: {  	_ = 	snop  }
__scs_overlays_trampoline_lowered:
0x8: {  	[smem:$0x3FAA] =	sst s0  }
0x9: {  	[smem:$0x3FAB] =	sst s1  }
0xa: {  	[smem:$0x3FAC] =	sst s2  }
0xb: {  	[smem:$0x3FAD] =	sst s3  }
0xc: {  	[smem:$0x3FAE] =	sst s4  }
0xd: {  	[smem:$0x3FAF] =	sst s5  }
0xe: {  	[smem:$0x3FB0] =	sst s6  }
0xf: {  	[smem:$0x3FB1] =	sst s7  }
0x10: {  	[smem:$0x3FB2] =	sst s8  }
0x11: {  	[smem:$0x3FB3] =	sst s9;
	s0 =	simm.s32 @!p0 $0x0  }
0x12: {  	s1 =	sld [smem:$0x3F99];
	s0 =	simm.s32 @p0 $0x1  }
0x13: {  	[smem:$0x3FB4] =	sst s0;
	s0 =	simm.s32 @!p1 $0x0  }
0x14: {  	s2 =	sld [smem:$0x3F98];
	s0 =	simm.s32 @p1 $0x1  }
0x15: {  	[smem:$0x3FB5] =	sst s0;
	s0 =	simm.s32 @!p2 $0x0  }
0x16: {  	s3 =	sld [smem:$0x3FDB];
	s0 =	simm.s32 @p2 $0x1  }
0x17: {  	s4 =	simm.s32 $0x1BF5;
	[smem:$0x3FB7] =	sst s0  }
0x18: {  	s0 =	sld [smem:$0x3F9A];
	_ =	swait.ge [sflag:s4], $0x0  }
0x19: {  	s7 =	sld [smem:$0x3F9B]  }
0x1a: {  	s8 =	sadd.s32 $0xFFFFE003, lr  }
0x1b: {  	s9 =	sadd.s32 $0xFFFFFEF7, lr;
	s5 =	simm.s32 $0xFFFFFFFF;
	p2 =	slt.u32 s8, $0xFFFFF086  }
0x1c: {  	p1 =	slt.u32 s9, $0xF7A;
	s5 =	simm.s32 @!p2 $0x0  }
0x1d: {  	s5 =	simm.s32 @p1 $0x1;
	p0 =	seq.s32 s7, s2  }
0x1e: {  	s7 =	smul.u32 @!p0 $0xF7A, s2;
	p2 =	seq.s32 @!p0 s5, $0x0  }
0x1f: {  	s9 =	smul.u32 $0xF7A, s1;
	s8 =	simm.s32 @!p0 $0x1BF5;
	p2 =	por !p2, p0  }
0x20: {  	[sflag:s8] =	ssyncset.s32 @!p0 $0xFFFFF086;
	s6 =	sadd.s32 @!p0 s3, s7;
	s7 =	simm.s32 @!p0 $0x108  }
0x21: {  	s3 =	sadd.s32 s3, s9;
	s6 =	sadd.s32 @!p0 $0x88, s6;
	s7 =	simm.s32 @p2 $0x1082  }
0x22: {  	[simem:s7], [sflag:s8] =	dma.local @!p0 [hbm:s6], $0xF7A  }
0x23: {  	s9 =	sor.u32 $0xD0000000, s2;
	s6 =	simm.s32 $0x108;
	_ =	swait.ge @!p0 [sflag:s8], $0x0  }
0x24: {  	s3 =	sadd.s32 $0x88, s3;
	s6 =	simm.s32 @!p1 $0x1082;
	[sflag:s4] =	ssyncset.s32 $0xFFFFF086  }
0x25: {  	[simem:s6], [sflag:s4] =	dma.local [hbm:s3], $0xF7A  }
0x26: {  	[smem:$0x3F9B] =	sst s1;
	(tag) =	ssettag s2;
	_ =	strace s9  }
0x27: {  	s1 =	sld [smem:$0x3FAB]  }
0x28: {  	s2 =	sld [smem:$0x3FAC]  }
0x29: {  	s4 =	sld [smem:$0x3FAE]  }
0x2a: {  	p0 =	seq.s32 s5, $0x0;
	s5 =	sld [smem:$0x3FAF]  }
0x2b: {  	s6 =	sld [smem:$0x3FB0]  }
0x2c: {  	s7 =	sld [smem:$0x3FB1]  }
0x2d: {  	s3 =	simm.s32 $0x108;
	s8 =	sld [smem:$0x3FB2]  }
0x2e: {  	s3 =	simm.s32 @!p0 $0x1082;
	s9 =	sld [smem:$0x3FB3]  }
0x2f: {  	lr =	sadd.s32 s0, s3;
	s0 =	sld [smem:$0x3FAA]  }
0x30: {  	s3 =	sld [smem:$0x3FAD]  }
0x31: {  	[smem:$0x3FB6] =	sst s10  }
0x32: {  	s10 =	sld [smem:$0x3FB4];
	_ =	sdelay $0x3  }
0x33: {  	p0 =	seq.s32 s10, $0x1;
	s10 =	sld [smem:$0x3FB6];
	_ =	sdelay $0x3  }
0x34: {  	[smem:$0x3FB6] =	sst s10  }
0x35: {  	s10 =	sld [smem:$0x3FB5];
	_ =	sdelay $0x3  }
0x36: {  	p1 =	seq.s32 s10, $0x1;
	s10 =	sld [smem:$0x3FB6];
	_ =	sdelay $0x3  }
0x37: {  	[smem:$0x3FB6] =	sst s10  }
0x38: {  	s10 =	sld [smem:$0x3FB7]  }
0x39: {  	_ = 	snop;
	(pc) =	sbr.ind lr, $3  }
0x3a: {  	_ = 	snop  }
0x3b: {  	_ = 	snop  }
0x3c: {  	p2 =	seq.s32 s10, $0x1;
	s10 =	sld [smem:$0x3FB6]  }
0x3d: {  	_ =	shalt  }
0x3e: {  	_ =	shalt  }
0x3f: {  	_ =	shalt  }
0x40: {  	_ =	shalt  }
0x41: {  	_ =	shalt  }
0x42: {  	_ =	shalt  }
0x43: {  	_ =	shalt  }
0x44: {  	_ =	shalt  }
0x45: {  	_ =	shalt  }
0x46: {  	_ =	shalt  }
0x47: {  	_ =	shalt  }
0x48: {  	_ =	shalt  }
0x49: {  	_ =	shalt  }
0x4a: {  	_ =	shalt  }
0x4b: {  	_ =	shalt  }
0x4c: {  	_ =	shalt  }
0x4d: {  	_ =	shalt  }
0x4e: {  	_ =	shalt  }
0x4f: {  	_ =	shalt  }
0x50: {  	_ =	shalt  }
0x51: {  	_ =	shalt  }
0x52: {  	_ =	shalt  }
0x53: {  	_ =	shalt  }
0x54: {  	_ =	shalt  }
0x55: {  	_ =	shalt  }
0x56: {  	_ =	shalt  }
0x57: {  	_ =	shalt  }
0x58: {  	_ =	shalt  }
0x59: {  	_ =	shalt  }
0x5a: {  	_ =	shalt  }
0x5b: {  	_ =	shalt  }
0x5c: {  	_ =	shalt  }
0x5d: {  	_ =	shalt  }
0x5e: {  	_ =	shalt  }
0x5f: {  	_ =	shalt  }
0x60: {  	_ =	shalt  }
0x61: {  	_ =	shalt  }
0x62: {  	_ =	shalt  }
0x63: {  	_ =	shalt  }
0x64: {  	_ =	shalt  }
0x65: {  	_ =	shalt  }
0x66: {  	_ =	shalt  }
0x67: {  	_ =	shalt  }
0x68: {  	_ =	shalt  }
0x69: {  	_ =	shalt  }
0x6a: {  	_ =	shalt  }
0x6b: {  	_ =	shalt  }
0x6c: {  	_ =	shalt  }
0x6d: {  	_ =	shalt  }
0x6e: {  	_ =	shalt  }
0x6f: {  	_ =	shalt  }
0x70: {  	_ =	shalt  }
0x71: {  	_ =	shalt  }
0x72: {  	_ =	shalt  }
0x73: {  	_ =	shalt  }
0x74: {  	_ =	shalt  }
0x75: {  	_ =	shalt  }
0x76: {  	_ =	shalt  }
0x77: {  	_ =	shalt  }
0x78: {  	_ =	shalt  }
0x79: {  	_ =	shalt  }
0x7a: {  	_ =	shalt  }
0x7b: {  	_ =	shalt  }
0x7c: {  	_ =	shalt  }
0x7d: {  	_ =	shalt  }
0x7e: {  	_ =	shalt  }
0x7f: {  	_ =	shalt  }
0x80: {  	_ =	shalt  }
0x81: {  	_ =	shalt  }
0x82: {  	_ =	shalt  }
0x83: {  	_ =	shalt  }
0x84: {  	_ =	shalt  }
0x85: {  	_ =	shalt  }
0x86: {  	_ =	shalt  }
0x87: {  	_ =	shalt  }
.Lfunc_end0:
.L_simem_size_0:
called_computation.1_lowered:
.L_overlay_start_0:
0x88: {  	s2 =	sld [smem:$0x3FD9]  }
0x89: {  	s3 =	sld [smem:$0x3FFE];
	_ =	sdelay $0x1  }
0x8a: {  	s1 =	srdreg.scid  }
0x8b: {  	s0 =	sand.u32 $0x1, s1  }
0x8c: {  	s17 =	sshll.u32 s0, $0xA;
	s2 =	sadd.s32 s3, s2  }
0x8d: {  	s2 =	sadd.s32 s2, s17  }
0x8e: {  	[smem:$0x3FC2] =	sst s2  }
0x8f: {  	_ = 	snop  }
0x90: {  	s2 =	sld [smem:$0x3FD0];
	(tm) =	ssettm $0x1  }
0x91: {  	s18 =	sld [smem:$0x3FFB];
	_ =	sdelay $0x3  }
0x92: {  	_ =	strace s18  }
0x93: {  	s3 =	sld [smem:$0x3FFC];
	_ =	sdelay $0x3  }
0x94: {  	_ =	strace s3  }
0x95: {  	s3 =	sld [smem:$0x3FFD];
	_ =	sdelay $0x3  }
0x96: {  	_ =	strace s3  }
0x97: {  	_ =	strace $0x8FFFFFFF  }
0x98: {  	s19 =	sld [smem:$0x3FDB];
	_ =	sdelay $0x1  }
0x99: {  	s4 =	simm.s32 $_scs_section_size  }
0x9a: {  	s5 =	simm.s32 $_size__tile_overlayer_lowered;
	s6 =	simm.s32 $_tile_overlayer_lowered  }
0x9b: {  	s22 =	simm.s32 $0x1BFF;
	s21 =	sshll.u32 s6, $0x1;
	s3 =	sadd.s32 s4, s19  }
0x9c: {  	s7 =	simm.s32 $0x0;
	s20 =	sshll.u32 s5, $0x1;
	s5 =	sadd.s32 s21, s3  }
0x9d: {  	[timem:s7], [sflag:s22] =	dma.local [hbm:s5], s20  }
0x9e: {  	_ =	swait.ge [sflag:s22], s20  }
0x9f: {  	s4 =	ssub.s32 $0x0, s20;
	[sflag:s22] =	ssyncset.done $0x0  }
0xa0: {  	[sflag:s22] =	ssyncadd.s32 s4;
	_ =	sdelay $0x1  }
0xa1: {  	s23 =	simm.s32 $0x1B8B  }
0xa2: {  	_ =	swait.ge [sflag:s23], $0x1  }
0xa3: {  	[sflag:s23] =	ssyncset.done $0x0  }
0xa4: {  	s25 =	simm.s32 $0x1B8E;
	s24 =	sld [smem:$0x3FFE];
	[sflag:s23] =	ssyncadd.s32 $0xFFFFFFFF  }
0xa5: {  	s26 =	simm.s32 $execute0_lowered;
	[smem:$0x3FD2] =	sst s25  }
0xa6: {  	s5 =	sshll.u32 s26, $0x1;
	_ =	strace $0x80000049;
	[dreg:$0x1] =	wrdreg $0xFFFFFFFF  }
0xa7: {  	s28 =	simm.s32 $_size_execute0_lowered;
	s3 =	sadd.s32 s3, s5;
	[dreg:$0x0] =	wrdreg $0x0  }
0xa8: {  	s5 =	sshll.u32 s28, $0x1;
	[dreg:$0x2] =	wrdreg s3  }
0xa9: {  	[dreg:$0x3] =	wrdreg s5  }
0xaa: {  	[dreg:$0x4] =	wrdreg $0xC0  }
0xab: {  	_ =	task [dreg:s7], $0x5FFFF  }
0xac: {  	[dreg:$0x1] =	wrdreg $0xFFFFFFFF  }
0xad: {  	[dreg:$0x0] =	wrdreg $0x60  }
0xae: {  	[dreg:$0x2] =	wrdreg s24  }
0xaf: {  	[dreg:$0x3] =	wrdreg s2  }
0xb0: {  	[dreg:$0x4] =	wrdreg $0xA8000  }
0xb1: {  	[dreg:$0x5] =	wrdreg $0x9  }
0xb2: {  	_ =	task.clear_ibuf [dreg:s7], $0x6FFFF;
	_ =	strace $0x90000049  }
0xb3: {  	s29 =	simm.s32 $0x9;
	_ =	strace $0x8000004B  }
0xb4: {  	_ =	swait.ge [sflag:s29], $0x1  }
0xb5: {  	[sflag:s29] =	ssyncadd.s32 $0xFFFFFFFF  }
0xb6: {  	_ =	strace $0x9000004B  }
0xb7: {  	_ =	sfence  }
0xb8: {  	s30 =	sld [smem:$0x0];
	_ =	sdelay $0x2  }
0xb9: {  	s31 =	sshll.u32 s1, $0xD;
	s1 =	sshrl.u32 s1, $0x2  }
0xba: {  	s3 =	sand.u32 $0x4000, s31;
	s1 =	sadd.s32 s1, s30  }
0xbb: {  	s0 =	sor.u32 s3, s0;
	s1 =	sshll.u32 s1, $0x11  }
0xbc: {  	s0 =	sor.u32 s1, s0  }
0xbd: {  	s0 =	sadd.s32 $0x8F2B, s0  }
0xbe: {  	[sflag:s0] =	ssyncadd.remote.s32 $0x1  }
0xbf: {  	_ =	sfence.sel $0xFFFF  }
0xc0: {  	[dreg:$0x0] =	wrdreg $0xFFFFFFFF;
	(pc) =	sbr.abs _section_cstart, $3  }
0xc1: {  	[dreg:$0x1] =	wrdreg $0xFFFFFFFF  }
0xc2: {  	_ =	task.clear_ibuf [dreg:s7], $0x2FFFF;
	_ =	strace $0x9FFFFFFF  }
0xc3: {  	(tm) =	ssettm $0x7FFFFFFF  }
tec
execute0_lowered:
.L_overlay_start_1:
0x0: {  	(tag) =	ssettag $0x1  }
0x1: {  	s5 =	rddreg [dreg:$0x0]  }
0x2: {  	s12 =	rddreg [dreg:$0x1]  }
0x3: {  	s1 =	rddreg [dreg:$0x2];
	s2 =	srdreg.scid  }
0x4: {  	s0 =	rddreg [dreg:$0x3];
	s21 =	sand.u32 $0x1, s2  }
0x5: {  	s3 =	simm.s32 $0x0;
	s2 =	stileid.u32;
	s6 =	smul.u32 $0x13C000, s21  }
0x6: {  	s18 =	simm.s32 $0x2800;
	s19 =	simm.s32 $0x5;
	s7 =	smul.u32 $0x13C00, s2  }
0x7: {  	s20 =	simm.s32 $0x80;
	s22 =	simm.s32 $0x4;
	s10 =	smul.u32 $0x3C00, s2  }
0x8: {  	s23 =	simm.s32 $0x0;
	[smem:$0x7FF] =	sst s3;
	s26 =	smul.u32 $0x1400, s2  }
0x9: {  	s4 =	sadd.s32 $0x16600, s5;
	s13 =	sadd.s32 $0xC600, s5;
	s9 =	smul.u32 $0x28, s2  }
0xa: {  	_ =	strace $0x8000004A;
	s8 =	ssub.s32 $0x2, s21;
	s29 =	smul.u32 $0x4F000, s2  }
0xb: {  	p0 =	seq.s32 s21, $0x0;
	s28 =	sshrl.u32 s8, $0x1;
	s6 =	sadd.s32 s7, s6  }
0xc: {  	s17 =	ssub.s32 s8, s28;
	s11 =	sadd.s32 $0x3C000, s26;
	s14 =	sadd.s32 $0x780, s9  }
0xd: {  	s15 =	sshrl.u32 s10, $0x3;
	s6 =	sshrl.u32 s6, $0x3;
	s11 =	smov.u32 @p0 s10  }
0xe: {  	s31 =	sadd.s32 $0x280, s15;
	s15 =	sadd.s32 s13, s15;
	s17 =	smax.u32 s17, $0x1  }
0xf: {  	s16 =	sadd.s32 s6, s5;
	s5 =	smul.u32 $0x78, s2;
	s11 =	sshrl.u32 s11, $0x3  }
0x10: {  	s6 =	sshrl.u32 s29, $0x2;
	s15 =	sadd.s32 $0x500, s15;
	s10 =	sadd.s32 s12, s11  }
.Ltmp0:
0x11: {  	s12 =	sadd.s32 s12, s31;
	s16 =	sadd.s32 $0x3DE00, s16;
	(pc) =	sbr.rel .LBB2_1-.Ltmp0, $4  }
0x12: {  	s14 =	smov.u32 @p0 s5;
	s5 =	sadd.s32 s6, s1;
	p0 =	sne.s32 s21, $0x0  }
0x13: {  	s21 =	simm.s32 $0x3;
	s6 =	sadd.s32 $0x4000, s5;
	s7 =	sadd.s32 $0x8000, s5  }
0x14: {  	s8 =	sadd.s32 $0xC000, s5;
	s9 =	sadd.s32 $0x10000, s5;
	s30 =	sshll.u32 s14, $0x4  }
0x15: {  	v0 =	vimm.f32 $0.0e+00;
	s14 =	sadd.s32 $0x500, s10;
	s11 =	sadd.s32 s13, s30;
	s13 =	sadd.s32 s13, s31  }
.LBB2_19:
0x16: {  	_ =	swait.ge [sflag:s21], $0x4000  }
0x17: {  	[sflag:s21] =	ssyncset.done $0x0  }
0x18: {  	[sflag:s21] =	ssyncadd.s32 $0xFFFFC000  }
0x19: {  	_ =	swait.ge [sflag:s22], $0x4000  }
0x1a: {  	[sflag:s22] =	ssyncset.done $0x0  }
0x1b: {  	[sflag:s22] =	ssyncadd.s32 $0xFFFFC000  }
.LBB2_20:
0x1c: {  	s23 =	sadd.s32 $0x1, s23  }
0x1d: {  	s24 =	sshll.u32 s2, $0x6;
	[bflag:$0x0] =	sbarrier.arrive $0xFFFF;
	p1 =	sne.s32 s23, s17  }
.Ltmp1:
0x1e: {  	s25 =	sshrl.u32 s5, $0x3;
	s24 =	sor.u32 $0x1C05, s24;
	(pc) =	sbr.rel @!p1 .LBB2_21-.Ltmp1, $4  }
0x1f: {  	[hbm:s16], [sflag:s24] =	dma.local [spmem:s25], $0x2780  }
0x20: {  	_ =	swait.ge [sflag:s19], $0x2780  }
0x21: {  	[sflag:s19] =	ssyncset.done $0x0  }
0x22: {  	[sflag:s19] =	ssyncadd.s32 $0xFFFFD880  }
.LBB2_1:
0x23: {  	s24 =	sand.u32 $0xFE00, s3  }
0x24: {  	s25 =	sand.u32 $0x70, s3;
	s26 =	sshrl.u32 s24, $0x2  }
0x25: {  	s24 =	simm.s32 $0x40;
	s26 =	sor.u32 s25, s26;
	s25 =	simm.s32 $0x0  }
.LBB2_2:
0x26: {  	p1 =	sne.s32 s24, $0xFFC0  }
0x27: {  	[tilespmem:s26+$0x2800] =	vst v0;
	s25 =	sadd.s32 $0x10, s25;
	s26 =	smov.u32 s24;
	s24 =	sadd.s32 $0x40, s24  }
.Ltmp2:
0x28: {  	(pc) =	sbr.rel @p1 .LBB2_2-.Ltmp2, $4  }
0x29: {  	_ = 	snop  }
0x2a: {  	s26 =	sand.u32 $0xFE00, s26  }
0x2b: {  	s28 =	sand.u32 $0x70, s25;
	s26 =	sshrl.u32 s26, $0x2  }
0x2c: {  	s26 =	sor.u32 s28, s26  }
0x2d: {  	[tilespmem:s26+$0x2800] =	vst v0  }
0x2e: {  	[spmem:s5] =	stream.linear.scatter [tilespmem:s18], [sflag:$0x5], $0x4000, $0x38;
	[tilespmem:$0x1E400] =	vst v63  }
0x2f: {  	_ =	swait.ge [sflag:s19], $0x4000  }
0x30: {  	[sflag:s19] =	ssyncset.done $0x0  }
0x31: {  	[sflag:s19] =	ssyncadd.s32 $0xFFFFC000  }
0x32: {  	[spmem:s6] =	stream.linear.scatter [tilespmem:s18], [sflag:$0x5], $0x4000, $0x38;
	[tilespmem:$0x1E400] =	vst v63  }
0x33: {  	_ =	swait.ge [sflag:s19], $0x4000  }
0x34: {  	[sflag:s19] =	ssyncset.done $0x0  }
0x35: {  	[sflag:s19] =	ssyncadd.s32 $0xFFFFC000  }
0x36: {  	[spmem:s7] =	stream.linear.scatter [tilespmem:s18], [sflag:$0x5], $0x4000, $0x38;
	[tilespmem:$0x1E400] =	vst v63  }
0x37: {  	_ =	swait.ge [sflag:s19], $0x4000  }
0x38: {  	[sflag:s19] =	ssyncset.done $0x0  }
0x39: {  	[sflag:s19] =	ssyncadd.s32 $0xFFFFC000  }
0x3a: {  	[spmem:s8] =	stream.linear.scatter [tilespmem:s18], [sflag:$0x5], $0x4000, $0x38;
	[tilespmem:$0x1E400] =	vst v63  }
0x3b: {  	_ =	swait.ge [sflag:s19], $0x4000  }
0x3c: {  	[sflag:s19] =	ssyncset.done $0x0  }
0x3d: {  	[sflag:s19] =	ssyncadd.s32 $0xFFFFC000  }
0x3e: {  	[spmem:s9] =	stream.linear.scatter [tilespmem:s18], [sflag:$0x5], $0x3C00, $0x38;
	[tilespmem:$0x1E400] =	vst v63  }
0x3f: {  	_ =	swait.ge [sflag:s19], $0x3C00  }
0x40: {  	[sflag:s19] =	ssyncset.done $0x0  }
0x41: {  	[sflag:s19] =	ssyncadd.s32 $0xFFFFC400  }
0x42: {  	s24 =	simm.s32 $0x0;
	[bflag:$0x0] =	sbarrier.arrive $0xFFFF  }
0x43: {  	[tilespmem:s24], [sflag:$0x5] =	stream.linear.gather [hbm4b:s10+s24], $0x1400, $0x38;
	[tilespmem:$0x1E400] =	vst v63  }
0x44: {  	_ =	swait.ge [sflag:s19], $0x1400  }
0x45: {  	[sflag:s19] =	ssyncset.done $0x0  }
0x46: {  	s25 =	simm.s32 $0x1400;
	[sflag:s19] =	ssyncadd.s32 $0xFFFFEC00  }
0x47: {  	[tilespmem:s25], [sflag:$0x5] =	stream.linear.gather [hbm4b:s11+s24], $0x1400, $0x38;
	[tilespmem:$0x1E400] =	vst v63  }
.Ltmp3:
0x48: {  	_ = 	snop;
	(pc) =	sbr.rel .LBB2_4-.Ltmp3, $4  }
0x49: {  	_ =	swait.ge [sflag:s19], $0x1400  }
0x4a: {  	[sflag:s19] =	ssyncset.done $0x0  }
0x4b: {  	s26 =	simm.s32 $0x80;
	[sflag:s19] =	ssyncadd.s32 $0xFFFFEC00  }
0x4c: {  	[tilespmem:s18], [sflag:$0x1] =	stream.indirect.gather [hbm4b:s4+s26], $0x80, s24, s26, $0xb8;
	[tilespmem:$0x1E400] =	vst v63  }
.LBB2_7:
0x4d: {  	s24 =	sadd.s32 $0x1, s24  }
0x4e: {  	p1 =	sne.s32 s24, $0x28  }
.Ltmp4:
0x4f: {  	_ = 	snop;
	(pc) =	sbr.rel @!p1 .LBB2_8-.Ltmp4, $4  }
0x50: {  	s28 =	sshll.u32 s29, $0xE  }
0x51: {  	s31 =	sadd.s32 $0x1, s29;
	s28 =	sor.u32 $0x2800, s28  }
0x52: {  	[tilespmem:s28], [sflag:s31] =	stream.indirect.gather [hbm4b:s4+s20], $0x80, s26, s20, $0xb8;
	[tilespmem:$0x1E400] =	vst v63  }
0x53: {  	s25 =	sadd.s32 $0x80, s25;
	s26 =	sadd.s32 $0x80, s26  }
.LBB2_4:
0x54: {  	s28 =	sand.u32 $0x1, s24  }
0x55: {  	p1 =	seq.s32 s24, $0x0;
	s29 =	sadd.s32 $0x1, s28  }
.Ltmp5:
0x56: {  	_ =	swait.ge [sflag:s29], $0x4000;
	(pc) =	sbr.rel @p1 .LBB2_7-.Ltmp5, $4  }
0x57: {  	s30 =	sshll.u32 s28, $0xE;
	[sflag:s29] =	ssyncset.done $0x0  }
0x58: {  	s30 =	sor.u32 $0x2800, s30;
	[sflag:s29] =	ssyncadd.s32 $0xFFFFC000;
	s29 =	sadd.s32 $0x3, s28  }
0x59: {  	[spmem:s1] =	stream.indirect.scatter.add.f32 [tilespmem:s30], [sflag:s29], $0x80, s25, s20, $0xb8;
	[tilespmem:$0x1E400] =	vst v63  }
0x5a: {  	s29 =	simm.s32 $0x1  }
0x5b: {  	p1 =	seq.s32 s24, $0x27  }
.Ltmp6:
0x5c: {  	_ = 	snop;
	(pc) =	sbr.rel @p1 .LBB2_8-.Ltmp6, $1  }
0x5d: {  	_ =	sdelay $0x3  }
.Ltmp7:
0x5e: {  	s29 =	sxor.u32 $0x1, s28;
	(pc) =	sbr.rel .LBB2_7-.Ltmp7, $4  }
0x5f: {  	s28 =	sadd.s32 $0x3, s29  }
0x60: {  	_ =	swait.ge [sflag:s28], $0x4000  }
0x61: {  	[sflag:s28] =	ssyncset.done $0x0  }
0x62: {  	[sflag:s28] =	ssyncadd.s32 $0xFFFFC000  }
.LBB2_8:
0x63: {  	_ =	swait.ge [sflag:s21], $0x4000  }
.Ltmp8:
0x64: {  	[sflag:s21] =	ssyncset.done $0x0;
	(pc) =	sbr.rel @p0 .LBB2_20-.Ltmp8, $4  }
0x65: {  	[sflag:s21] =	ssyncadd.s32 $0xFFFFC000  }
0x66: {  	_ =	swait.ge [sflag:s22], $0x4000  }
0x67: {  	[sflag:s22] =	ssyncset.done $0x0  }
0x68: {  	[sflag:s22] =	ssyncadd.s32 $0xFFFFC000  }
0x69: {  	s24 =	simm.s32 $0x0  }
0x6a: {  	[tilespmem:s24], [sflag:$0x5] =	stream.linear.gather [hbm4b:s12+s24], $0x1400, $0x38;
	[tilespmem:$0x1E400] =	vst v63  }
0x6b: {  	_ =	swait.ge [sflag:s19], $0x1400  }
0x6c: {  	[sflag:s19] =	ssyncset.done $0x0  }
0x6d: {  	s25 =	simm.s32 $0x1400;
	[sflag:s19] =	ssyncadd.s32 $0xFFFFEC00  }
0x6e: {  	[tilespmem:s25], [sflag:$0x5] =	stream.linear.gather [hbm4b:s13+s24], $0x1400, $0x38;
	[tilespmem:$0x1E400] =	vst v63  }
.Ltmp9:
0x6f: {  	_ = 	snop;
	(pc) =	sbr.rel .LBB2_10-.Ltmp9, $4  }
0x70: {  	_ =	swait.ge [sflag:s19], $0x1400  }
0x71: {  	[sflag:s19] =	ssyncset.done $0x0  }
0x72: {  	s26 =	simm.s32 $0x80;
	[sflag:s19] =	ssyncadd.s32 $0xFFFFEC00  }
0x73: {  	[tilespmem:s18], [sflag:$0x1] =	stream.indirect.gather [hbm4b:s4+s26], $0x80, s24, s26, $0xb8;
	[tilespmem:$0x1E400] =	vst v63  }
.LBB2_13:
0x74: {  	s24 =	sadd.s32 $0x1, s24  }
0x75: {  	p1 =	sne.s32 s24, $0x28  }
.Ltmp10:
0x76: {  	_ = 	snop;
	(pc) =	sbr.rel @!p1 .LBB2_14-.Ltmp10, $4  }
0x77: {  	s28 =	sshll.u32 s29, $0xE  }
0x78: {  	s31 =	sadd.s32 $0x1, s29;
	s28 =	sor.u32 $0x2800, s28  }
0x79: {  	[tilespmem:s28], [sflag:s31] =	stream.indirect.gather [hbm4b:s4+s20], $0x80, s26, s20, $0xb8;
	[tilespmem:$0x1E400] =	vst v63  }
0x7a: {  	s25 =	sadd.s32 $0x80, s25;
	s26 =	sadd.s32 $0x80, s26  }
.LBB2_10:
0x7b: {  	s28 =	sand.u32 $0x1, s24  }
0x7c: {  	p1 =	seq.s32 s24, $0x0;
	s29 =	sadd.s32 $0x1, s28  }
.Ltmp11:
0x7d: {  	_ =	swait.ge [sflag:s29], $0x4000;
	(pc) =	sbr.rel @p1 .LBB2_13-.Ltmp11, $4  }
0x7e: {  	s30 =	sshll.u32 s28, $0xE;
	[sflag:s29] =	ssyncset.done $0x0  }
0x7f: {  	s30 =	sor.u32 $0x2800, s30;
	[sflag:s29] =	ssyncadd.s32 $0xFFFFC000;
	s29 =	sadd.s32 $0x3, s28  }
0x80: {  	[spmem:s1] =	stream.indirect.scatter.add.f32 [tilespmem:s30], [sflag:s29], $0x80, s25, s20, $0xb8;
	[tilespmem:$0x1E400] =	vst v63  }
0x81: {  	s29 =	simm.s32 $0x1  }
0x82: {  	p1 =	seq.s32 s24, $0x27  }
.Ltmp12:
0x83: {  	_ = 	snop;
	(pc) =	sbr.rel @p1 .LBB2_14-.Ltmp12, $1  }
0x84: {  	_ =	sdelay $0x3  }
.Ltmp13:
0x85: {  	s29 =	sxor.u32 $0x1, s28;
	(pc) =	sbr.rel .LBB2_13-.Ltmp13, $4  }
0x86: {  	s28 =	sadd.s32 $0x3, s29  }
0x87: {  	_ =	swait.ge [sflag:s28], $0x4000  }
0x88: {  	[sflag:s28] =	ssyncset.done $0x0  }
0x89: {  	[sflag:s28] =	ssyncadd.s32 $0xFFFFC000  }
.LBB2_14:
0x8a: {  	_ =	swait.ge [sflag:s21], $0x4000  }
0x8b: {  	[sflag:s21] =	ssyncset.done $0x0  }
0x8c: {  	[sflag:s21] =	ssyncadd.s32 $0xFFFFC000  }
0x8d: {  	_ =	swait.ge [sflag:s22], $0x4000  }
0x8e: {  	[sflag:s22] =	ssyncset.done $0x0  }
0x8f: {  	s24 =	simm.s32 $0x0;
	[sflag:s22] =	ssyncadd.s32 $0xFFFFC000  }
0x90: {  	[tilespmem:s24], [sflag:$0x5] =	stream.linear.gather [hbm4b:s14+s24], $0x1400, $0x38;
	[tilespmem:$0x1E400] =	vst v63  }
0x91: {  	_ =	swait.ge [sflag:s19], $0x1400  }
0x92: {  	[sflag:s19] =	ssyncset.done $0x0  }
0x93: {  	s25 =	simm.s32 $0x1400;
	[sflag:s19] =	ssyncadd.s32 $0xFFFFEC00  }
0x94: {  	[tilespmem:s25], [sflag:$0x5] =	stream.linear.gather [hbm4b:s15+s24], $0x1400, $0x38;
	[tilespmem:$0x1E400] =	vst v63  }
.Ltmp14:
0x95: {  	_ = 	snop;
	(pc) =	sbr.rel .LBB2_15-.Ltmp14, $4  }
0x96: {  	_ =	swait.ge [sflag:s19], $0x1400  }
0x97: {  	[sflag:s19] =	ssyncset.done $0x0  }
0x98: {  	s26 =	simm.s32 $0x80;
	[sflag:s19] =	ssyncadd.s32 $0xFFFFEC00  }
0x99: {  	[tilespmem:s18], [sflag:$0x1] =	stream.indirect.gather [hbm4b:s4+s26], $0x80, s24, s26, $0xb8;
	[tilespmem:$0x1E400] =	vst v63  }
.LBB2_18:
0x9a: {  	s24 =	sadd.s32 $0x1, s24  }
0x9b: {  	p1 =	sne.s32 s24, $0x28  }
.Ltmp15:
0x9c: {  	_ = 	snop;
	(pc) =	sbr.rel @!p1 .LBB2_19-.Ltmp15, $4  }
0x9d: {  	s28 =	sshll.u32 s29, $0xE  }
0x9e: {  	s31 =	sadd.s32 $0x1, s29;
	s28 =	sor.u32 $0x2800, s28  }
0x9f: {  	[tilespmem:s28], [sflag:s31] =	stream.indirect.gather [hbm4b:s4+s20], $0x80, s26, s20, $0xb8;
	[tilespmem:$0x1E400] =	vst v63  }
0xa0: {  	s25 =	sadd.s32 $0x80, s25;
	s26 =	sadd.s32 $0x80, s26  }
.LBB2_15:
0xa1: {  	s28 =	sand.u32 $0x1, s24  }
0xa2: {  	p1 =	seq.s32 s24, $0x0;
	s29 =	sadd.s32 $0x1, s28  }
.Ltmp16:
0xa3: {  	_ =	swait.ge [sflag:s29], $0x4000;
	(pc) =	sbr.rel @p1 .LBB2_18-.Ltmp16, $4  }
0xa4: {  	s30 =	sshll.u32 s28, $0xE;
	[sflag:s29] =	ssyncset.done $0x0  }
0xa5: {  	s30 =	sor.u32 $0x2800, s30;
	[sflag:s29] =	ssyncadd.s32 $0xFFFFC000;
	s29 =	sadd.s32 $0x3, s28  }
0xa6: {  	[spmem:s1] =	stream.indirect.scatter.add.f32 [tilespmem:s30], [sflag:s29], $0x80, s25, s20, $0xb8;
	[tilespmem:$0x1E400] =	vst v63  }
0xa7: {  	s29 =	simm.s32 $0x1  }
0xa8: {  	p1 =	seq.s32 s24, $0x27  }
.Ltmp17:
0xa9: {  	_ = 	snop;
	(pc) =	sbr.rel @p1 .LBB2_19-.Ltmp17, $1  }
0xaa: {  	_ =	sdelay $0x3  }
.Ltmp18:
0xab: {  	s29 =	sxor.u32 $0x1, s28;
	(pc) =	sbr.rel .LBB2_18-.Ltmp18, $4  }
0xac: {  	s28 =	sadd.s32 $0x3, s29  }
0xad: {  	_ =	swait.ge [sflag:s28], $0x4000  }
0xae: {  	[sflag:s28] =	ssyncset.done $0x0  }
0xaf: {  	[sflag:s28] =	ssyncadd.s32 $0xFFFFC000  }
.LBB2_21:
0xb0: {  	_ =	sfence.sel $0x180000  }
0xb1: {  	[bflag:$0x0] =	sbarrier.arrive $0xFFFF  }
0xb2: {  	p0 =	sne.s32 s2, $0x0;
	_ =	strace $0x9000004A  }
0xb3: {  	s0 =	sadd.s32 @!p0 $0x100000, s0;
	[bflag:$0x2] =	sbarrier.arrive $0xFFFF  }
0xb4: {  	[sflag:s0] =	ssyncadd.tile.s32 @!p0 $0x1;
	_ =	shalt  }
.Lfunc_end2:
_tile_overlayer_lowered:
.L_overlay_start_2:
0xb5: {  	(tag) =	ssettag $0x2  }
0xb6: {  	s0 =	rddreg [dreg:$0x0];
	s2 =	stileid.u32  }
0xb7: {  	s1 =	rddreg [dreg:$0x1];
	p0 =	sne.s32 s2, $0x0  }
0xb8: {  	s3 =	rddreg [dreg:$0x2];
	[bflag:$0x3] =	sbarrier.arrive $0xFFFF;
	s2 =	simm.s32 @!p0 $0x1C05  }
0xb9: {  	[timem:s3], [sflag:s2] =	dma.local @!p0 [hbm:s0], s1  }
0xba: {  	s0 =	simm.s32 @!p0 $0x5  }
0xbb: {  	_ =	swait.ge @!p0 [sflag:s0], s1  }
0xbc: {  	s1 =	ssub.s32 @!p0 $0x0, s1;
	[sflag:s0] =	ssyncset.done @!p0 $0x0  }
0xbd: {  	[sflag:s0] =	ssyncadd.s32 @!p0 s1  }
0xbe: {  	[bflag:$0x3] =	sbarrier.arrive $0xFFFF  }
0xbf: {  	_ =	shalt  }

// kernel: kernel.15.cloned.1.call-start
scs
__scs_entry_jumppad:
0x0: {  	(pc) =	sbr.rel $0x88, $3  }
0x1: {  	(tag) =	ssettag $0x0;
	lr =	simm.s32 $0x1  }
0x2: {  	[smem:$0x3F9B] =	sst lr;
	_ =	strace $0xD0000000  }
0x3: {  	_ = 	snop  }
0x4: {  	_ = 	snop  }
0x5: {  	_ = 	snop  }
0x6: {  	_ = 	snop  }
0x7: {  	_ = 	snop  }
__scs_overlays_trampoline_lowered:
0x8: {  	[smem:$0x3FAA] =	sst s0  }
0x9: {  	[smem:$0x3FAB] =	sst s1  }
0xa: {  	[smem:$0x3FAC] =	sst s2  }
0xb: {  	[smem:$0x3FAD] =	sst s3  }
0xc: {  	[smem:$0x3FAE] =	sst s4  }
0xd: {  	[smem:$0x3FAF] =	sst s5  }
0xe: {  	[smem:$0x3FB0] =	sst s6  }
0xf: {  	[smem:$0x3FB1] =	sst s7  }
0x10: {  	[smem:$0x3FB2] =	sst s8  }
0x11: {  	[smem:$0x3FB3] =	sst s9;
	s0 =	simm.s32 @!p0 $0x0  }
0x12: {  	s1 =	sld [smem:$0x3F99];
	s0 =	simm.s32 @p0 $0x1  }
0x13: {  	[smem:$0x3FB4] =	sst s0;
	s0 =	simm.s32 @!p1 $0x0  }
0x14: {  	s2 =	sld [smem:$0x3F98];
	s0 =	simm.s32 @p1 $0x1  }
0x15: {  	[smem:$0x3FB5] =	sst s0;
	s0 =	simm.s32 @!p2 $0x0  }
0x16: {  	s3 =	sld [smem:$0x3FDB];
	s0 =	simm.s32 @p2 $0x1  }
0x17: {  	s4 =	simm.s32 $0x1BF5;
	[smem:$0x3FB7] =	sst s0  }
0x18: {  	s0 =	sld [smem:$0x3F9A];
	_ =	swait.ge [sflag:s4], $0x0  }
0x19: {  	s7 =	sld [smem:$0x3F9B]  }
0x1a: {  	s8 =	sadd.s32 $0xFFFFE003, lr  }
0x1b: {  	s9 =	sadd.s32 $0xFFFFFEF7, lr;
	s5 =	simm.s32 $0xFFFFFFFF;
	p2 =	slt.u32 s8, $0xFFFFF086  }
0x1c: {  	p1 =	slt.u32 s9, $0xF7A;
	s5 =	simm.s32 @!p2 $0x0  }
0x1d: {  	s5 =	simm.s32 @p1 $0x1;
	p0 =	seq.s32 s7, s2  }
0x1e: {  	s7 =	smul.u32 @!p0 $0xF7A, s2;
	p2 =	seq.s32 @!p0 s5, $0x0  }
0x1f: {  	s9 =	smul.u32 $0xF7A, s1;
	s8 =	simm.s32 @!p0 $0x1BF5;
	p2 =	por !p2, p0  }
0x20: {  	[sflag:s8] =	ssyncset.s32 @!p0 $0xFFFFF086;
	s6 =	sadd.s32 @!p0 s3, s7;
	s7 =	simm.s32 @!p0 $0x108  }
0x21: {  	s3 =	sadd.s32 s3, s9;
	s6 =	sadd.s32 @!p0 $0x88, s6;
	s7 =	simm.s32 @p2 $0x1082  }
0x22: {  	[simem:s7], [sflag:s8] =	dma.local @!p0 [hbm:s6], $0xF7A  }
0x23: {  	s9 =	sor.u32 $0xD0000000, s2;
	s6 =	simm.s32 $0x108;
	_ =	swait.ge @!p0 [sflag:s8], $0x0  }
0x24: {  	s3 =	sadd.s32 $0x88, s3;
	s6 =	simm.s32 @!p1 $0x1082;
	[sflag:s4] =	ssyncset.s32 $0xFFFFF086  }
0x25: {  	[simem:s6], [sflag:s4] =	dma.local [hbm:s3], $0xF7A  }
0x26: {  	[smem:$0x3F9B] =	sst s1;
	(tag) =	ssettag s2;
	_ =	strace s9  }
0x27: {  	s1 =	sld [smem:$0x3FAB]  }
0x28: {  	s2 =	sld [smem:$0x3FAC]  }
0x29: {  	s4 =	sld [smem:$0x3FAE]  }
0x2a: {  	p0 =	seq.s32 s5, $0x0;
	s5 =	sld [smem:$0x3FAF]  }
0x2b: {  	s6 =	sld [smem:$0x3FB0]  }
0x2c: {  	s7 =	sld [smem:$0x3FB1]  }
0x2d: {  	s3 =	simm.s32 $0x108;
	s8 =	sld [smem:$0x3FB2]  }
0x2e: {  	s3 =	simm.s32 @!p0 $0x1082;
	s9 =	sld [smem:$0x3FB3]  }
0x2f: {  	lr =	sadd.s32 s0, s3;
	s0 =	sld [smem:$0x3FAA]  }
0x30: {  	s3 =	sld [smem:$0x3FAD]  }
0x31: {  	[smem:$0x3FB6] =	sst s10  }
0x32: {  	s10 =	sld [smem:$0x3FB4];
	_ =	sdelay $0x3  }
0x33: {  	p0 =	seq.s32 s10, $0x1;
	s10 =	sld [smem:$0x3FB6];
	_ =	sdelay $0x3  }
0x34: {  	[smem:$0x3FB6] =	sst s10  }
0x35: {  	s10 =	sld [smem:$0x3FB5];
	_ =	sdelay $0x3  }
0x36: {  	p1 =	seq.s32 s10, $0x1;
	s10 =	sld [smem:$0x3FB6];
	_ =	sdelay $0x3  }
0x37: {  	[smem:$0x3FB6] =	sst s10  }
0x38: {  	s10 =	sld [smem:$0x3FB7]  }
0x39: {  	_ = 	snop;
	(pc) =	sbr.ind lr, $3  }
0x3a: {  	_ = 	snop  }
0x3b: {  	_ = 	snop  }
0x3c: {  	p2 =	seq.s32 s10, $0x1;
	s10 =	sld [smem:$0x3FB6]  }
0x3d: {  	_ =	shalt  }
0x3e: {  	_ =	shalt  }
0x3f: {  	_ =	shalt  }
0x40: {  	_ =	shalt  }
0x41: {  	_ =	shalt  }
0x42: {  	_ =	shalt  }
0x43: {  	_ =	shalt  }
0x44: {  	_ =	shalt  }
0x45: {  	_ =	shalt  }
0x46: {  	_ =	shalt  }
0x47: {  	_ =	shalt  }
0x48: {  	_ =	shalt  }
0x49: {  	_ =	shalt  }
0x4a: {  	_ =	shalt  }
0x4b: {  	_ =	shalt  }
0x4c: {  	_ =	shalt  }
0x4d: {  	_ =	shalt  }
0x4e: {  	_ =	shalt  }
0x4f: {  	_ =	shalt  }
0x50: {  	_ =	shalt  }
0x51: {  	_ =	shalt  }
0x52: {  	_ =	shalt  }
0x53: {  	_ =	shalt  }
0x54: {  	_ =	shalt  }
0x55: {  	_ =	shalt  }
0x56: {  	_ =	shalt  }
0x57: {  	_ =	shalt  }
0x58: {  	_ =	shalt  }
0x59: {  	_ =	shalt  }
0x5a: {  	_ =	shalt  }
0x5b: {  	_ =	shalt  }
0x5c: {  	_ =	shalt  }
0x5d: {  	_ =	shalt  }
0x5e: {  	_ =	shalt  }
0x5f: {  	_ =	shalt  }
0x60: {  	_ =	shalt  }
0x61: {  	_ =	shalt  }
0x62: {  	_ =	shalt  }
0x63: {  	_ =	shalt  }
0x64: {  	_ =	shalt  }
0x65: {  	_ =	shalt  }
0x66: {  	_ =	shalt  }
0x67: {  	_ =	shalt  }
0x68: {  	_ =	shalt  }
0x69: {  	_ =	shalt  }
0x6a: {  	_ =	shalt  }
0x6b: {  	_ =	shalt  }
0x6c: {  	_ =	shalt  }
0x6d: {  	_ =	shalt  }
0x6e: {  	_ =	shalt  }
0x6f: {  	_ =	shalt  }
0x70: {  	_ =	shalt  }
0x71: {  	_ =	shalt  }
0x72: {  	_ =	shalt  }
0x73: {  	_ =	shalt  }
0x74: {  	_ =	shalt  }
0x75: {  	_ =	shalt  }
0x76: {  	_ =	shalt  }
0x77: {  	_ =	shalt  }
0x78: {  	_ =	shalt  }
0x79: {  	_ =	shalt  }
0x7a: {  	_ =	shalt  }
0x7b: {  	_ =	shalt  }
0x7c: {  	_ =	shalt  }
0x7d: {  	_ =	shalt  }
0x7e: {  	_ =	shalt  }
0x7f: {  	_ =	shalt  }
0x80: {  	_ =	shalt  }
0x81: {  	_ =	shalt  }
0x82: {  	_ =	shalt  }
0x83: {  	_ =	shalt  }
0x84: {  	_ =	shalt  }
0x85: {  	_ =	shalt  }
0x86: {  	_ =	shalt  }
0x87: {  	_ =	shalt  }
.Lfunc_end0:
.L_simem_size_0:
called_computation.2_lowered:
.L_overlay_start_0:
0x88: {  	s2 =	sld [smem:$0x3FD9]  }
0x89: {  	s3 =	sld [smem:$0x3FFE];
	_ =	sdelay $0x1  }
0x8a: {  	s1 =	srdreg.scid  }
0x8b: {  	s0 =	sand.u32 $0x1, s1  }
0x8c: {  	s17 =	sshll.u32 s0, $0xA;
	s2 =	sadd.s32 s3, s2  }
0x8d: {  	s2 =	sadd.s32 s2, s17  }
0x8e: {  	[smem:$0x3FC2] =	sst s2  }
0x8f: {  	_ = 	snop  }
0x90: {  	s2 =	sld [smem:$0x3FD0];
	(tm) =	ssettm $0x1  }
0x91: {  	s18 =	sld [smem:$0x3FFB];
	_ =	sdelay $0x3  }
0x92: {  	_ =	strace s18  }
0x93: {  	s3 =	sld [smem:$0x3FFC];
	_ =	sdelay $0x3  }
0x94: {  	_ =	strace s3  }
0x95: {  	s3 =	sld [smem:$0x3FFD];
	_ =	sdelay $0x3  }
0x96: {  	_ =	strace s3  }
0x97: {  	_ =	strace $0x8FFFFFFF  }
0x98: {  	s19 =	sld [smem:$0x3FDB];
	_ =	sdelay $0x1  }
0x99: {  	s4 =	simm.s32 $_scs_section_size  }
0x9a: {  	s5 =	simm.s32 $_size__tile_overlayer_lowered;
	s6 =	simm.s32 $_tile_overlayer_lowered  }
0x9b: {  	s22 =	simm.s32 $0x1BFF;
	s21 =	sshll.u32 s6, $0x1;
	s3 =	sadd.s32 s4, s19  }
0x9c: {  	s7 =	simm.s32 $0x0;
	s20 =	sshll.u32 s5, $0x1;
	s5 =	sadd.s32 s21, s3  }
0x9d: {  	[timem:s7], [sflag:s22] =	dma.local [hbm:s5], s20  }
0x9e: {  	_ =	swait.ge [sflag:s22], s20  }
0x9f: {  	s4 =	ssub.s32 $0x0, s20;
	[sflag:s22] =	ssyncset.done $0x0  }
0xa0: {  	[sflag:s22] =	ssyncadd.s32 s4;
	_ =	sdelay $0x1  }
0xa1: {  	s23 =	simm.s32 $0x1B8B  }
0xa2: {  	_ =	swait.ge [sflag:s23], $0x1  }
0xa3: {  	[sflag:s23] =	ssyncset.done $0x0  }
0xa4: {  	s25 =	simm.s32 $0x1B8E;
	s24 =	sld [smem:$0x3FFE];
	[sflag:s23] =	ssyncadd.s32 $0xFFFFFFFF  }
0xa5: {  	s26 =	simm.s32 $execute0_lowered;
	[smem:$0x3FD2] =	sst s25  }
0xa6: {  	s5 =	sshll.u32 s26, $0x1;
	_ =	strace $0x8000004C;
	[dreg:$0x1] =	wrdreg $0xFFFFFFFF  }
0xa7: {  	s28 =	simm.s32 $_size_execute0_lowered;
	s3 =	sadd.s32 s3, s5;
	[dreg:$0x0] =	wrdreg $0x0  }
0xa8: {  	s5 =	sshll.u32 s28, $0x1;
	[dreg:$0x2] =	wrdreg s3  }
0xa9: {  	[dreg:$0x3] =	wrdreg s5  }
0xaa: {  	[dreg:$0x4] =	wrdreg $0xC0  }
0xab: {  	_ =	task [dreg:s7], $0x5FFFF  }
0xac: {  	[dreg:$0x1] =	wrdreg $0xFFFFFFFF  }
0xad: {  	[dreg:$0x0] =	wrdreg $0x60  }
0xae: {  	[dreg:$0x2] =	wrdreg s24  }
0xaf: {  	[dreg:$0x3] =	wrdreg s2  }
0xb0: {  	[dreg:$0x4] =	wrdreg $0xA8000  }
0xb1: {  	[dreg:$0x5] =	wrdreg $0x9  }
0xb2: {  	_ =	task.clear_ibuf [dreg:s7], $0x6FFFF;
	_ =	strace $0x9000004C  }
0xb3: {  	s29 =	simm.s32 $0x9;
	_ =	strace $0x8000004E  }
0xb4: {  	_ =	swait.ge [sflag:s29], $0x1  }
0xb5: {  	[sflag:s29] =	ssyncadd.s32 $0xFFFFFFFF  }
0xb6: {  	_ =	strace $0x9000004E  }
0xb7: {  	_ =	sfence  }
0xb8: {  	s30 =	sld [smem:$0x0];
	_ =	sdelay $0x2  }
0xb9: {  	s31 =	sshll.u32 s1, $0xD;
	s1 =	sshrl.u32 s1, $0x2  }
0xba: {  	s3 =	sand.u32 $0x4000, s31;
	s1 =	sadd.s32 s1, s30  }
0xbb: {  	s0 =	sor.u32 s3, s0;
	s1 =	sshll.u32 s1, $0x11  }
0xbc: {  	s0 =	sor.u32 s1, s0  }
0xbd: {  	s0 =	sadd.s32 $0x8F2B, s0  }
0xbe: {  	[sflag:s0] =	ssyncadd.remote.s32 $0x1  }
0xbf: {  	_ =	sfence.sel $0xFFFF  }
0xc0: {  	[dreg:$0x0] =	wrdreg $0xFFFFFFFF;
	(pc) =	sbr.abs _section_cstart, $3  }
0xc1: {  	[dreg:$0x1] =	wrdreg $0xFFFFFFFF  }
0xc2: {  	_ =	task.clear_ibuf [dreg:s7], $0x2FFFF;
	_ =	strace $0x9FFFFFFF  }
0xc3: {  	(tm) =	ssettm $0x7FFFFFFF  }
tec
execute0_lowered:
.L_overlay_start_1:
0x0: {  	(tag) =	ssettag $0x1  }
0x1: {  	s5 =	rddreg [dreg:$0x0]  }
0x2: {  	s12 =	rddreg [dreg:$0x1]  }
0x3: {  	s1 =	rddreg [dreg:$0x2];
	s2 =	srdreg.scid  }
0x4: {  	s0 =	rddreg [dreg:$0x3];
	s21 =	sand.u32 $0x1, s2  }
0x5: {  	s3 =	simm.s32 $0x0;
	s2 =	stileid.u32;
	s6 =	smul.u32 $0x13C000, s21  }
0x6: {  	s18 =	simm.s32 $0x2800;
	s19 =	simm.s32 $0x5;
	s7 =	smul.u32 $0x13C00, s2  }
0x7: {  	s20 =	simm.s32 $0x80;
	s22 =	simm.s32 $0x4;
	s10 =	smul.u32 $0x3C00, s2  }
0x8: {  	s23 =	simm.s32 $0x0;
	[smem:$0x7FF] =	sst s3;
	s26 =	smul.u32 $0x1400, s2  }
0x9: {  	s4 =	sadd.s32 $0x16600, s5;
	s13 =	sadd.s32 $0xC600, s5;
	s9 =	smul.u32 $0x28, s2  }
0xa: {  	_ =	strace $0x8000004D;
	s8 =	ssub.s32 $0x2, s21;
	s29 =	smul.u32 $0x4F000, s2  }
0xb: {  	p0 =	seq.s32 s21, $0x0;
	s28 =	sshrl.u32 s8, $0x1;
	s6 =	sadd.s32 s7, s6  }
0xc: {  	s17 =	ssub.s32 s8, s28;
	s11 =	sadd.s32 $0x3C000, s26;
	s14 =	sadd.s32 $0x780, s9  }
0xd: {  	s15 =	sshrl.u32 s10, $0x3;
	s6 =	sshrl.u32 s6, $0x3;
	s11 =	smov.u32 @p0 s10  }
0xe: {  	s31 =	sadd.s32 $0x280, s15;
	s15 =	sadd.s32 s13, s15;
	s17 =	smax.u32 s17, $0x1  }
0xf: {  	s16 =	sadd.s32 s6, s5;
	s5 =	smul.u32 $0x78, s2;
	s11 =	sshrl.u32 s11, $0x3  }
0x10: {  	s6 =	sshrl.u32 s29, $0x2;
	s15 =	sadd.s32 $0x500, s15;
	s10 =	sadd.s32 s12, s11  }
.Ltmp0:
0x11: {  	s12 =	sadd.s32 s12, s31;
	s16 =	sadd.s32 $0x3DE00, s16;
	(pc) =	sbr.rel .LBB2_1-.Ltmp0, $4  }
0x12: {  	s14 =	smov.u32 @p0 s5;
	s5 =	sadd.s32 s6, s1;
	p0 =	sne.s32 s21, $0x0  }
0x13: {  	s21 =	simm.s32 $0x3;
	s6 =	sadd.s32 $0x4000, s5;
	s7 =	sadd.s32 $0x8000, s5  }
0x14: {  	s8 =	sadd.s32 $0xC000, s5;
	s9 =	sadd.s32 $0x10000, s5;
	s30 =	sshll.u32 s14, $0x4  }
0x15: {  	v0 =	vimm.f32 $0.0e+00;
	s14 =	sadd.s32 $0x500, s10;
	s11 =	sadd.s32 s13, s30;
	s13 =	sadd.s32 s13, s31  }
.LBB2_19:
0x16: {  	_ =	swait.ge [sflag:s21], $0x4000  }
0x17: {  	[sflag:s21] =	ssyncset.done $0x0  }
0x18: {  	[sflag:s21] =	ssyncadd.s32 $0xFFFFC000  }
0x19: {  	_ =	swait.ge [sflag:s22], $0x4000  }
0x1a: {  	[sflag:s22] =	ssyncset.done $0x0  }
0x1b: {  	[sflag:s22] =	ssyncadd.s32 $0xFFFFC000  }
.LBB2_20:
0x1c: {  	s23 =	sadd.s32 $0x1, s23  }
0x1d: {  	s24 =	sshll.u32 s2, $0x6;
	[bflag:$0x0] =	sbarrier.arrive $0xFFFF;
	p1 =	sne.s32 s23, s17  }
.Ltmp1:
0x1e: {  	s25 =	sshrl.u32 s5, $0x3;
	s24 =	sor.u32 $0x1C05, s24;
	(pc) =	sbr.rel @!p1 .LBB2_21-.Ltmp1, $4  }
0x1f: {  	[hbm:s16], [sflag:s24] =	dma.local [spmem:s25], $0x2780  }
0x20: {  	_ =	swait.ge [sflag:s19], $0x2780  }
0x21: {  	[sflag:s19] =	ssyncset.done $0x0  }
0x22: {  	[sflag:s19] =	ssyncadd.s32 $0xFFFFD880  }
.LBB2_1:
0x23: {  	s24 =	sand.u32 $0xFE00, s3  }
0x24: {  	s25 =	sand.u32 $0x70, s3;
	s26 =	sshrl.u32 s24, $0x2  }
0x25: {  	s24 =	simm.s32 $0x40;
	s26 =	sor.u32 s25, s26;
	s25 =	simm.s32 $0x0  }
.LBB2_2:
0x26: {  	p1 =	sne.s32 s24, $0xFFC0  }
0x27: {  	[tilespmem:s26+$0x2800] =	vst v0;
	s25 =	sadd.s32 $0x10, s25;
	s26 =	smov.u32 s24;
	s24 =	sadd.s32 $0x40, s24  }
.Ltmp2:
0x28: {  	(pc) =	sbr.rel @p1 .LBB2_2-.Ltmp2, $4  }
0x29: {  	_ = 	snop  }
0x2a: {  	s26 =	sand.u32 $0xFE00, s26  }
0x2b: {  	s28 =	sand.u32 $0x70, s25;
	s26 =	sshrl.u32 s26, $0x2  }
0x2c: {  	s26 =	sor.u32 s28, s26  }
0x2d: {  	[tilespmem:s26+$0x2800] =	vst v0  }
0x2e: {  	[spmem:s5] =	stream.linear.scatter [tilespmem:s18], [sflag:$0x5], $0x4000, $0x38;
	[tilespmem:$0x1E400] =	vst v63  }
0x2f: {  	_ =	swait.ge [sflag:s19], $0x4000  }
0x30: {  	[sflag:s19] =	ssyncset.done $0x0  }
0x31: {  	[sflag:s19] =	ssyncadd.s32 $0xFFFFC000  }
0x32: {  	[spmem:s6] =	stream.linear.scatter [tilespmem:s18], [sflag:$0x5], $0x4000, $0x38;
	[tilespmem:$0x1E400] =	vst v63  }
0x33: {  	_ =	swait.ge [sflag:s19], $0x4000  }
0x34: {  	[sflag:s19] =	ssyncset.done $0x0  }
0x35: {  	[sflag:s19] =	ssyncadd.s32 $0xFFFFC000  }
0x36: {  	[spmem:s7] =	stream.linear.scatter [tilespmem:s18], [sflag:$0x5], $0x4000, $0x38;
	[tilespmem:$0x1E400] =	vst v63  }
0x37: {  	_ =	swait.ge [sflag:s19], $0x4000  }
0x38: {  	[sflag:s19] =	ssyncset.done $0x0  }
0x39: {  	[sflag:s19] =	ssyncadd.s32 $0xFFFFC000  }
0x3a: {  	[spmem:s8] =	stream.linear.scatter [tilespmem:s18], [sflag:$0x5], $0x4000, $0x38;
	[tilespmem:$0x1E400] =	vst v63  }
0x3b: {  	_ =	swait.ge [sflag:s19], $0x4000  }
0x3c: {  	[sflag:s19] =	ssyncset.done $0x0  }
0x3d: {  	[sflag:s19] =	ssyncadd.s32 $0xFFFFC000  }
0x3e: {  	[spmem:s9] =	stream.linear.scatter [tilespmem:s18], [sflag:$0x5], $0x3C00, $0x38;
	[tilespmem:$0x1E400] =	vst v63  }
0x3f: {  	_ =	swait.ge [sflag:s19], $0x3C00  }
0x40: {  	[sflag:s19] =	ssyncset.done $0x0  }
0x41: {  	[sflag:s19] =	ssyncadd.s32 $0xFFFFC400  }
0x42: {  	s24 =	simm.s32 $0x0;
	[bflag:$0x0] =	sbarrier.arrive $0xFFFF  }
0x43: {  	[tilespmem:s24], [sflag:$0x5] =	stream.linear.gather [hbm4b:s10+s24], $0x1400, $0x38;
	[tilespmem:$0x1E400] =	vst v63  }
0x44: {  	_ =	swait.ge [sflag:s19], $0x1400  }
0x45: {  	[sflag:s19] =	ssyncset.done $0x0  }
0x46: {  	s25 =	simm.s32 $0x1400;
	[sflag:s19] =	ssyncadd.s32 $0xFFFFEC00  }
0x47: {  	[tilespmem:s25], [sflag:$0x5] =	stream.linear.gather [hbm4b:s11+s24], $0x1400, $0x38;
	[tilespmem:$0x1E400] =	vst v63  }
.Ltmp3:
0x48: {  	_ = 	snop;
	(pc) =	sbr.rel .LBB2_4-.Ltmp3, $4  }
0x49: {  	_ =	swait.ge [sflag:s19], $0x1400  }
0x4a: {  	[sflag:s19] =	ssyncset.done $0x0  }
0x4b: {  	s26 =	simm.s32 $0x80;
	[sflag:s19] =	ssyncadd.s32 $0xFFFFEC00  }
0x4c: {  	[tilespmem:s18], [sflag:$0x1] =	stream.indirect.gather [hbm4b:s4+s26], $0x80, s24, s26, $0xb8;
	[tilespmem:$0x1E400] =	vst v63  }
.LBB2_7:
0x4d: {  	s24 =	sadd.s32 $0x1, s24  }
0x4e: {  	p1 =	sne.s32 s24, $0x28  }
.Ltmp4:
0x4f: {  	_ = 	snop;
	(pc) =	sbr.rel @!p1 .LBB2_8-.Ltmp4, $4  }
0x50: {  	s28 =	sshll.u32 s29, $0xE  }
0x51: {  	s31 =	sadd.s32 $0x1, s29;
	s28 =	sor.u32 $0x2800, s28  }
0x52: {  	[tilespmem:s28], [sflag:s31] =	stream.indirect.gather [hbm4b:s4+s20], $0x80, s26, s20, $0xb8;
	[tilespmem:$0x1E400] =	vst v63  }
0x53: {  	s25 =	sadd.s32 $0x80, s25;
	s26 =	sadd.s32 $0x80, s26  }
.LBB2_4:
0x54: {  	s28 =	sand.u32 $0x1, s24  }
0x55: {  	p1 =	seq.s32 s24, $0x0;
	s29 =	sadd.s32 $0x1, s28  }
.Ltmp5:
0x56: {  	_ =	swait.ge [sflag:s29], $0x4000;
	(pc) =	sbr.rel @p1 .LBB2_7-.Ltmp5, $4  }
0x57: {  	s30 =	sshll.u32 s28, $0xE;
	[sflag:s29] =	ssyncset.done $0x0  }
0x58: {  	s30 =	sor.u32 $0x2800, s30;
	[sflag:s29] =	ssyncadd.s32 $0xFFFFC000;
	s29 =	sadd.s32 $0x3, s28  }
0x59: {  	[spmem:s1] =	stream.indirect.scatter.add.f32 [tilespmem:s30], [sflag:s29], $0x80, s25, s20, $0xb8;
	[tilespmem:$0x1E400] =	vst v63  }
0x5a: {  	s29 =	simm.s32 $0x1  }
0x5b: {  	p1 =	seq.s32 s24, $0x27  }
.Ltmp6:
0x5c: {  	_ = 	snop;
	(pc) =	sbr.rel @p1 .LBB2_8-.Ltmp6, $1  }
0x5d: {  	_ =	sdelay $0x3  }
.Ltmp7:
0x5e: {  	s29 =	sxor.u32 $0x1, s28;
	(pc) =	sbr.rel .LBB2_7-.Ltmp7, $4  }
0x5f: {  	s28 =	sadd.s32 $0x3, s29  }
0x60: {  	_ =	swait.ge [sflag:s28], $0x4000  }
0x61: {  	[sflag:s28] =	ssyncset.done $0x0  }
0x62: {  	[sflag:s28] =	ssyncadd.s32 $0xFFFFC000  }
.LBB2_8:
0x63: {  	_ =	swait.ge [sflag:s21], $0x4000  }
.Ltmp8:
0x64: {  	[sflag:s21] =	ssyncset.done $0x0;
	(pc) =	sbr.rel @p0 .LBB2_20-.Ltmp8, $4  }
0x65: {  	[sflag:s21] =	ssyncadd.s32 $0xFFFFC000  }
0x66: {  	_ =	swait.ge [sflag:s22], $0x4000  }
0x67: {  	[sflag:s22] =	ssyncset.done $0x0  }
0x68: {  	[sflag:s22] =	ssyncadd.s32 $0xFFFFC000  }
0x69: {  	s24 =	simm.s32 $0x0  }
0x6a: {  	[tilespmem:s24], [sflag:$0x5] =	stream.linear.gather [hbm4b:s12+s24], $0x1400, $0x38;
	[tilespmem:$0x1E400] =	vst v63  }
0x6b: {  	_ =	swait.ge [sflag:s19], $0x1400  }
0x6c: {  	[sflag:s19] =	ssyncset.done $0x0  }
0x6d: {  	s25 =	simm.s32 $0x1400;
	[sflag:s19] =	ssyncadd.s32 $0xFFFFEC00  }
0x6e: {  	[tilespmem:s25], [sflag:$0x5] =	stream.linear.gather [hbm4b:s13+s24], $0x1400, $0x38;
	[tilespmem:$0x1E400] =	vst v63  }
.Ltmp9:
0x6f: {  	_ = 	snop;
	(pc) =	sbr.rel .LBB2_10-.Ltmp9, $4  }
0x70: {  	_ =	swait.ge [sflag:s19], $0x1400  }
0x71: {  	[sflag:s19] =	ssyncset.done $0x0  }
0x72: {  	s26 =	simm.s32 $0x80;
	[sflag:s19] =	ssyncadd.s32 $0xFFFFEC00  }
0x73: {  	[tilespmem:s18], [sflag:$0x1] =	stream.indirect.gather [hbm4b:s4+s26], $0x80, s24, s26, $0xb8;
	[tilespmem:$0x1E400] =	vst v63  }
.LBB2_13:
0x74: {  	s24 =	sadd.s32 $0x1, s24  }
0x75: {  	p1 =	sne.s32 s24, $0x28  }
.Ltmp10:
0x76: {  	_ = 	snop;
	(pc) =	sbr.rel @!p1 .LBB2_14-.Ltmp10, $4  }
0x77: {  	s28 =	sshll.u32 s29, $0xE  }
0x78: {  	s31 =	sadd.s32 $0x1, s29;
	s28 =	sor.u32 $0x2800, s28  }
0x79: {  	[tilespmem:s28], [sflag:s31] =	stream.indirect.gather [hbm4b:s4+s20], $0x80, s26, s20, $0xb8;
	[tilespmem:$0x1E400] =	vst v63  }
0x7a: {  	s25 =	sadd.s32 $0x80, s25;
	s26 =	sadd.s32 $0x80, s26  }
.LBB2_10:
0x7b: {  	s28 =	sand.u32 $0x1, s24  }
0x7c: {  	p1 =	seq.s32 s24, $0x0;
	s29 =	sadd.s32 $0x1, s28  }
.Ltmp11:
0x7d: {  	_ =	swait.ge [sflag:s29], $0x4000;
	(pc) =	sbr.rel @p1 .LBB2_13-.Ltmp11, $4  }
0x7e: {  	s30 =	sshll.u32 s28, $0xE;
	[sflag:s29] =	ssyncset.done $0x0  }
0x7f: {  	s30 =	sor.u32 $0x2800, s30;
	[sflag:s29] =	ssyncadd.s32 $0xFFFFC000;
	s29 =	sadd.s32 $0x3, s28  }
0x80: {  	[spmem:s1] =	stream.indirect.scatter.add.f32 [tilespmem:s30], [sflag:s29], $0x80, s25, s20, $0xb8;
	[tilespmem:$0x1E400] =	vst v63  }
0x81: {  	s29 =	simm.s32 $0x1  }
0x82: {  	p1 =	seq.s32 s24, $0x27  }
.Ltmp12:
0x83: {  	_ = 	snop;
	(pc) =	sbr.rel @p1 .LBB2_14-.Ltmp12, $1  }
0x84: {  	_ =	sdelay $0x3  }
.Ltmp13:
0x85: {  	s29 =	sxor.u32 $0x1, s28;
	(pc) =	sbr.rel .LBB2_13-.Ltmp13, $4  }
0x86: {  	s28 =	sadd.s32 $0x3, s29  }
0x87: {  	_ =	swait.ge [sflag:s28], $0x4000  }
0x88: {  	[sflag:s28] =	ssyncset.done $0x0  }
0x89: {  	[sflag:s28] =	ssyncadd.s32 $0xFFFFC000  }
.LBB2_14:
0x8a: {  	_ =	swait.ge [sflag:s21], $0x4000  }
0x8b: {  	[sflag:s21] =	ssyncset.done $0x0  }
0x8c: {  	[sflag:s21] =	ssyncadd.s32 $0xFFFFC000  }
0x8d: {  	_ =	swait.ge [sflag:s22], $0x4000  }
0x8e: {  	[sflag:s22] =	ssyncset.done $0x0  }
0x8f: {  	s24 =	simm.s32 $0x0;
	[sflag:s22] =	ssyncadd.s32 $0xFFFFC000  }
0x90: {  	[tilespmem:s24], [sflag:$0x5] =	stream.linear.gather [hbm4b:s14+s24], $0x1400, $0x38;
	[tilespmem:$0x1E400] =	vst v63  }
0x91: {  	_ =	swait.ge [sflag:s19], $0x1400  }
0x92: {  	[sflag:s19] =	ssyncset.done $0x0  }
0x93: {  	s25 =	simm.s32 $0x1400;
	[sflag:s19] =	ssyncadd.s32 $0xFFFFEC00  }
0x94: {  	[tilespmem:s25], [sflag:$0x5] =	stream.linear.gather [hbm4b:s15+s24], $0x1400, $0x38;
	[tilespmem:$0x1E400] =	vst v63  }
.Ltmp14:
0x95: {  	_ = 	snop;
	(pc) =	sbr.rel .LBB2_15-.Ltmp14, $4  }
0x96: {  	_ =	swait.ge [sflag:s19], $0x1400  }
0x97: {  	[sflag:s19] =	ssyncset.done $0x0  }
0x98: {  	s26 =	simm.s32 $0x80;
	[sflag:s19] =	ssyncadd.s32 $0xFFFFEC00  }
0x99: {  	[tilespmem:s18], [sflag:$0x1] =	stream.indirect.gather [hbm4b:s4+s26], $0x80, s24, s26, $0xb8;
	[tilespmem:$0x1E400] =	vst v63  }
.LBB2_18:
0x9a: {  	s24 =	sadd.s32 $0x1, s24  }
0x9b: {  	p1 =	sne.s32 s24, $0x28  }
.Ltmp15:
0x9c: {  	_ = 	snop;
	(pc) =	sbr.rel @!p1 .LBB2_19-.Ltmp15, $4  }
0x9d: {  	s28 =	sshll.u32 s29, $0xE  }
0x9e: {  	s31 =	sadd.s32 $0x1, s29;
	s28 =	sor.u32 $0x2800, s28  }
0x9f: {  	[tilespmem:s28], [sflag:s31] =	stream.indirect.gather [hbm4b:s4+s20], $0x80, s26, s20, $0xb8;
	[tilespmem:$0x1E400] =	vst v63  }
0xa0: {  	s25 =	sadd.s32 $0x80, s25;
	s26 =	sadd.s32 $0x80, s26  }
.LBB2_15:
0xa1: {  	s28 =	sand.u32 $0x1, s24  }
0xa2: {  	p1 =	seq.s32 s24, $0x0;
	s29 =	sadd.s32 $0x1, s28  }
.Ltmp16:
0xa3: {  	_ =	swait.ge [sflag:s29], $0x4000;
	(pc) =	sbr.rel @p1 .LBB2_18-.Ltmp16, $4  }
0xa4: {  	s30 =	sshll.u32 s28, $0xE;
	[sflag:s29] =	ssyncset.done $0x0  }
0xa5: {  	s30 =	sor.u32 $0x2800, s30;
	[sflag:s29] =	ssyncadd.s32 $0xFFFFC000;
	s29 =	sadd.s32 $0x3, s28  }
0xa6: {  	[spmem:s1] =	stream.indirect.scatter.add.f32 [tilespmem:s30], [sflag:s29], $0x80, s25, s20, $0xb8;
	[tilespmem:$0x1E400] =	vst v63  }
0xa7: {  	s29 =	simm.s32 $0x1  }
0xa8: {  	p1 =	seq.s32 s24, $0x27  }
.Ltmp17:
0xa9: {  	_ = 	snop;
	(pc) =	sbr.rel @p1 .LBB2_19-.Ltmp17, $1  }
0xaa: {  	_ =	sdelay $0x3  }
.Ltmp18:
0xab: {  	s29 =	sxor.u32 $0x1, s28;
	(pc) =	sbr.rel .LBB2_18-.Ltmp18, $4  }
0xac: {  	s28 =	sadd.s32 $0x3, s29  }
0xad: {  	_ =	swait.ge [sflag:s28], $0x4000  }
0xae: {  	[sflag:s28] =	ssyncset.done $0x0  }
0xaf: {  	[sflag:s28] =	ssyncadd.s32 $0xFFFFC000  }
.LBB2_21:
0xb0: {  	_ =	sfence.sel $0x180000  }
0xb1: {  	[bflag:$0x0] =	sbarrier.arrive $0xFFFF  }
0xb2: {  	p0 =	sne.s32 s2, $0x0;
	_ =	strace $0x9000004D  }
0xb3: {  	s0 =	sadd.s32 @!p0 $0x100000, s0;
	[bflag:$0x2] =	sbarrier.arrive $0xFFFF  }
0xb4: {  	[sflag:s0] =	ssyncadd.tile.s32 @!p0 $0x1;
	_ =	shalt  }
.Lfunc_end2:
_tile_overlayer_lowered:
.L_overlay_start_2:
0xb5: {  	(tag) =	ssettag $0x2  }
0xb6: {  	s0 =	rddreg [dreg:$0x0];
	s2 =	stileid.u32  }
0xb7: {  	s1 =	rddreg [dreg:$0x1];
	p0 =	sne.s32 s2, $0x0  }
0xb8: {  	s3 =	rddreg [dreg:$0x2];
	[bflag:$0x3] =	sbarrier.arrive $0xFFFF;
	s2 =	simm.s32 @!p0 $0x1C05  }
0xb9: {  	[timem:s3], [sflag:s2] =	dma.local @!p0 [hbm:s0], s1  }
0xba: {  	s0 =	simm.s32 @!p0 $0x5  }
0xbb: {  	_ =	swait.ge @!p0 [sflag:s0], s1  }
0xbc: {  	s1 =	ssub.s32 @!p0 $0x0, s1;
	[sflag:s0] =	ssyncset.done @!p0 $0x0  }
0xbd: {  	[sflag:s0] =	ssyncadd.s32 @!p0 s1  }
0xbe: {  	[bflag:$0x3] =	sbarrier.arrive $0xFFFF  }
0xbf: {  	_ =	shalt  }

// kernel: kernel.9.cloned.1.call-start
scs
__scs_entry_jumppad:
0x0: {  	(pc) =	sbr.rel $0x88, $3  }
0x1: {  	(tag) =	ssettag $0x0;
	lr =	simm.s32 $0x1  }
0x2: {  	[smem:$0x3F9B] =	sst lr;
	_ =	strace $0xD0000000  }
0x3: {  	_ = 	snop  }
0x4: {  	_ = 	snop  }
0x5: {  	_ = 	snop  }
0x6: {  	_ = 	snop  }
0x7: {  	_ = 	snop  }
__scs_overlays_trampoline_lowered:
0x8: {  	[smem:$0x3FAA] =	sst s0  }
0x9: {  	[smem:$0x3FAB] =	sst s1  }
0xa: {  	[smem:$0x3FAC] =	sst s2  }
0xb: {  	[smem:$0x3FAD] =	sst s3  }
0xc: {  	[smem:$0x3FAE] =	sst s4  }
0xd: {  	[smem:$0x3FAF] =	sst s5  }
0xe: {  	[smem:$0x3FB0] =	sst s6  }
0xf: {  	[smem:$0x3FB1] =	sst s7  }
0x10: {  	[smem:$0x3FB2] =	sst s8  }
0x11: {  	[smem:$0x3FB3] =	sst s9;
	s0 =	simm.s32 @!p0 $0x0  }
0x12: {  	s1 =	sld [smem:$0x3F99];
	s0 =	simm.s32 @p0 $0x1  }
0x13: {  	[smem:$0x3FB4] =	sst s0;
	s0 =	simm.s32 @!p1 $0x0  }
0x14: {  	s2 =	sld [smem:$0x3F98];
	s0 =	simm.s32 @p1 $0x1  }
0x15: {  	[smem:$0x3FB5] =	sst s0;
	s0 =	simm.s32 @!p2 $0x0  }
0x16: {  	s3 =	sld [smem:$0x3FDB];
	s0 =	simm.s32 @p2 $0x1  }
0x17: {  	s4 =	simm.s32 $0x1BF5;
	[smem:$0x3FB7] =	sst s0  }
0x18: {  	s0 =	sld [smem:$0x3F9A];
	_ =	swait.ge [sflag:s4], $0x0  }
0x19: {  	s7 =	sld [smem:$0x3F9B]  }
0x1a: {  	s8 =	sadd.s32 $0xFFFFE003, lr  }
0x1b: {  	s9 =	sadd.s32 $0xFFFFFEF7, lr;
	s5 =	simm.s32 $0xFFFFFFFF;
	p2 =	slt.u32 s8, $0xFFFFF086  }
0x1c: {  	p1 =	slt.u32 s9, $0xF7A;
	s5 =	simm.s32 @!p2 $0x0  }
0x1d: {  	s5 =	simm.s32 @p1 $0x1;
	p0 =	seq.s32 s7, s2  }
0x1e: {  	s7 =	smul.u32 @!p0 $0xF7A, s2;
	p2 =	seq.s32 @!p0 s5, $0x0  }
0x1f: {  	s9 =	smul.u32 $0xF7A, s1;
	s8 =	simm.s32 @!p0 $0x1BF5;
	p2 =	por !p2, p0  }
0x20: {  	[sflag:s8] =	ssyncset.s32 @!p0 $0xFFFFF086;
	s6 =	sadd.s32 @!p0 s3, s7;
	s7 =	simm.s32 @!p0 $0x108  }
0x21: {  	s3 =	sadd.s32 s3, s9;
	s6 =	sadd.s32 @!p0 $0x88, s6;
	s7 =	simm.s32 @p2 $0x1082  }
0x22: {  	[simem:s7], [sflag:s8] =	dma.local @!p0 [hbm:s6], $0xF7A  }
0x23: {  	s9 =	sor.u32 $0xD0000000, s2;
	s6 =	simm.s32 $0x108;
	_ =	swait.ge @!p0 [sflag:s8], $0x0  }
0x24: {  	s3 =	sadd.s32 $0x88, s3;
	s6 =	simm.s32 @!p1 $0x1082;
	[sflag:s4] =	ssyncset.s32 $0xFFFFF086  }
0x25: {  	[simem:s6], [sflag:s4] =	dma.local [hbm:s3], $0xF7A  }
0x26: {  	[smem:$0x3F9B] =	sst s1;
	(tag) =	ssettag s2;
	_ =	strace s9  }
0x27: {  	s1 =	sld [smem:$0x3FAB]  }
0x28: {  	s2 =	sld [smem:$0x3FAC]  }
0x29: {  	s4 =	sld [smem:$0x3FAE]  }
0x2a: {  	p0 =	seq.s32 s5, $0x0;
	s5 =	sld [smem:$0x3FAF]  }
0x2b: {  	s6 =	sld [smem:$0x3FB0]  }
0x2c: {  	s7 =	sld [smem:$0x3FB1]  }
0x2d: {  	s3 =	simm.s32 $0x108;
	s8 =	sld [smem:$0x3FB2]  }
0x2e: {  	s3 =	simm.s32 @!p0 $0x1082;
	s9 =	sld [smem:$0x3FB3]  }
0x2f: {  	lr =	sadd.s32 s0, s3;
	s0 =	sld [smem:$0x3FAA]  }
0x30: {  	s3 =	sld [smem:$0x3FAD]  }
0x31: {  	[smem:$0x3FB6] =	sst s10  }
0x32: {  	s10 =	sld [smem:$0x3FB4];
	_ =	sdelay $0x3  }
0x33: {  	p0 =	seq.s32 s10, $0x1;
	s10 =	sld [smem:$0x3FB6];
	_ =	sdelay $0x3  }
0x34: {  	[smem:$0x3FB6] =	sst s10  }
0x35: {  	s10 =	sld [smem:$0x3FB5];
	_ =	sdelay $0x3  }
0x36: {  	p1 =	seq.s32 s10, $0x1;
	s10 =	sld [smem:$0x3FB6];
	_ =	sdelay $0x3  }
0x37: {  	[smem:$0x3FB6] =	sst s10  }
0x38: {  	s10 =	sld [smem:$0x3FB7]  }
0x39: {  	_ = 	snop;
	(pc) =	sbr.ind lr, $3  }
0x3a: {  	_ = 	snop  }
0x3b: {  	_ = 	snop  }
0x3c: {  	p2 =	seq.s32 s10, $0x1;
	s10 =	sld [smem:$0x3FB6]  }
0x3d: {  	_ =	shalt  }
0x3e: {  	_ =	shalt  }
0x3f: {  	_ =	shalt  }
0x40: {  	_ =	shalt  }
0x41: {  	_ =	shalt  }
0x42: {  	_ =	shalt  }
0x43: {  	_ =	shalt  }
0x44: {  	_ =	shalt  }
0x45: {  	_ =	shalt  }
0x46: {  	_ =	shalt  }
0x47: {  	_ =	shalt  }
0x48: {  	_ =	shalt  }
0x49: {  	_ =	shalt  }
0x4a: {  	_ =	shalt  }
0x4b: {  	_ =	shalt  }
0x4c: {  	_ =	shalt  }
0x4d: {  	_ =	shalt  }
0x4e: {  	_ =	shalt  }
0x4f: {  	_ =	shalt  }
0x50: {  	_ =	shalt  }
0x51: {  	_ =	shalt  }
0x52: {  	_ =	shalt  }
0x53: {  	_ =	shalt  }
0x54: {  	_ =	shalt  }
0x55: {  	_ =	shalt  }
0x56: {  	_ =	shalt  }
0x57: {  	_ =	shalt  }
0x58: {  	_ =	shalt  }
0x59: {  	_ =	shalt  }
0x5a: {  	_ =	shalt  }
0x5b: {  	_ =	shalt  }
0x5c: {  	_ =	shalt  }
0x5d: {  	_ =	shalt  }
0x5e: {  	_ =	shalt  }
0x5f: {  	_ =	shalt  }
0x60: {  	_ =	shalt  }
0x61: {  	_ =	shalt  }
0x62: {  	_ =	shalt  }
0x63: {  	_ =	shalt  }
0x64: {  	_ =	shalt  }
0x65: {  	_ =	shalt  }
0x66: {  	_ =	shalt  }
0x67: {  	_ =	shalt  }
0x68: {  	_ =	shalt  }
0x69: {  	_ =	shalt  }
0x6a: {  	_ =	shalt  }
0x6b: {  	_ =	shalt  }
0x6c: {  	_ =	shalt  }
0x6d: {  	_ =	shalt  }
0x6e: {  	_ =	shalt  }
0x6f: {  	_ =	shalt  }
0x70: {  	_ =	shalt  }
0x71: {  	_ =	shalt  }
0x72: {  	_ =	shalt  }
0x73: {  	_ =	shalt  }
0x74: {  	_ =	shalt  }
0x75: {  	_ =	shalt  }
0x76: {  	_ =	shalt  }
0x77: {  	_ =	shalt  }
0x78: {  	_ =	shalt  }
0x79: {  	_ =	shalt  }
0x7a: {  	_ =	shalt  }
0x7b: {  	_ =	shalt  }
0x7c: {  	_ =	shalt  }
0x7d: {  	_ =	shalt  }
0x7e: {  	_ =	shalt  }
0x7f: {  	_ =	shalt  }
0x80: {  	_ =	shalt  }
0x81: {  	_ =	shalt  }
0x82: {  	_ =	shalt  }
0x83: {  	_ =	shalt  }
0x84: {  	_ =	shalt  }
0x85: {  	_ =	shalt  }
0x86: {  	_ =	shalt  }
0x87: {  	_ =	shalt  }
.Lfunc_end0:
.L_simem_size_0:
called_computation_lowered:
.L_overlay_start_0:
0x88: {  	s2 =	sld [smem:$0x3FD9]  }
0x89: {  	s3 =	sld [smem:$0x3FFE];
	_ =	sdelay $0x1  }
0x8a: {  	s1 =	srdreg.scid  }
0x8b: {  	s0 =	sand.u32 $0x1, s1  }
0x8c: {  	s17 =	sshll.u32 s0, $0xA;
	s2 =	sadd.s32 s3, s2  }
0x8d: {  	s2 =	sadd.s32 s2, s17  }
0x8e: {  	[smem:$0x3FC2] =	sst s2  }
0x8f: {  	_ = 	snop  }
0x90: {  	s2 =	sld [smem:$0x3FD0];
	(tm) =	ssettm $0x1  }
0x91: {  	s18 =	sld [smem:$0x3FFB];
	_ =	sdelay $0x3  }
0x92: {  	_ =	strace s18  }
0x93: {  	s3 =	sld [smem:$0x3FFC];
	_ =	sdelay $0x3  }
0x94: {  	_ =	strace s3  }
0x95: {  	s3 =	sld [smem:$0x3FFD];
	_ =	sdelay $0x3  }
0x96: {  	_ =	strace s3  }
0x97: {  	_ =	strace $0x8FFFFFFF  }
0x98: {  	s19 =	sld [smem:$0x3FDB];
	_ =	sdelay $0x1  }
0x99: {  	s4 =	simm.s32 $_scs_section_size  }
0x9a: {  	s5 =	simm.s32 $_size__tile_overlayer_lowered;
	s6 =	simm.s32 $_tile_overlayer_lowered  }
0x9b: {  	s22 =	simm.s32 $0x1BFF;
	s21 =	sshll.u32 s6, $0x1;
	s3 =	sadd.s32 s4, s19  }
0x9c: {  	s7 =	simm.s32 $0x0;
	s20 =	sshll.u32 s5, $0x1;
	s5 =	sadd.s32 s21, s3  }
0x9d: {  	[timem:s7], [sflag:s22] =	dma.local [hbm:s5], s20  }
0x9e: {  	_ =	swait.ge [sflag:s22], s20  }
0x9f: {  	s4 =	ssub.s32 $0x0, s20;
	[sflag:s22] =	ssyncset.done $0x0  }
0xa0: {  	[sflag:s22] =	ssyncadd.s32 s4;
	_ =	sdelay $0x1  }
0xa1: {  	s23 =	simm.s32 $0x1B8B  }
0xa2: {  	_ =	swait.ge [sflag:s23], $0x1  }
0xa3: {  	[sflag:s23] =	ssyncset.done $0x0  }
0xa4: {  	s25 =	simm.s32 $0x1B8E;
	s24 =	sld [smem:$0x3FFE];
	[sflag:s23] =	ssyncadd.s32 $0xFFFFFFFF  }
0xa5: {  	s26 =	simm.s32 $execute0_lowered;
	[smem:$0x3FD2] =	sst s25  }
0xa6: {  	s5 =	sshll.u32 s26, $0x1;
	_ =	strace $0x80000046;
	[dreg:$0x1] =	wrdreg $0xFFFFFFFF  }
0xa7: {  	s28 =	simm.s32 $_size_execute0_lowered;
	s3 =	sadd.s32 s3, s5;
	[dreg:$0x0] =	wrdreg $0x0  }
0xa8: {  	s5 =	sshll.u32 s28, $0x1;
	[dreg:$0x2] =	wrdreg s3  }
0xa9: {  	[dreg:$0x3] =	wrdreg s5  }
0xaa: {  	[dreg:$0x4] =	wrdreg $0xC0  }
0xab: {  	_ =	task [dreg:s7], $0x5FFFF  }
0xac: {  	[dreg:$0x1] =	wrdreg $0xFFFFFFFF  }
0xad: {  	[dreg:$0x0] =	wrdreg $0x60  }
0xae: {  	[dreg:$0x2] =	wrdreg s2  }
0xaf: {  	[dreg:$0x3] =	wrdreg s24  }
0xb0: {  	[dreg:$0x4] =	wrdreg $0x9  }
0xb1: {  	_ =	task.clear_ibuf [dreg:s7], $0x5FFFF;
	_ =	strace $0x90000046  }
0xb2: {  	s29 =	simm.s32 $0x9;
	_ =	strace $0x80000048  }
0xb3: {  	_ =	swait.ge [sflag:s29], $0x1  }
0xb4: {  	[sflag:s29] =	ssyncadd.s32 $0xFFFFFFFF  }
0xb5: {  	_ =	strace $0x90000048  }
0xb6: {  	_ =	sfence  }
0xb7: {  	s30 =	sld [smem:$0x0];
	_ =	sdelay $0x2  }
0xb8: {  	s31 =	sshll.u32 s1, $0xD;
	s1 =	sshrl.u32 s1, $0x2  }
0xb9: {  	s3 =	sand.u32 $0x4000, s31;
	s1 =	sadd.s32 s1, s30  }
0xba: {  	s0 =	sor.u32 s3, s0;
	s1 =	sshll.u32 s1, $0x11  }
0xbb: {  	s0 =	sor.u32 s1, s0  }
0xbc: {  	s0 =	sadd.s32 $0x8F2B, s0  }
0xbd: {  	[sflag:s0] =	ssyncadd.remote.s32 $0x1  }
0xbe: {  	_ =	sfence.sel $0xFFFF  }
0xbf: {  	[dreg:$0x0] =	wrdreg $0xFFFFFFFF;
	(pc) =	sbr.abs _section_cstart, $3  }
0xc0: {  	[dreg:$0x1] =	wrdreg $0xFFFFFFFF  }
0xc1: {  	_ =	task.clear_ibuf [dreg:s7], $0x2FFFF;
	_ =	strace $0x9FFFFFFF  }
0xc2: {  	(tm) =	ssettm $0x7FFFFFFF  }
0xc3: {  	_ =	shalt  }
tec
execute0_lowered:
.L_overlay_start_1:
0x0: {  	(tag) =	ssettag $0x1  }
0x1: {  	s1 =	srdreg.scid;
	s4 =	rddreg [dreg:$0x0]  }
0x2: {  	s0 =	stileid.u32;
	s6 =	rddreg [dreg:$0x1]  }
0x3: {  	s2 =	simm.s32 $0x0;
	s9 =	simm.s32 $0x2800;
	s10 =	simm.s32 $0x5000  }
0x4: {  	s11 =	simm.s32 $0x7780;
	s3 =	sand.u32 $0x1, s1;
	s28 =	sshll.u32 s0, $0x1  }
0x5: {  	s12 =	simm.s32 $0x80;
	s29 =	sshrl.u32 s0, $0x2;
	s5 =	sor.u32 s3, s28  }
0x6: {  	s1 =	rddreg [dreg:$0x2];
	s7 =	smul.u32 $0x13C00, s29;
	s8 =	sshll.u32 s5, $0x7  }
0x7: {  	s13 =	simm.s32 $0x400;
	[smem:$0x7FF] =	sst s2;
	s8 =	sand.u32 $0x380, s8  }
0x8: {  	s3 =	ssub.s32 $0x2, s3;
	s5 =	smul.u32 $0x500, s5;
	s7 =	sor.u32 s7, s8  }
0x9: {  	_ =	strace $0x80000047;
	s31 =	sshrl.u32 s3, $0x1;
	s7 =	sshrl.u32 s7, $0x3  }
0xa: {  	s30 =	sadd.s32 s5, s6;
	s8 =	simm.s32 $0x1;
	s6 =	sadd.s32 s7, s6  }
0xb: {  	s7 =	ssub.s32 s3, s31;
	s3 =	sadd.s32 s4, s5;
	s4 =	sadd.s32 $0x2600, s30  }
0xc: {  	v0 =	vimm.f32 $0.0e+00;
	v1 =	vimm.f32 $1.000000000e+00;
	s5 =	sadd.s32 $0x16600, s6;
	s6 =	sadd.s32 $0x20400, s6;
	s7 =	smax.u32 s7, $0x1  }
.LBB2_1:
0xd: {  	s14 =	simm.s32 $0x40;
	s15 =	simm.s32 $0x0  }
.LBB2_2:
0xe: {  	p0 =	sne.s32 s14, $0x9DC0;
	[tilespmem:s15+$0x5000] =	vst v0;
	s16 =	smov.u32 s14;
	s14 =	sadd.s32 $0x40, s14  }
.Ltmp0:
0xf: {  	[tilespmem:s15+$0x7780] =	vst v0;
	(pc) =	sbr.rel @p0 .LBB2_2-.Ltmp0, $2  }
0x10: {  	_ =	sdelay $0x2  }
0x11: {  	s15 =	sshra.s32 s16, $0x2  }
0x12: {  	[tilespmem:s15+$0x5000] =	vst v0  }
0x13: {  	[tilespmem:s15+$0x7780] =	vst v0;
	s14 =	simm.s32 $0x0  }
0x14: {  	[tilespmem:s14], [sflag:$0x1] =	stream.linear.gather [hbm4b:s3+s14], $0x2800, $0x38;
	[tilespmem:$0x9F00] =	vst v63  }
0x15: {  	_ =	swait.ge [sflag:s8], $0x2800  }
0x16: {  	[sflag:s8] =	ssyncset.done $0x0  }
0x17: {  	[sflag:s8] =	ssyncadd.s32 $0xFFFFD800  }
0x18: {  	[tilespmem:s9], [sflag:$0x1] =	stream.linear.gather [hbm4b:s4+s14], $0x2800, $0x38;
	[tilespmem:$0x9F00] =	vst v63  }
0x19: {  	_ =	swait.ge [sflag:s8], $0x2800  }
0x1a: {  	[sflag:s8] =	ssyncset.done $0x0  }
0x1b: {  	s15 =	simm.s32 $0x0;
	s14 =	simm.s32 $0x40;
	[sflag:s8] =	ssyncadd.s32 $0xFFFFD800  }
.LBB2_4:
0x1c: {  	p0 =	sne.s32 s14, $0x9FC0;
	v2 =	vld [tilespmem:s15+$0x0];
	_ =	sdelay $0x7  }
0x1d: {  	[tilespmem:v2+s10+$0x0] =	vst.idx.add.f32.msk $0xffff, v1  }
0x1e: {  	v2 =	vld [tilespmem:s15+$0x2800];
	_ =	sdelay $0x3  }
.Ltmp1:
0x1f: {  	(pc) =	sbr.rel @p0 .LBB2_4-.Ltmp1, $2  }
0x20: {  	_ =	sdelay $0x2  }
0x21: {  	s15 =	sshra.s32 s14, $0x2;
	s14 =	sadd.s32 $0x40, s14;
	[tilespmem:v2+s11+$0x0] =	vst.idx.add.f32.msk $0xffff, v1  }
0x22: {  	v2 =	vld [tilespmem:s15+$0x0];
	_ =	sdelay $0x7  }
0x23: {  	[tilespmem:v2+s10+$0x0] =	vst.idx.add.f32.msk $0xffff, v1  }
0x24: {  	v2 =	vld [tilespmem:s15+$0x2800];
	_ =	sdelay $0x7  }
0x25: {  	[tilespmem:v2+s11+$0x0] =	vst.idx.add.f32.msk $0xffff, v1  }
0x26: {  	[hbm4b:s5+s12] =	stream.strided.scatter [tilespmem:s10], [sflag:$0x1], $0x2780, s13, s12, $0x38;
	[tilespmem:$0x9F00] =	vst v63  }
0x27: {  	s2 =	sadd.s32 $0x1, s2;
	_ =	swait.ge [sflag:s8], $0x2780  }
0x28: {  	p0 =	sne.s32 s2, s7;
	[sflag:s8] =	ssyncset.done $0x0  }
.Ltmp2:
0x29: {  	[sflag:s8] =	ssyncadd.s32 $0xFFFFD880;
	(pc) =	sbr.rel @p0 .LBB2_1-.Ltmp2, $4  }
0x2a: {  	[hbm4b:s6+s12] =	stream.strided.scatter [tilespmem:s11], [sflag:$0x1], $0x2780, s13, s12, $0x38;
	[tilespmem:$0x9F00] =	vst v63  }
0x2b: {  	_ =	swait.ge [sflag:s8], $0x2780  }
0x2c: {  	[sflag:s8] =	ssyncset.done $0x0  }
0x2d: {  	[sflag:s8] =	ssyncadd.s32 $0xFFFFD880  }
0x2e: {  	_ =	sfence.sel $0x180000  }
0x2f: {  	[bflag:$0x0] =	sbarrier.arrive $0xFFFF  }
0x30: {  	p0 =	sne.s32 s0, $0x0;
	_ =	strace $0x90000047  }
0x31: {  	s0 =	sadd.s32 @!p0 $0x100000, s1;
	[bflag:$0x2] =	sbarrier.arrive $0xFFFF  }
0x32: {  	[sflag:s0] =	ssyncadd.tile.s32 @!p0 $0x1;
	_ =	shalt  }
.Lfunc_end2:
_tile_overlayer_lowered:
.L_overlay_start_2:
0x33: {  	(tag) =	ssettag $0x2  }
0x34: {  	s0 =	rddreg [dreg:$0x0];
	s2 =	stileid.u32  }
0x35: {  	s1 =	rddreg [dreg:$0x1];
	p0 =	sne.s32 s2, $0x0  }
0x36: {  	s3 =	rddreg [dreg:$0x2];
	[bflag:$0x3] =	sbarrier.arrive $0xFFFF;
	s2 =	simm.s32 @!p0 $0x1C01  }
0x37: {  	[timem:s3], [sflag:s2] =	dma.local @!p0 [hbm:s0], s1  }
0x38: {  	s0 =	simm.s32 @!p0 $0x1  }
0x39: {  	_ =	swait.ge @!p0 [sflag:s0], s1  }
0x3a: {  	s1 =	ssub.s32 @!p0 $0x0, s1;
	[sflag:s0] =	ssyncset.done @!p0 $0x0  }
0x3b: {  	[sflag:s0] =	ssyncadd.s32 @!p0 s1  }
0x3c: {  	[bflag:$0x3] =	sbarrier.arrive $0xFFFF  }
0x3d: {  	_ =	shalt  }

</sc_bundles>
